<compile_context>
chip_gen: v7x
topology: tpu7x:2x2x1
jax: 0.10.2.dev20260603
libtpu: 0.0.44.dev20260713+nightly
codegen_flags: <defaults>
</compile_context>

<pallas_src>
import functools

import jax
import jax.numpy as jnp
from jax import lax
from jax.experimental import pallas as pl
from jax.experimental.pallas import tpu as pltpu
from jax.experimental.pallas import tpu_sc as plsc

_NC = 2
_NS = 16
_NW = _NC * _NS
_L = 16
_SG = 8
_BG = _NW // _SG


def _sc_body(row_hbm, col_hbm, out_hbm, row_v, col_v, chunk_v, sem, sem2,
             *, b, h, w, d):
    gr = d // _L
    ti = h // _SG
    bn = b // _BG

    cid = lax.axis_index("c")
    sid = lax.axis_index("s")
    wid = sid * _NC + cid
    sg = wid % _SG
    bg = wid // _SG
    i0 = sg * ti
    b0 = bg * bn

    stage_row = pltpu.async_copy(row_hbm.at[pl.ds(0, h)], row_v, sem2)
    stage_col = pltpu.async_copy(col_hbm.at[pl.ds(0, w)], col_v, sem2)
    stage_row.wait()
    stage_col.wait()

    descs = []
    for r in range(ti):
        rvals = [row_v[i0 + r, pl.ds(cg * _L, _L)] for cg in range(gr)]

        def body(j, _, r=r, rvals=rvals):
            for cg in range(gr):
                chunk_v[r, j, pl.ds(cg * _L, _L)] = (
                    col_v[j, pl.ds(cg * _L, _L)])
            for cg in range(gr):
                chunk_v[r, j, pl.ds(d + cg * _L, _L)] = rvals[cg]
            return 0

        lax.fori_loop(0, w, body, 0)
        descs.extend(
            pltpu.async_copy(chunk_v.at[r], out_hbm.at[b0 + k, i0 + r], sem)
            for k in range(bn))
    for dsc in descs:
        dsc.wait()


def kernel(x, row_weight, col_weight):
    b = x.shape[0]
    h, w = x.shape[-2], x.shape[-1]
    d = row_weight.shape[1]

    mesh = plsc.VectorSubcoreMesh(core_axis_name="c", subcore_axis_name="s")
    body = functools.partial(_sc_body, b=b, h=h, w=w, d=d)
    run = pl.kernel(
        body,
        out_type=jax.ShapeDtypeStruct((b, h, w, 2 * d), jnp.float32),
        mesh=mesh,
        scratch_types=[
            pltpu.VMEM((h, d), jnp.float32),
            pltpu.VMEM((w, d), jnp.float32),
            pltpu.VMEM((h // _SG, w, 2 * d), jnp.float32),
            pltpu.SemaphoreType.DMA,
            pltpu.SemaphoreType.DMA,
        ],
        compiler_params=pltpu.CompilerParams(needs_layout_passes=False),
    )
    out = run(row_weight, col_weight)
    return out.transpose(0, 3, 1, 2)

# --- scband reference (transcript-rebuilt; emitter-appended) ---
"""Pipeline reference for scband-position-embedding-learned-13640816132598 (READ-ONLY COPY).

The authoritative reference and input builder live on the scoring server;
editing this copy changes nothing except your own understanding.
"""

import jax, jax.numpy as jnp
import numpy as np


def setup_inputs(seed: int = 0) -> dict:
    key = jax.random.key(seed)
    k1, k2, k3 = jax.random.split(key, 3)
    x = jax.random.normal(k1, (32, 384, 24, 24), dtype=jnp.float32)
    row_weight = jax.random.uniform(k2, (50, 256), dtype=jnp.float32)
    col_weight = jax.random.uniform(k3, (50, 256), dtype=jnp.float32)
    return {"x": x, "row_weight": row_weight, "col_weight": col_weight}


def reference(x, row_weight, col_weight):
    b = x.shape[0]
    h, w = x.shape[-2], x.shape[-1]
    i = jnp.arange(w)
    j = jnp.arange(h)
    x_embedding = jnp.take(col_weight, i, axis=0)  # [w, d]
    y_embedding = jnp.take(row_weight, j, axis=0)  # [h, d]
    x_embedding = jnp.tile(x_embedding[None, :, :], (h, 1, 1))  # [h, w, d]
    y_embedding = jnp.tile(y_embedding[:, None, :], (1, w, 1))  # [h, w, d]
    pos = jnp.concatenate([x_embedding, y_embedding], axis=-1)  # [h, w, 2d]
    pos = jnp.transpose(pos, (2, 0, 1))  # [2d, h, w]
    pos = jnp.tile(pos[None, :, :, :], (b, 1, 1, 1))  # [b, 2d, h, w]
    return pos

if __name__ == "__main__":
    import jax
    _d = setup_inputs()
    print(jax.jit(kernel)(*tuple(_d.values())))

</pallas_src>

<mosaic_0001>
#map = affine_map<(d0, d1) -> (0, 0)>
#map1 = affine_map<(d0, d1) -> (0, 0, 0, 0)>
module attributes {stable_mosaic.version = 14 : i64} {
  func.func @_sc_body(%arg0: i32, %arg1: i32, %arg2: memref<50x256xf32, #tpu.memory_space<hbm>>, %arg3: memref<50x256xf32, #tpu.memory_space<hbm>>, %arg4: memref<32x24x24x512xf32, #tpu.memory_space<hbm>>, %arg5: memref<24x256xf32, #tpu.memory_space<vmem>>, %arg6: memref<24x256xf32, #tpu.memory_space<vmem>>, %arg7: memref<3x24x512xf32, #tpu.memory_space<vmem>>, %arg8: memref<!tpu.dma_semaphore, #tpu.memory_space<semaphore_mem>>, %arg9: memref<!tpu.dma_semaphore, #tpu.memory_space<semaphore_mem>>) attributes {dimension_semantics = [#tpu.dimension_semantics<core_parallel>, #tpu.dimension_semantics<subcore_parallel>], iteration_bounds = array<i64: 2, 16>, scalar_prefetch = 0 : i64, scratch_operands = 5 : i64, tpu.core_type = #tpu.core_type<sc_vector_subcore>, window_params = [{transform_indices = #map}, {transform_indices = #map}, {transform_indices = #map1}]} {
    %mul3A = arith.constant 2 : i32
    %mul3A_0 = arith.muli %arg1, %mul3A : i32
    %add3A = arith.addi %mul3A_0, %arg0 : i32
    %jit3A = arith.constant 8 : i32
    %eq3A = arith.constant 0 : i32
    %eq3A_1 = arith.cmpi eq, %jit3A, %eq3A : i32
    %jit3A_2 = arith.constant 1 : i32
    %select_n3A = arith.select %eq3A_1, %jit3A_2, %jit3A : i32
    %rem3A = arith.remsi %add3A, %select_n3A : i32
    %ne3A = arith.constant 0 : i32
    %ne3A_3 = arith.cmpi ne, %rem3A, %ne3A : i32
    %lt3A = arith.constant 0 : i32
    %lt3A_4 = arith.cmpi slt, %rem3A, %lt3A : i32
    %lt3A_5 = arith.constant 0 : i32
    %lt3A_6 = arith.cmpi slt, %select_n3A, %lt3A_5 : i32
    %ne3A_7 = arith.xori %lt3A_4, %lt3A_6 : i1
    %and3A = arith.andi %ne3A_7, %ne3A_3 : i1
    %add3A_8 = arith.addi %rem3A, %select_n3A : i32
    %select_n3A_9 = arith.select %and3A, %add3A_8, %rem3A : i32
    %jit3A_10 = arith.constant 8 : i32
    %div3A = arith.divsi %add3A, %jit3A_10 : i32
    %sign3A = arith.constant 0 : i32
    %sign3A_11 = arith.cmpi sgt, %add3A, %sign3A : i32
    %sign3A_12 = arith.extui %sign3A_11 : i1 to i32
    %sign3A_13 = arith.constant 0 : i32
    %sign3A_14 = arith.cmpi slt, %add3A, %sign3A_13 : i32
    %sign3A_15 = arith.extui %sign3A_14 : i1 to i32
    %sign3A_16 = arith.subi %sign3A_12, %sign3A_15 : i32
    %sign3A_17 = arith.constant 0 : i32
    %sign3A_18 = arith.cmpi sgt, %jit3A_10, %sign3A_17 : i32
    %sign3A_19 = arith.extui %sign3A_18 : i1 to i32
    %sign3A_20 = arith.constant 0 : i32
    %sign3A_21 = arith.cmpi slt, %jit3A_10, %sign3A_20 : i32
    %sign3A_22 = arith.extui %sign3A_21 : i1 to i32
    %sign3A_23 = arith.subi %sign3A_19, %sign3A_22 : i32
    %ne3A_24 = arith.cmpi ne, %sign3A_16, %sign3A_23 : i32
    %rem3A_25 = arith.remsi %add3A, %jit3A_10 : i32
    %ne3A_26 = arith.constant 0 : i32
    %ne3A_27 = arith.cmpi ne, %rem3A_25, %ne3A_26 : i32
    %and3A_28 = arith.andi %ne3A_24, %ne3A_27 : i1
    %sub3A = arith.constant 1 : i32
    %sub3A_29 = arith.subi %div3A, %sub3A : i32
    %select_n3A_30 = arith.select %and3A_28, %sub3A_29, %div3A : i32
    %mul3A_31 = arith.constant 3 : i32
    %mul3A_32 = arith.muli %select_n3A_9, %mul3A_31 : i32
    %mul3A_33 = arith.constant 8 : i32
    %mul3A_34 = arith.muli %select_n3A_30, %mul3A_33 : i32
    %dma_start3A = arith.constant 0 : i32
    %dma_start3A_35 = arith.constant 0 : i32
    %dma_start3A_36 = tpu.memref_slice %arg2[%dma_start3A, %dma_start3A_35] : memref<50x256xf32, #tpu.memory_space<hbm>> -> memref<24x256xf32, #tpu.memory_space<hbm>>
    %dma_start3A_37 = arith.constant 0 : i32
    %dma_start3A_38 = arith.constant 0 : i32
    %dma_start3A_39 = tpu.memref_slice %arg2[%dma_start3A_37, %dma_start3A_38] : memref<50x256xf32, #tpu.memory_space<hbm>> -> memref<24x256xf32, #tpu.memory_space<hbm>>
    tpu.enqueue_dma source(%dma_start3A_39 : memref<24x256xf32, #tpu.memory_space<hbm>>) target(%arg5 : memref<24x256xf32, #tpu.memory_space<vmem>>) target_semaphore(%arg9 : memref<!tpu.dma_semaphore, #tpu.memory_space<semaphore_mem>>)
    %dma_start3A_40 = arith.constant 0 : i32
    %dma_start3A_41 = arith.constant 0 : i32
    %dma_start3A_42 = tpu.memref_slice %arg3[%dma_start3A_40, %dma_start3A_41] : memref<50x256xf32, #tpu.memory_space<hbm>> -> memref<24x256xf32, #tpu.memory_space<hbm>>
    %dma_start3A_43 = arith.constant 0 : i32
    %dma_start3A_44 = arith.constant 0 : i32
    %dma_start3A_45 = tpu.memref_slice %arg3[%dma_start3A_43, %dma_start3A_44] : memref<50x256xf32, #tpu.memory_space<hbm>> -> memref<24x256xf32, #tpu.memory_space<hbm>>
    tpu.enqueue_dma source(%dma_start3A_45 : memref<24x256xf32, #tpu.memory_space<hbm>>) target(%arg6 : memref<24x256xf32, #tpu.memory_space<vmem>>) target_semaphore(%arg9 : memref<!tpu.dma_semaphore, #tpu.memory_space<semaphore_mem>>)
    %dma_wait3A = arith.constant 0 : i32
    %dma_wait3A_46 = arith.constant 0 : i32
    %dma_wait3A_47 = tpu.memref_slice %arg2[%dma_wait3A, %dma_wait3A_46] : memref<50x256xf32, #tpu.memory_space<hbm>> -> memref<24x256xf32, #tpu.memory_space<hbm>>
    %dma_wait3A_48 = arith.constant 0 : i32
    %dma_wait3A_49 = arith.constant 0 : i32
    %dma_wait3A_50 = tpu.memref_slice %arg2[%dma_wait3A_48, %dma_wait3A_49] : memref<50x256xf32, #tpu.memory_space<hbm>> -> memref<24x256xf32, #tpu.memory_space<hbm>>
    tpu.wait_dma2 semaphore(%arg9 : memref<!tpu.dma_semaphore, #tpu.memory_space<semaphore_mem>>) src(%dma_wait3A_50 : memref<24x256xf32, #tpu.memory_space<hbm>>) dst(%arg5 : memref<24x256xf32, #tpu.memory_space<vmem>>)
    %dma_wait3A_51 = arith.constant 0 : i32
    %dma_wait3A_52 = arith.constant 0 : i32
    %dma_wait3A_53 = tpu.memref_slice %arg3[%dma_wait3A_51, %dma_wait3A_52] : memref<50x256xf32, #tpu.memory_space<hbm>> -> memref<24x256xf32, #tpu.memory_space<hbm>>
    %dma_wait3A_54 = arith.constant 0 : i32
    %dma_wait3A_55 = arith.constant 0 : i32
    %dma_wait3A_56 = tpu.memref_slice %arg3[%dma_wait3A_54, %dma_wait3A_55] : memref<50x256xf32, #tpu.memory_space<hbm>> -> memref<24x256xf32, #tpu.memory_space<hbm>>
    tpu.wait_dma2 semaphore(%arg9 : memref<!tpu.dma_semaphore, #tpu.memory_space<semaphore_mem>>) src(%dma_wait3A_56 : memref<24x256xf32, #tpu.memory_space<hbm>>) dst(%arg6 : memref<24x256xf32, #tpu.memory_space<vmem>>)
    %add3A_57 = arith.constant 0 : i32
    %add3A_58 = arith.addi %mul3A_32, %add3A_57 : i32
    %get3A = arith.index_cast %add3A_58 : i32 to index
    %get3A_59 = arith.constant 0 : index
    %get3A_60 = tpu.vector_load %arg5[%get3A, %get3A_59] {strides = array<i32>} : memref<24x256xf32, #tpu.memory_space<vmem>>, vector<16xf32>,
    %add3A_61 = arith.constant 0 : i32
    %add3A_62 = arith.addi %mul3A_32, %add3A_61 : i32
    %get3A_63 = arith.index_cast %add3A_62 : i32 to index
    %get3A_64 = arith.constant 16 : index
    %get3A_65 = tpu.vector_load %arg5[%get3A_63, %get3A_64] {strides = array<i32>} : memref<24x256xf32, #tpu.memory_space<vmem>>, vector<16xf32>,
    %add3A_66 = arith.constant 0 : i32
    %add3A_67 = arith.addi %mul3A_32, %add3A_66 : i32
    %get3A_68 = arith.index_cast %add3A_67 : i32 to index
    %get3A_69 = arith.constant 32 : index
    %get3A_70 = tpu.vector_load %arg5[%get3A_68, %get3A_69] {strides = array<i32>} : memref<24x256xf32, #tpu.memory_space<vmem>>, vector<16xf32>,
    %add3A_71 = arith.constant 0 : i32
    %add3A_72 = arith.addi %mul3A_32, %add3A_71 : i32
    %get3A_73 = arith.index_cast %add3A_72 : i32 to index
    %get3A_74 = arith.constant 48 : index
    %get3A_75 = tpu.vector_load %arg5[%get3A_73, %get3A_74] {strides = array<i32>} : memref<24x256xf32, #tpu.memory_space<vmem>>, vector<16xf32>,
    %add3A_76 = arith.constant 0 : i32
    %add3A_77 = arith.addi %mul3A_32, %add3A_76 : i32
    %get3A_78 = arith.index_cast %add3A_77 : i32 to index
    %get3A_79 = arith.constant 64 : index
    %get3A_80 = tpu.vector_load %arg5[%get3A_78, %get3A_79] {strides = array<i32>} : memref<24x256xf32, #tpu.memory_space<vmem>>, vector<16xf32>,
    %add3A_81 = arith.constant 0 : i32
    %add3A_82 = arith.addi %mul3A_32, %add3A_81 : i32
    %get3A_83 = arith.index_cast %add3A_82 : i32 to index
    %get3A_84 = arith.constant 80 : index
    %get3A_85 = tpu.vector_load %arg5[%get3A_83, %get3A_84] {strides = array<i32>} : memref<24x256xf32, #tpu.memory_space<vmem>>, vector<16xf32>,
    %add3A_86 = arith.constant 0 : i32
    %add3A_87 = arith.addi %mul3A_32, %add3A_86 : i32
    %get3A_88 = arith.index_cast %add3A_87 : i32 to index
    %get3A_89 = arith.constant 96 : index
    %get3A_90 = tpu.vector_load %arg5[%get3A_88, %get3A_89] {strides = array<i32>} : memref<24x256xf32, #tpu.memory_space<vmem>>, vector<16xf32>,
    %add3A_91 = arith.constant 0 : i32
    %add3A_92 = arith.addi %mul3A_32, %add3A_91 : i32
    %get3A_93 = arith.index_cast %add3A_92 : i32 to index
    %get3A_94 = arith.constant 112 : index
    %get3A_95 = tpu.vector_load %arg5[%get3A_93, %get3A_94] {strides = array<i32>} : memref<24x256xf32, #tpu.memory_space<vmem>>, vector<16xf32>,
    %add3A_96 = arith.constant 0 : i32
    %add3A_97 = arith.addi %mul3A_32, %add3A_96 : i32
    %get3A_98 = arith.index_cast %add3A_97 : i32 to index
    %get3A_99 = arith.constant 128 : index
    %get3A_100 = tpu.vector_load %arg5[%get3A_98, %get3A_99] {strides = array<i32>} : memref<24x256xf32, #tpu.memory_space<vmem>>, vector<16xf32>,
    %add3A_101 = arith.constant 0 : i32
    %add3A_102 = arith.addi %mul3A_32, %add3A_101 : i32
    %get3A_103 = arith.index_cast %add3A_102 : i32 to index
    %get3A_104 = arith.constant 144 : index
    %get3A_105 = tpu.vector_load %arg5[%get3A_103, %get3A_104] {strides = array<i32>} : memref<24x256xf32, #tpu.memory_space<vmem>>, vector<16xf32>,
    %add3A_106 = arith.constant 0 : i32
    %add3A_107 = arith.addi %mul3A_32, %add3A_106 : i32
    %get3A_108 = arith.index_cast %add3A_107 : i32 to index
    %get3A_109 = arith.constant 160 : index
    %get3A_110 = tpu.vector_load %arg5[%get3A_108, %get3A_109] {strides = array<i32>} : memref<24x256xf32, #tpu.memory_space<vmem>>, vector<16xf32>,
    %add3A_111 = arith.constant 0 : i32
    %add3A_112 = arith.addi %mul3A_32, %add3A_111 : i32
    %get3A_113 = arith.index_cast %add3A_112 : i32 to index
    %get3A_114 = arith.constant 176 : index
    %get3A_115 = tpu.vector_load %arg5[%get3A_113, %get3A_114] {strides = array<i32>} : memref<24x256xf32, #tpu.memory_space<vmem>>, vector<16xf32>,
    %add3A_116 = arith.constant 0 : i32
    %add3A_117 = arith.addi %mul3A_32, %add3A_116 : i32
    %get3A_118 = arith.index_cast %add3A_117 : i32 to index
    %get3A_119 = arith.constant 192 : index
    %get3A_120 = tpu.vector_load %arg5[%get3A_118, %get3A_119] {strides = array<i32>} : memref<24x256xf32, #tpu.memory_space<vmem>>, vector<16xf32>,
    %add3A_121 = arith.constant 0 : i32
    %add3A_122 = arith.addi %mul3A_32, %add3A_121 : i32
    %get3A_123 = arith.index_cast %add3A_122 : i32 to index
    %get3A_124 = arith.constant 208 : index
    %get3A_125 = tpu.vector_load %arg5[%get3A_123, %get3A_124] {strides = array<i32>} : memref<24x256xf32, #tpu.memory_space<vmem>>, vector<16xf32>,
    %add3A_126 = arith.constant 0 : i32
    %add3A_127 = arith.addi %mul3A_32, %add3A_126 : i32
    %get3A_128 = arith.index_cast %add3A_127 : i32 to index
    %get3A_129 = arith.constant 224 : index
    %get3A_130 = tpu.vector_load %arg5[%get3A_128, %get3A_129] {strides = array<i32>} : memref<24x256xf32, #tpu.memory_space<vmem>>, vector<16xf32>,
    %add3A_131 = arith.constant 0 : i32
    %add3A_132 = arith.addi %mul3A_32, %add3A_131 : i32
    %get3A_133 = arith.index_cast %add3A_132 : i32 to index
    %get3A_134 = arith.constant 240 : index
    %get3A_135 = tpu.vector_load %arg5[%get3A_133, %get3A_134] {strides = array<i32>} : memref<24x256xf32, #tpu.memory_space<vmem>>, vector<16xf32>,
    %scan3A = arith.constant 0 : i32
    %scan3A_136 = arith.constant 0 : i32
    %scan3A_137 = arith.constant 24 : i32
    %scan3A_138 = arith.addi %scan3A_136, %scan3A_137 : i32
    %scan3A_139 = arith.constant 1 : i32
    %scan3A_140 = scf.for %scan3A_1228 = %scan3A_136 to %scan3A_138 step %scan3A_139 iter_args(%scan3A_1229 = %scan3A) -> (i32)  : i32 {
      %get3A_1230 = arith.index_cast %scan3A_1228 : i32 to index
      %get3A_1231 = arith.constant 0 : index
      %get3A_1232 = tpu.vector_load %arg6[%get3A_1230, %get3A_1231] {strides = array<i32>} : memref<24x256xf32, #tpu.memory_space<vmem>>, vector<16xf32>,
      %swap3A = arith.constant 0 : i32
      %swap3A_1233 = arith.index_cast %swap3A : i32 to index
      %swap3A_1234 = arith.index_cast %scan3A_1228 : i32 to index
      %swap3A_1235 = arith.constant 0 : index
      %swap3A_1236 = tpu.vector_load %arg7[%swap3A_1233, %swap3A_1234, %swap3A_1235] {strides = array<i32>} : memref<3x24x512xf32, #tpu.memory_space<vmem>>, vector<16xf32>,
      tpu.vector_store %arg7[%swap3A_1233, %swap3A_1234, %swap3A_1235], %get3A_1232 {strides = array<i32>} : memref<3x24x512xf32, #tpu.memory_space<vmem>>, vector<16xf32>,
      %get3A_1237 = arith.index_cast %scan3A_1228 : i32 to index
      %get3A_1238 = arith.constant 16 : index
      %get3A_1239 = tpu.vector_load %arg6[%get3A_1237, %get3A_1238] {strides = array<i32>} : memref<24x256xf32, #tpu.memory_space<vmem>>, vector<16xf32>,
      %swap3A_1240 = arith.constant 0 : i32
      %swap3A_1241 = arith.index_cast %swap3A_1240 : i32 to index
      %swap3A_1242 = arith.index_cast %scan3A_1228 : i32 to index
      %swap3A_1243 = arith.constant 16 : index
      %swap3A_1244 = tpu.vector_load %arg7[%swap3A_1241, %swap3A_1242, %swap3A_1243] {strides = array<i32>} : memref<3x24x512xf32, #tpu.memory_space<vmem>>, vector<16xf32>,
      tpu.vector_store %arg7[%swap3A_1241, %swap3A_1242, %swap3A_1243], %get3A_1239 {strides = array<i32>} : memref<3x24x512xf32, #tpu.memory_space<vmem>>, vector<16xf32>,
      %get3A_1245 = arith.index_cast %scan3A_1228 : i32 to index
      %get3A_1246 = arith.constant 32 : index
      %get3A_1247 = tpu.vector_load %arg6[%get3A_1245, %get3A_1246] {strides = array<i32>} : memref<24x256xf32, #tpu.memory_space<vmem>>, vector<16xf32>,
      %swap3A_1248 = arith.constant 0 : i32
      %swap3A_1249 = arith.index_cast %swap3A_1248 : i32 to index
      %swap3A_1250 = arith.index_cast %scan3A_1228 : i32 to index
      %swap3A_1251 = arith.constant 32 : index
      %swap3A_1252 = tpu.vector_load %arg7[%swap3A_1249, %swap3A_1250, %swap3A_1251] {strides = array<i32>} : memref<3x24x512xf32, #tpu.memory_space<vmem>>, vector<16xf32>,
      tpu.vector_store %arg7[%swap3A_1249, %swap3A_1250, %swap3A_1251], %get3A_1247 {strides = array<i32>} : memref<3x24x512xf32, #tpu.memory_space<vmem>>, vector<16xf32>,
      %get3A_1253 = arith.index_cast %scan3A_1228 : i32 to index
      %get3A_1254 = arith.constant 48 : index
      %get3A_1255 = tpu.vector_load %arg6[%get3A_1253, %get3A_1254] {strides = array<i32>} : memref<24x256xf32, #tpu.memory_space<vmem>>, vector<16xf32>,
      %swap3A_1256 = arith.constant 0 : i32
      %swap3A_1257 = arith.index_cast %swap3A_1256 : i32 to index
      %swap3A_1258 = arith.index_cast %scan3A_1228 : i32 to index
      %swap3A_1259 = arith.constant 48 : index
      %swap3A_1260 = tpu.vector_load %arg7[%swap3A_1257, %swap3A_1258, %swap3A_1259] {strides = array<i32>} : memref<3x24x512xf32, #tpu.memory_space<vmem>>, vector<16xf32>,
      tpu.vector_store %arg7[%swap3A_1257, %swap3A_1258, %swap3A_1259], %get3A_1255 {strides = array<i32>} : memref<3x24x512xf32, #tpu.memory_space<vmem>>, vector<16xf32>,
      %get3A_1261 = arith.index_cast %scan3A_1228 : i32 to index
      %get3A_1262 = arith.constant 64 : index
      %get3A_1263 = tpu.vector_load %arg6[%get3A_1261, %get3A_1262] {strides = array<i32>} : memref<24x256xf32, #tpu.memory_space<vmem>>, vector<16xf32>,
      %swap3A_1264 = arith.constant 0 : i32
      %swap3A_1265 = arith.index_cast %swap3A_1264 : i32 to index
      %swap3A_1266 = arith.index_cast %scan3A_1228 : i32 to index
      %swap3A_1267 = arith.constant 64 : index
      %swap3A_1268 = tpu.vector_load %arg7[%swap3A_1265, %swap3A_1266, %swap3A_1267] {strides = array<i32>} : memref<3x24x512xf32, #tpu.memory_space<vmem>>, vector<16xf32>,
      tpu.vector_store %arg7[%swap3A_1265, %swap3A_1266, %swap3A_1267], %get3A_1263 {strides = array<i32>} : memref<3x24x512xf32, #tpu.memory_space<vmem>>, vector<16xf32>,
      %get3A_1269 = arith.index_cast %scan3A_1228 : i32 to index
      %get3A_1270 = arith.constant 80 : index
      %get3A_1271 = tpu.vector_load %arg6[%get3A_1269, %get3A_1270] {strides = array<i32>} : memref<24x256xf32, #tpu.memory_space<vmem>>, vector<16xf32>,
      %swap3A_1272 = arith.constant 0 : i32
      %swap3A_1273 = arith.index_cast %swap3A_1272 : i32 to index
      %swap3A_1274 = arith.index_cast %scan3A_1228 : i32 to index
      %swap3A_1275 = arith.constant 80 : index
      %swap3A_1276 = tpu.vector_load %arg7[%swap3A_1273, %swap3A_1274, %swap3A_1275] {strides = array<i32>} : memref<3x24x512xf32, #tpu.memory_space<vmem>>, vector<16xf32>,
      tpu.vector_store %arg7[%swap3A_1273, %swap3A_1274, %swap3A_1275], %get3A_1271 {strides = array<i32>} : memref<3x24x512xf32, #tpu.memory_space<vmem>>, vector<16xf32>,
      %get3A_1277 = arith.index_cast %scan3A_1228 : i32 to index
      %get3A_1278 = arith.constant 96 : index
      %get3A_1279 = tpu.vector_load %arg6[%get3A_1277, %get3A_1278] {strides = array<i32>} : memref<24x256xf32, #tpu.memory_space<vmem>>, vector<16xf32>,
      %swap3A_1280 = arith.constant 0 : i32
      %swap3A_1281 = arith.index_cast %swap3A_1280 : i32 to index
      %swap3A_1282 = arith.index_cast %scan3A_1228 : i32 to index
      %swap3A_1283 = arith.constant 96 : index
      %swap3A_1284 = tpu.vector_load %arg7[%swap3A_1281, %swap3A_1282, %swap3A_1283] {strides = array<i32>} : memref<3x24x512xf32, #tpu.memory_space<vmem>>, vector<16xf32>,
      tpu.vector_store %arg7[%swap3A_1281, %swap3A_1282, %swap3A_1283], %get3A_1279 {strides = array<i32>} : memref<3x24x512xf32, #tpu.memory_space<vmem>>, vector<16xf32>,
      %get3A_1285 = arith.index_cast %scan3A_1228 : i32 to index
      %get3A_1286 = arith.constant 112 : index
      %get3A_1287 = tpu.vector_load %arg6[%get3A_1285, %get3A_1286] {strides = array<i32>} : memref<24x256xf32, #tpu.memory_space<vmem>>, vector<16xf32>,
      %swap3A_1288 = arith.constant 0 : i32
      %swap3A_1289 = arith.index_cast %swap3A_1288 : i32 to index
      %swap3A_1290 = arith.index_cast %scan3A_1228 : i32 to index
      %swap3A_1291 = arith.constant 112 : index
      %swap3A_1292 = tpu.vector_load %arg7[%swap3A_1289, %swap3A_1290, %swap3A_1291] {strides = array<i32>} : memref<3x24x512xf32, #tpu.memory_space<vmem>>, vector<16xf32>,
      tpu.vector_store %arg7[%swap3A_1289, %swap3A_1290, %swap3A_1291], %get3A_1287 {strides = array<i32>} : memref<3x24x512xf32, #tpu.memory_space<vmem>>, vector<16xf32>,
      %get3A_1293 = arith.index_cast %scan3A_1228 : i32 to index
      %get3A_1294 = arith.constant 128 : index
      %get3A_1295 = tpu.vector_load %arg6[%get3A_1293, %get3A_1294] {strides = array<i32>} : memref<24x256xf32, #tpu.memory_space<vmem>>, vector<16xf32>,
      %swap3A_1296 = arith.constant 0 : i32
      %swap3A_1297 = arith.index_cast %swap3A_1296 : i32 to index
      %swap3A_1298 = arith.index_cast %scan3A_1228 : i32 to index
      %swap3A_1299 = arith.constant 128 : index
      %swap3A_1300 = tpu.vector_load %arg7[%swap3A_1297, %swap3A_1298, %swap3A_1299] {strides = array<i32>} : memref<3x24x512xf32, #tpu.memory_space<vmem>>, vector<16xf32>,
      tpu.vector_store %arg7[%swap3A_1297, %swap3A_1298, %swap3A_1299], %get3A_1295 {strides = array<i32>} : memref<3x24x512xf32, #tpu.memory_space<vmem>>, vector<16xf32>,
      %get3A_1301 = arith.index_cast %scan3A_1228 : i32 to index
      %get3A_1302 = arith.constant 144 : index
      %get3A_1303 = tpu.vector_load %arg6[%get3A_1301, %get3A_1302] {strides = array<i32>} : memref<24x256xf32, #tpu.memory_space<vmem>>, vector<16xf32>,
      %swap3A_1304 = arith.constant 0 : i32
      %swap3A_1305 = arith.index_cast %swap3A_1304 : i32 to index
      %swap3A_1306 = arith.index_cast %scan3A_1228 : i32 to index
      %swap3A_1307 = arith.constant 144 : index
      %swap3A_1308 = tpu.vector_load %arg7[%swap3A_1305, %swap3A_1306, %swap3A_1307] {strides = array<i32>} : memref<3x24x512xf32, #tpu.memory_space<vmem>>, vector<16xf32>,
      tpu.vector_store %arg7[%swap3A_1305, %swap3A_1306, %swap3A_1307], %get3A_1303 {strides = array<i32>} : memref<3x24x512xf32, #tpu.memory_space<vmem>>, vector<16xf32>,
      %get3A_1309 = arith.index_cast %scan3A_1228 : i32 to index
      %get3A_1310 = arith.constant 160 : index
      %get3A_1311 = tpu.vector_load %arg6[%get3A_1309, %get3A_1310] {strides = array<i32>} : memref<24x256xf32, #tpu.memory_space<vmem>>, vector<16xf32>,
      %swap3A_1312 = arith.constant 0 : i32
      %swap3A_1313 = arith.index_cast %swap3A_1312 : i32 to index
      %swap3A_1314 = arith.index_cast %scan3A_1228 : i32 to index
      %swap3A_1315 = arith.constant 160 : index
      %swap3A_1316 = tpu.vector_load %arg7[%swap3A_1313, %swap3A_1314, %swap3A_1315] {strides = array<i32>} : memref<3x24x512xf32, #tpu.memory_space<vmem>>, vector<16xf32>,
      tpu.vector_store %arg7[%swap3A_1313, %swap3A_1314, %swap3A_1315], %get3A_1311 {strides = array<i32>} : memref<3x24x512xf32, #tpu.memory_space<vmem>>, vector<16xf32>,
      %get3A_1317 = arith.index_cast %scan3A_1228 : i32 to index
      %get3A_1318 = arith.constant 176 : index
      %get3A_1319 = tpu.vector_load %arg6[%get3A_1317, %get3A_1318] {strides = array<i32>} : memref<24x256xf32, #tpu.memory_space<vmem>>, vector<16xf32>,
      %swap3A_1320 = arith.constant 0 : i32
      %swap3A_1321 = arith.index_cast %swap3A_1320 : i32 to index
      %swap3A_1322 = arith.index_cast %scan3A_1228 : i32 to index
      %swap3A_1323 = arith.constant 176 : index
      %swap3A_1324 = tpu.vector_load %arg7[%swap3A_1321, %swap3A_1322, %swap3A_1323] {strides = array<i32>} : memref<3x24x512xf32, #tpu.memory_space<vmem>>, vector<16xf32>,
      tpu.vector_store %arg7[%swap3A_1321, %swap3A_1322, %swap3A_1323], %get3A_1319 {strides = array<i32>} : memref<3x24x512xf32, #tpu.memory_space<vmem>>, vector<16xf32>,
      %get3A_1325 = arith.index_cast %scan3A_1228 : i32 to index
      %get3A_1326 = arith.constant 192 : index
      %get3A_1327 = tpu.vector_load %arg6[%get3A_1325, %get3A_1326] {strides = array<i32>} : memref<24x256xf32, #tpu.memory_space<vmem>>, vector<16xf32>,
      %swap3A_1328 = arith.constant 0 : i32
      %swap3A_1329 = arith.index_cast %swap3A_1328 : i32 to index
      %swap3A_1330 = arith.index_cast %scan3A_1228 : i32 to index
      %swap3A_1331 = arith.constant 192 : index
      %swap3A_1332 = tpu.vector_load %arg7[%swap3A_1329, %swap3A_1330, %swap3A_1331] {strides = array<i32>} : memref<3x24x512xf32, #tpu.memory_space<vmem>>, vector<16xf32>,
      tpu.vector_store %arg7[%swap3A_1329, %swap3A_1330, %swap3A_1331], %get3A_1327 {strides = array<i32>} : memref<3x24x512xf32, #tpu.memory_space<vmem>>, vector<16xf32>,
      %get3A_1333 = arith.index_cast %scan3A_1228 : i32 to index
      %get3A_1334 = arith.constant 208 : index
      %get3A_1335 = tpu.vector_load %arg6[%get3A_1333, %get3A_1334] {strides = array<i32>} : memref<24x256xf32, #tpu.memory_space<vmem>>, vector<16xf32>,
      %swap3A_1336 = arith.constant 0 : i32
      %swap3A_1337 = arith.index_cast %swap3A_1336 : i32 to index
      %swap3A_1338 = arith.index_cast %scan3A_1228 : i32 to index
      %swap3A_1339 = arith.constant 208 : index
      %swap3A_1340 = tpu.vector_load %arg7[%swap3A_1337, %swap3A_1338, %swap3A_1339] {strides = array<i32>} : memref<3x24x512xf32, #tpu.memory_space<vmem>>, vector<16xf32>,
      tpu.vector_store %arg7[%swap3A_1337, %swap3A_1338, %swap3A_1339], %get3A_1335 {strides = array<i32>} : memref<3x24x512xf32, #tpu.memory_space<vmem>>, vector<16xf32>,
      %get3A_1341 = arith.index_cast %scan3A_1228 : i32 to index
      %get3A_1342 = arith.constant 224 : index
      %get3A_1343 = tpu.vector_load %arg6[%get3A_1341, %get3A_1342] {strides = array<i32>} : memref<24x256xf32, #tpu.memory_space<vmem>>, vector<16xf32>,
      %swap3A_1344 = arith.constant 0 : i32
      %swap3A_1345 = arith.index_cast %swap3A_1344 : i32 to index
      %swap3A_1346 = arith.index_cast %scan3A_1228 : i32 to index
      %swap3A_1347 = arith.constant 224 : index
      %swap3A_1348 = tpu.vector_load %arg7[%swap3A_1345, %swap3A_1346, %swap3A_1347] {strides = array<i32>} : memref<3x24x512xf32, #tpu.memory_space<vmem>>, vector<16xf32>,
      tpu.vector_store %arg7[%swap3A_1345, %swap3A_1346, %swap3A_1347], %get3A_1343 {strides = array<i32>} : memref<3x24x512xf32, #tpu.memory_space<vmem>>, vector<16xf32>,
      %get3A_1349 = arith.index_cast %scan3A_1228 : i32 to index
      %get3A_1350 = arith.constant 240 : index
      %get3A_1351 = tpu.vector_load %arg6[%get3A_1349, %get3A_1350] {strides = array<i32>} : memref<24x256xf32, #tpu.memory_space<vmem>>, vector<16xf32>,
      %swap3A_1352 = arith.constant 0 : i32
      %swap3A_1353 = arith.index_cast %swap3A_1352 : i32 to index
      %swap3A_1354 = arith.index_cast %scan3A_1228 : i32 to index
      %swap3A_1355 = arith.constant 240 : index
      %swap3A_1356 = tpu.vector_load %arg7[%swap3A_1353, %swap3A_1354, %swap3A_1355] {strides = array<i32>} : memref<3x24x512xf32, #tpu.memory_space<vmem>>, vector<16xf32>,
      tpu.vector_store %arg7[%swap3A_1353, %swap3A_1354, %swap3A_1355], %get3A_1351 {strides = array<i32>} : memref<3x24x512xf32, #tpu.memory_space<vmem>>, vector<16xf32>,
      %swap3A_1357 = arith.constant 0 : i32
      %swap3A_1358 = arith.index_cast %swap3A_1357 : i32 to index
      %swap3A_1359 = arith.index_cast %scan3A_1228 : i32 to index
      %swap3A_1360 = arith.constant 256 : index
      %swap3A_1361 = tpu.vector_load %arg7[%swap3A_1358, %swap3A_1359, %swap3A_1360] {strides = array<i32>} : memref<3x24x512xf32, #tpu.memory_space<vmem>>, vector<16xf32>,
      tpu.vector_store %arg7[%swap3A_1358, %swap3A_1359, %swap3A_1360], %get3A_60 {strides = array<i32>} : memref<3x24x512xf32, #tpu.memory_space<vmem>>, vector<16xf32>,
      %swap3A_1362 = arith.constant 0 : i32
      %swap3A_1363 = arith.index_cast %swap3A_1362 : i32 to index
      %swap3A_1364 = arith.index_cast %scan3A_1228 : i32 to index
      %swap3A_1365 = arith.constant 272 : index
      %swap3A_1366 = tpu.vector_load %arg7[%swap3A_1363, %swap3A_1364, %swap3A_1365] {strides = array<i32>} : memref<3x24x512xf32, #tpu.memory_space<vmem>>, vector<16xf32>,
      tpu.vector_store %arg7[%swap3A_1363, %swap3A_1364, %swap3A_1365], %get3A_65 {strides = array<i32>} : memref<3x24x512xf32, #tpu.memory_space<vmem>>, vector<16xf32>,
      %swap3A_1367 = arith.constant 0 : i32
      %swap3A_1368 = arith.index_cast %swap3A_1367 : i32 to index
      %swap3A_1369 = arith.index_cast %scan3A_1228 : i32 to index
      %swap3A_1370 = arith.constant 288 : index
      %swap3A_1371 = tpu.vector_load %arg7[%swap3A_1368, %swap3A_1369, %swap3A_1370] {strides = array<i32>} : memref<3x24x512xf32, #tpu.memory_space<vmem>>, vector<16xf32>,
      tpu.vector_store %arg7[%swap3A_1368, %swap3A_1369, %swap3A_1370], %get3A_70 {strides = array<i32>} : memref<3x24x512xf32, #tpu.memory_space<vmem>>, vector<16xf32>,
      %swap3A_1372 = arith.constant 0 : i32
      %swap3A_1373 = arith.index_cast %swap3A_1372 : i32 to index
      %swap3A_1374 = arith.index_cast %scan3A_1228 : i32 to index
      %swap3A_1375 = arith.constant 304 : index
      %swap3A_1376 = tpu.vector_load %arg7[%swap3A_1373, %swap3A_1374, %swap3A_1375] {strides = array<i32>} : memref<3x24x512xf32, #tpu.memory_space<vmem>>, vector<16xf32>,
      tpu.vector_store %arg7[%swap3A_1373, %swap3A_1374, %swap3A_1375], %get3A_75 {strides = array<i32>} : memref<3x24x512xf32, #tpu.memory_space<vmem>>, vector<16xf32>,
      %swap3A_1377 = arith.constant 0 : i32
      %swap3A_1378 = arith.index_cast %swap3A_1377 : i32 to index
      %swap3A_1379 = arith.index_cast %scan3A_1228 : i32 to index
      %swap3A_1380 = arith.constant 320 : index
      %swap3A_1381 = tpu.vector_load %arg7[%swap3A_1378, %swap3A_1379, %swap3A_1380] {strides = array<i32>} : memref<3x24x512xf32, #tpu.memory_space<vmem>>, vector<16xf32>,
      tpu.vector_store %arg7[%swap3A_1378, %swap3A_1379, %swap3A_1380], %get3A_80 {strides = array<i32>} : memref<3x24x512xf32, #tpu.memory_space<vmem>>, vector<16xf32>,
      %swap3A_1382 = arith.constant 0 : i32
      %swap3A_1383 = arith.index_cast %swap3A_1382 : i32 to index
      %swap3A_1384 = arith.index_cast %scan3A_1228 : i32 to index
      %swap3A_1385 = arith.constant 336 : index
      %swap3A_1386 = tpu.vector_load %arg7[%swap3A_1383, %swap3A_1384, %swap3A_1385] {strides = array<i32>} : memref<3x24x512xf32, #tpu.memory_space<vmem>>, vector<16xf32>,
      tpu.vector_store %arg7[%swap3A_1383, %swap3A_1384, %swap3A_1385], %get3A_85 {strides = array<i32>} : memref<3x24x512xf32, #tpu.memory_space<vmem>>, vector<16xf32>,
      %swap3A_1387 = arith.constant 0 : i32
      %swap3A_1388 = arith.index_cast %swap3A_1387 : i32 to index
      %swap3A_1389 = arith.index_cast %scan3A_1228 : i32 to index
      %swap3A_1390 = arith.constant 352 : index
      %swap3A_1391 = tpu.vector_load %arg7[%swap3A_1388, %swap3A_1389, %swap3A_1390] {strides = array<i32>} : memref<3x24x512xf32, #tpu.memory_space<vmem>>, vector<16xf32>,
      tpu.vector_store %arg7[%swap3A_1388, %swap3A_1389, %swap3A_1390], %get3A_90 {strides = array<i32>} : memref<3x24x512xf32, #tpu.memory_space<vmem>>, vector<16xf32>,
      %swap3A_1392 = arith.constant 0 : i32
      %swap3A_1393 = arith.index_cast %swap3A_1392 : i32 to index
      %swap3A_1394 = arith.index_cast %scan3A_1228 : i32 to index
      %swap3A_1395 = arith.constant 368 : index
      %swap3A_1396 = tpu.vector_load %arg7[%swap3A_1393, %swap3A_1394, %swap3A_1395] {strides = array<i32>} : memref<3x24x512xf32, #tpu.memory_space<vmem>>, vector<16xf32>,
      tpu.vector_store %arg7[%swap3A_1393, %swap3A_1394, %swap3A_1395], %get3A_95 {strides = array<i32>} : memref<3x24x512xf32, #tpu.memory_space<vmem>>, vector<16xf32>,
      %swap3A_1397 = arith.constant 0 : i32
      %swap3A_1398 = arith.index_cast %swap3A_1397 : i32 to index
      %swap3A_1399 = arith.index_cast %scan3A_1228 : i32 to index
      %swap3A_1400 = arith.constant 384 : index
      %swap3A_1401 = tpu.vector_load %arg7[%swap3A_1398, %swap3A_1399, %swap3A_1400] {strides = array<i32>} : memref<3x24x512xf32, #tpu.memory_space<vmem>>, vector<16xf32>,
      tpu.vector_store %arg7[%swap3A_1398, %swap3A_1399, %swap3A_1400], %get3A_100 {strides = array<i32>} : memref<3x24x512xf32, #tpu.memory_space<vmem>>, vector<16xf32>,
      %swap3A_1402 = arith.constant 0 : i32
      %swap3A_1403 = arith.index_cast %swap3A_1402 : i32 to index
      %swap3A_1404 = arith.index_cast %scan3A_1228 : i32 to index
      %swap3A_1405 = arith.constant 400 : index
      %swap3A_1406 = tpu.vector_load %arg7[%swap3A_1403, %swap3A_1404, %swap3A_1405] {strides = array<i32>} : memref<3x24x512xf32, #tpu.memory_space<vmem>>, vector<16xf32>,
      tpu.vector_store %arg7[%swap3A_1403, %swap3A_1404, %swap3A_1405], %get3A_105 {strides = array<i32>} : memref<3x24x512xf32, #tpu.memory_space<vmem>>, vector<16xf32>,
      %swap3A_1407 = arith.constant 0 : i32
      %swap3A_1408 = arith.index_cast %swap3A_1407 : i32 to index
      %swap3A_1409 = arith.index_cast %scan3A_1228 : i32 to index
      %swap3A_1410 = arith.constant 416 : index
      %swap3A_1411 = tpu.vector_load %arg7[%swap3A_1408, %swap3A_1409, %swap3A_1410] {strides = array<i32>} : memref<3x24x512xf32, #tpu.memory_space<vmem>>, vector<16xf32>,
      tpu.vector_store %arg7[%swap3A_1408, %swap3A_1409, %swap3A_1410], %get3A_110 {strides = array<i32>} : memref<3x24x512xf32, #tpu.memory_space<vmem>>, vector<16xf32>,
      %swap3A_1412 = arith.constant 0 : i32
      %swap3A_1413 = arith.index_cast %swap3A_1412 : i32 to index
      %swap3A_1414 = arith.index_cast %scan3A_1228 : i32 to index
      %swap3A_1415 = arith.constant 432 : index
      %swap3A_1416 = tpu.vector_load %arg7[%swap3A_1413, %swap3A_1414, %swap3A_1415] {strides = array<i32>} : memref<3x24x512xf32, #tpu.memory_space<vmem>>, vector<16xf32>,
      tpu.vector_store %arg7[%swap3A_1413, %swap3A_1414, %swap3A_1415], %get3A_115 {strides = array<i32>} : memref<3x24x512xf32, #tpu.memory_space<vmem>>, vector<16xf32>,
      %swap3A_1417 = arith.constant 0 : i32
      %swap3A_1418 = arith.index_cast %swap3A_1417 : i32 to index
      %swap3A_1419 = arith.index_cast %scan3A_1228 : i32 to index
      %swap3A_1420 = arith.constant 448 : index
      %swap3A_1421 = tpu.vector_load %arg7[%swap3A_1418, %swap3A_1419, %swap3A_1420] {strides = array<i32>} : memref<3x24x512xf32, #tpu.memory_space<vmem>>, vector<16xf32>,
      tpu.vector_store %arg7[%swap3A_1418, %swap3A_1419, %swap3A_1420], %get3A_120 {strides = array<i32>} : memref<3x24x512xf32, #tpu.memory_space<vmem>>, vector<16xf32>,
      %swap3A_1422 = arith.constant 0 : i32
      %swap3A_1423 = arith.index_cast %swap3A_1422 : i32 to index
      %swap3A_1424 = arith.index_cast %scan3A_1228 : i32 to index
      %swap3A_1425 = arith.constant 464 : index
      %swap3A_1426 = tpu.vector_load %arg7[%swap3A_1423, %swap3A_1424, %swap3A_1425] {strides = array<i32>} : memref<3x24x512xf32, #tpu.memory_space<vmem>>, vector<16xf32>,
      tpu.vector_store %arg7[%swap3A_1423, %swap3A_1424, %swap3A_1425], %get3A_125 {strides = array<i32>} : memref<3x24x512xf32, #tpu.memory_space<vmem>>, vector<16xf32>,
      %swap3A_1427 = arith.constant 0 : i32
      %swap3A_1428 = arith.index_cast %swap3A_1427 : i32 to index
      %swap3A_1429 = arith.index_cast %scan3A_1228 : i32 to index
      %swap3A_1430 = arith.constant 480 : index
      %swap3A_1431 = tpu.vector_load %arg7[%swap3A_1428, %swap3A_1429, %swap3A_1430] {strides = array<i32>} : memref<3x24x512xf32, #tpu.memory_space<vmem>>, vector<16xf32>,
      tpu.vector_store %arg7[%swap3A_1428, %swap3A_1429, %swap3A_1430], %get3A_130 {strides = array<i32>} : memref<3x24x512xf32, #tpu.memory_space<vmem>>, vector<16xf32>,
      %swap3A_1432 = arith.constant 0 : i32
      %swap3A_1433 = arith.index_cast %swap3A_1432 : i32 to index
      %swap3A_1434 = arith.index_cast %scan3A_1228 : i32 to index
      %swap3A_1435 = arith.constant 496 : index
      %swap3A_1436 = tpu.vector_load %arg7[%swap3A_1433, %swap3A_1434, %swap3A_1435] {strides = array<i32>} : memref<3x24x512xf32, #tpu.memory_space<vmem>>, vector<16xf32>,
      tpu.vector_store %arg7[%swap3A_1433, %swap3A_1434, %swap3A_1435], %get3A_135 {strides = array<i32>} : memref<3x24x512xf32, #tpu.memory_space<vmem>>, vector<16xf32>,
      %scan3A_1437 = arith.constant 0 : i32
      scf.yield %scan3A_1437 : i32
    }
    %scan3A_141 = arith.constant 24 : i32
    %add3A_142 = arith.constant 0 : i32
    %add3A_143 = arith.addi %mul3A_34, %add3A_142 : i32
    %add3A_144 = arith.constant 0 : i32
    %add3A_145 = arith.addi %mul3A_32, %add3A_144 : i32
    %dma_start3A_146 = arith.constant 0 : i32
    %dma_start3A_147 = arith.constant 0 : i32
    %dma_start3A_148 = arith.constant 0 : i32
    %dma_start3A_149 = tpu.memref_slice %arg7[%dma_start3A_146, %dma_start3A_147, %dma_start3A_148] : memref<3x24x512xf32, #tpu.memory_space<vmem>> -> memref<1x24x512xf32, #tpu.memory_space<vmem>>
    %dma_start3A_150 = tpu.memref_squeeze %dma_start3A_149 : memref<1x24x512xf32, #tpu.memory_space<vmem>> -> memref<24x512xf32, #tpu.memory_space<vmem>>
    %dma_start3A_151 = arith.constant 0 : i32
    %dma_start3A_152 = arith.constant 0 : i32
    %dma_start3A_153 = tpu.memref_slice %arg4[%add3A_143, %add3A_145, %dma_start3A_151, %dma_start3A_152] : memref<32x24x24x512xf32, #tpu.memory_space<hbm>> -> memref<1x1x24x512xf32, #tpu.memory_space<hbm>>
    %dma_start3A_154 = tpu.memref_squeeze %dma_start3A_153 : memref<1x1x24x512xf32, #tpu.memory_space<hbm>> -> memref<24x512xf32, #tpu.memory_space<hbm>>
    %dma_start3A_155 = arith.constant 0 : i32
    %dma_start3A_156 = arith.constant 0 : i32
    %dma_start3A_157 = tpu.memref_slice %arg4[%add3A_143, %add3A_145, %dma_start3A_155, %dma_start3A_156] : memref<32x24x24x512xf32, #tpu.memory_space<hbm>> -> memref<1x1x24x512xf32, #tpu.memory_space<hbm>>
    %dma_start3A_158 = tpu.memref_squeeze %dma_start3A_157 : memref<1x1x24x512xf32, #tpu.memory_space<hbm>> -> memref<24x512xf32, #tpu.memory_space<hbm>>
    %dma_start3A_159 = arith.constant 0 : i32
    %dma_start3A_160 = arith.constant 0 : i32
    %dma_start3A_161 = tpu.memref_slice %arg7[%dma_start3A_146, %dma_start3A_159, %dma_start3A_160] : memref<3x24x512xf32, #tpu.memory_space<vmem>> -> memref<1x24x512xf32, #tpu.memory_space<vmem>>
    %dma_start3A_162 = tpu.memref_squeeze %dma_start3A_161 : memref<1x24x512xf32, #tpu.memory_space<vmem>> -> memref<24x512xf32, #tpu.memory_space<vmem>>
    tpu.enqueue_dma source(%dma_start3A_162 : memref<24x512xf32, #tpu.memory_space<vmem>>) target(%dma_start3A_158 : memref<24x512xf32, #tpu.memory_space<hbm>>) target_semaphore(%arg8 : memref<!tpu.dma_semaphore, #tpu.memory_space<semaphore_mem>>)
    %add3A_163 = arith.constant 1 : i32
    %add3A_164 = arith.addi %mul3A_34, %add3A_163 : i32
    %add3A_165 = arith.constant 0 : i32
    %add3A_166 = arith.addi %mul3A_32, %add3A_165 : i32
    %dma_start3A_167 = arith.constant 0 : i32
    %dma_start3A_168 = arith.constant 0 : i32
    %dma_start3A_169 = arith.constant 0 : i32
    %dma_start3A_170 = tpu.memref_slice %arg7[%dma_start3A_167, %dma_start3A_168, %dma_start3A_169] : memref<3x24x512xf32, #tpu.memory_space<vmem>> -> memref<1x24x512xf32, #tpu.memory_space<vmem>>
    %dma_start3A_171 = tpu.memref_squeeze %dma_start3A_170 : memref<1x24x512xf32, #tpu.memory_space<vmem>> -> memref<24x512xf32, #tpu.memory_space<vmem>>
    %dma_start3A_172 = arith.constant 0 : i32
    %dma_start3A_173 = arith.constant 0 : i32
    %dma_start3A_174 = tpu.memref_slice %arg4[%add3A_164, %add3A_166, %dma_start3A_172, %dma_start3A_173] : memref<32x24x24x512xf32, #tpu.memory_space<hbm>> -> memref<1x1x24x512xf32, #tpu.memory_space<hbm>>
    %dma_start3A_175 = tpu.memref_squeeze %dma_start3A_174 : memref<1x1x24x512xf32, #tpu.memory_space<hbm>> -> memref<24x512xf32, #tpu.memory_space<hbm>>
    %dma_start3A_176 = arith.constant 0 : i32
    %dma_start3A_177 = arith.constant 0 : i32
    %dma_start3A_178 = tpu.memref_slice %arg4[%add3A_164, %add3A_166, %dma_start3A_176, %dma_start3A_177] : memref<32x24x24x512xf32, #tpu.memory_space<hbm>> -> memref<1x1x24x512xf32, #tpu.memory_space<hbm>>
    %dma_start3A_179 = tpu.memref_squeeze %dma_start3A_178 : memref<1x1x24x512xf32, #tpu.memory_space<hbm>> -> memref<24x512xf32, #tpu.memory_space<hbm>>
    %dma_start3A_180 = arith.constant 0 : i32
    %dma_start3A_181 = arith.constant 0 : i32
    %dma_start3A_182 = tpu.memref_slice %arg7[%dma_start3A_167, %dma_start3A_180, %dma_start3A_181] : memref<3x24x512xf32, #tpu.memory_space<vmem>> -> memref<1x24x512xf32, #tpu.memory_space<vmem>>
    %dma_start3A_183 = tpu.memref_squeeze %dma_start3A_182 : memref<1x24x512xf32, #tpu.memory_space<vmem>> -> memref<24x512xf32, #tpu.memory_space<vmem>>
    tpu.enqueue_dma source(%dma_start3A_183 : memref<24x512xf32, #tpu.memory_space<vmem>>) target(%dma_start3A_179 : memref<24x512xf32, #tpu.memory_space<hbm>>) target_semaphore(%arg8 : memref<!tpu.dma_semaphore, #tpu.memory_space<semaphore_mem>>)
    %add3A_184 = arith.constant 2 : i32
    %add3A_185 = arith.addi %mul3A_34, %add3A_184 : i32
    %add3A_186 = arith.constant 0 : i32
    %add3A_187 = arith.addi %mul3A_32, %add3A_186 : i32
    %dma_start3A_188 = arith.constant 0 : i32
    %dma_start3A_189 = arith.constant 0 : i32
    %dma_start3A_190 = arith.constant 0 : i32
    %dma_start3A_191 = tpu.memref_slice %arg7[%dma_start3A_188, %dma_start3A_189, %dma_start3A_190] : memref<3x24x512xf32, #tpu.memory_space<vmem>> -> memref<1x24x512xf32, #tpu.memory_space<vmem>>
    %dma_start3A_192 = tpu.memref_squeeze %dma_start3A_191 : memref<1x24x512xf32, #tpu.memory_space<vmem>> -> memref<24x512xf32, #tpu.memory_space<vmem>>
    %dma_start3A_193 = arith.constant 0 : i32
    %dma_start3A_194 = arith.constant 0 : i32
    %dma_start3A_195 = tpu.memref_slice %arg4[%add3A_185, %add3A_187, %dma_start3A_193, %dma_start3A_194] : memref<32x24x24x512xf32, #tpu.memory_space<hbm>> -> memref<1x1x24x512xf32, #tpu.memory_space<hbm>>
    %dma_start3A_196 = tpu.memref_squeeze %dma_start3A_195 : memref<1x1x24x512xf32, #tpu.memory_space<hbm>> -> memref<24x512xf32, #tpu.memory_space<hbm>>
    %dma_start3A_197 = arith.constant 0 : i32
    %dma_start3A_198 = arith.constant 0 : i32
    %dma_start3A_199 = tpu.memref_slice %arg4[%add3A_185, %add3A_187, %dma_start3A_197, %dma_start3A_198] : memref<32x24x24x512xf32, #tpu.memory_space<hbm>> -> memref<1x1x24x512xf32, #tpu.memory_space<hbm>>
    %dma_start3A_200 = tpu.memref_squeeze %dma_start3A_199 : memref<1x1x24x512xf32, #tpu.memory_space<hbm>> -> memref<24x512xf32, #tpu.memory_space<hbm>>
    %dma_start3A_201 = arith.constant 0 : i32
    %dma_start3A_202 = arith.constant 0 : i32
    %dma_start3A_203 = tpu.memref_slice %arg7[%dma_start3A_188, %dma_start3A_201, %dma_start3A_202] : memref<3x24x512xf32, #tpu.memory_space<vmem>> -> memref<1x24x512xf32, #tpu.memory_space<vmem>>
    %dma_start3A_204 = tpu.memref_squeeze %dma_start3A_203 : memref<1x24x512xf32, #tpu.memory_space<vmem>> -> memref<24x512xf32, #tpu.memory_space<vmem>>
    tpu.enqueue_dma source(%dma_start3A_204 : memref<24x512xf32, #tpu.memory_space<vmem>>) target(%dma_start3A_200 : memref<24x512xf32, #tpu.memory_space<hbm>>) target_semaphore(%arg8 : memref<!tpu.dma_semaphore, #tpu.memory_space<semaphore_mem>>)
    %add3A_205 = arith.constant 3 : i32
    %add3A_206 = arith.addi %mul3A_34, %add3A_205 : i32
    %add3A_207 = arith.constant 0 : i32
    %add3A_208 = arith.addi %mul3A_32, %add3A_207 : i32
    %dma_start3A_209 = arith.constant 0 : i32
    %dma_start3A_210 = arith.constant 0 : i32
    %dma_start3A_211 = arith.constant 0 : i32
    %dma_start3A_212 = tpu.memref_slice %arg7[%dma_start3A_209, %dma_start3A_210, %dma_start3A_211] : memref<3x24x512xf32, #tpu.memory_space<vmem>> -> memref<1x24x512xf32, #tpu.memory_space<vmem>>
    %dma_start3A_213 = tpu.memref_squeeze %dma_start3A_212 : memref<1x24x512xf32, #tpu.memory_space<vmem>> -> memref<24x512xf32, #tpu.memory_space<vmem>>
    %dma_start3A_214 = arith.constant 0 : i32
    %dma_start3A_215 = arith.constant 0 : i32
    %dma_start3A_216 = tpu.memref_slice %arg4[%add3A_206, %add3A_208, %dma_start3A_214, %dma_start3A_215] : memref<32x24x24x512xf32, #tpu.memory_space<hbm>> -> memref<1x1x24x512xf32, #tpu.memory_space<hbm>>
    %dma_start3A_217 = tpu.memref_squeeze %dma_start3A_216 : memref<1x1x24x512xf32, #tpu.memory_space<hbm>> -> memref<24x512xf32, #tpu.memory_space<hbm>>
    %dma_start3A_218 = arith.constant 0 : i32
    %dma_start3A_219 = arith.constant 0 : i32
    %dma_start3A_220 = tpu.memref_slice %arg4[%add3A_206, %add3A_208, %dma_start3A_218, %dma_start3A_219] : memref<32x24x24x512xf32, #tpu.memory_space<hbm>> -> memref<1x1x24x512xf32, #tpu.memory_space<hbm>>
    %dma_start3A_221 = tpu.memref_squeeze %dma_start3A_220 : memref<1x1x24x512xf32, #tpu.memory_space<hbm>> -> memref<24x512xf32, #tpu.memory_space<hbm>>
    %dma_start3A_222 = arith.constant 0 : i32
    %dma_start3A_223 = arith.constant 0 : i32
    %dma_start3A_224 = tpu.memref_slice %arg7[%dma_start3A_209, %dma_start3A_222, %dma_start3A_223] : memref<3x24x512xf32, #tpu.memory_space<vmem>> -> memref<1x24x512xf32, #tpu.memory_space<vmem>>
    %dma_start3A_225 = tpu.memref_squeeze %dma_start3A_224 : memref<1x24x512xf32, #tpu.memory_space<vmem>> -> memref<24x512xf32, #tpu.memory_space<vmem>>
    tpu.enqueue_dma source(%dma_start3A_225 : memref<24x512xf32, #tpu.memory_space<vmem>>) target(%dma_start3A_221 : memref<24x512xf32, #tpu.memory_space<hbm>>) target_semaphore(%arg8 : memref<!tpu.dma_semaphore, #tpu.memory_space<semaphore_mem>>)
    %add3A_226 = arith.constant 4 : i32
    %add3A_227 = arith.addi %mul3A_34, %add3A_226 : i32
    %add3A_228 = arith.constant 0 : i32
    %add3A_229 = arith.addi %mul3A_32, %add3A_228 : i32
    %dma_start3A_230 = arith.constant 0 : i32
    %dma_start3A_231 = arith.constant 0 : i32
    %dma_start3A_232 = arith.constant 0 : i32
    %dma_start3A_233 = tpu.memref_slice %arg7[%dma_start3A_230, %dma_start3A_231, %dma_start3A_232] : memref<3x24x512xf32, #tpu.memory_space<vmem>> -> memref<1x24x512xf32, #tpu.memory_space<vmem>>
    %dma_start3A_234 = tpu.memref_squeeze %dma_start3A_233 : memref<1x24x512xf32, #tpu.memory_space<vmem>> -> memref<24x512xf32, #tpu.memory_space<vmem>>
    %dma_start3A_235 = arith.constant 0 : i32
    %dma_start3A_236 = arith.constant 0 : i32
    %dma_start3A_237 = tpu.memref_slice %arg4[%add3A_227, %add3A_229, %dma_start3A_235, %dma_start3A_236] : memref<32x24x24x512xf32, #tpu.memory_space<hbm>> -> memref<1x1x24x512xf32, #tpu.memory_space<hbm>>
    %dma_start3A_238 = tpu.memref_squeeze %dma_start3A_237 : memref<1x1x24x512xf32, #tpu.memory_space<hbm>> -> memref<24x512xf32, #tpu.memory_space<hbm>>
    %dma_start3A_239 = arith.constant 0 : i32
    %dma_start3A_240 = arith.constant 0 : i32
    %dma_start3A_241 = tpu.memref_slice %arg4[%add3A_227, %add3A_229, %dma_start3A_239, %dma_start3A_240] : memref<32x24x24x512xf32, #tpu.memory_space<hbm>> -> memref<1x1x24x512xf32, #tpu.memory_space<hbm>>
    %dma_start3A_242 = tpu.memref_squeeze %dma_start3A_241 : memref<1x1x24x512xf32, #tpu.memory_space<hbm>> -> memref<24x512xf32, #tpu.memory_space<hbm>>
    %dma_start3A_243 = arith.constant 0 : i32
    %dma_start3A_244 = arith.constant 0 : i32
    %dma_start3A_245 = tpu.memref_slice %arg7[%dma_start3A_230, %dma_start3A_243, %dma_start3A_244] : memref<3x24x512xf32, #tpu.memory_space<vmem>> -> memref<1x24x512xf32, #tpu.memory_space<vmem>>
    %dma_start3A_246 = tpu.memref_squeeze %dma_start3A_245 : memref<1x24x512xf32, #tpu.memory_space<vmem>> -> memref<24x512xf32, #tpu.memory_space<vmem>>
    tpu.enqueue_dma source(%dma_start3A_246 : memref<24x512xf32, #tpu.memory_space<vmem>>) target(%dma_start3A_242 : memref<24x512xf32, #tpu.memory_space<hbm>>) target_semaphore(%arg8 : memref<!tpu.dma_semaphore, #tpu.memory_space<semaphore_mem>>)
    %add3A_247 = arith.constant 5 : i32
    %add3A_248 = arith.addi %mul3A_34, %add3A_247 : i32
    %add3A_249 = arith.constant 0 : i32
    %add3A_250 = arith.addi %mul3A_32, %add3A_249 : i32
    %dma_start3A_251 = arith.constant 0 : i32
    %dma_start3A_252 = arith.constant 0 : i32
    %dma_start3A_253 = arith.constant 0 : i32
    %dma_start3A_254 = tpu.memref_slice %arg7[%dma_start3A_251, %dma_start3A_252, %dma_start3A_253] : memref<3x24x512xf32, #tpu.memory_space<vmem>> -> memref<1x24x512xf32, #tpu.memory_space<vmem>>
    %dma_start3A_255 = tpu.memref_squeeze %dma_start3A_254 : memref<1x24x512xf32, #tpu.memory_space<vmem>> -> memref<24x512xf32, #tpu.memory_space<vmem>>
    %dma_start3A_256 = arith.constant 0 : i32
    %dma_start3A_257 = arith.constant 0 : i32
    %dma_start3A_258 = tpu.memref_slice %arg4[%add3A_248, %add3A_250, %dma_start3A_256, %dma_start3A_257] : memref<32x24x24x512xf32, #tpu.memory_space<hbm>> -> memref<1x1x24x512xf32, #tpu.memory_space<hbm>>
    %dma_start3A_259 = tpu.memref_squeeze %dma_start3A_258 : memref<1x1x24x512xf32, #tpu.memory_space<hbm>> -> memref<24x512xf32, #tpu.memory_space<hbm>>
    %dma_start3A_260 = arith.constant 0 : i32
    %dma_start3A_261 = arith.constant 0 : i32
    %dma_start3A_262 = tpu.memref_slice %arg4[%add3A_248, %add3A_250, %dma_start3A_260, %dma_start3A_261] : memref<32x24x24x512xf32, #tpu.memory_space<hbm>> -> memref<1x1x24x512xf32, #tpu.memory_space<hbm>>
    %dma_start3A_263 = tpu.memref_squeeze %dma_start3A_262 : memref<1x1x24x512xf32, #tpu.memory_space<hbm>> -> memref<24x512xf32, #tpu.memory_space<hbm>>
    %dma_start3A_264 = arith.constant 0 : i32
    %dma_start3A_265 = arith.constant 0 : i32
    %dma_start3A_266 = tpu.memref_slice %arg7[%dma_start3A_251, %dma_start3A_264, %dma_start3A_265] : memref<3x24x512xf32, #tpu.memory_space<vmem>> -> memref<1x24x512xf32, #tpu.memory_space<vmem>>
    %dma_start3A_267 = tpu.memref_squeeze %dma_start3A_266 : memref<1x24x512xf32, #tpu.memory_space<vmem>> -> memref<24x512xf32, #tpu.memory_space<vmem>>
    tpu.enqueue_dma source(%dma_start3A_267 : memref<24x512xf32, #tpu.memory_space<vmem>>) target(%dma_start3A_263 : memref<24x512xf32, #tpu.memory_space<hbm>>) target_semaphore(%arg8 : memref<!tpu.dma_semaphore, #tpu.memory_space<semaphore_mem>>)
    %add3A_268 = arith.constant 6 : i32
    %add3A_269 = arith.addi %mul3A_34, %add3A_268 : i32
    %add3A_270 = arith.constant 0 : i32
    %add3A_271 = arith.addi %mul3A_32, %add3A_270 : i32
    %dma_start3A_272 = arith.constant 0 : i32
    %dma_start3A_273 = arith.constant 0 : i32
    %dma_start3A_274 = arith.constant 0 : i32
    %dma_start3A_275 = tpu.memref_slice %arg7[%dma_start3A_272, %dma_start3A_273, %dma_start3A_274] : memref<3x24x512xf32, #tpu.memory_space<vmem>> -> memref<1x24x512xf32, #tpu.memory_space<vmem>>
    %dma_start3A_276 = tpu.memref_squeeze %dma_start3A_275 : memref<1x24x512xf32, #tpu.memory_space<vmem>> -> memref<24x512xf32, #tpu.memory_space<vmem>>
    %dma_start3A_277 = arith.constant 0 : i32
    %dma_start3A_278 = arith.constant 0 : i32
    %dma_start3A_279 = tpu.memref_slice %arg4[%add3A_269, %add3A_271, %dma_start3A_277, %dma_start3A_278] : memref<32x24x24x512xf32, #tpu.memory_space<hbm>> -> memref<1x1x24x512xf32, #tpu.memory_space<hbm>>
    %dma_start3A_280 = tpu.memref_squeeze %dma_start3A_279 : memref<1x1x24x512xf32, #tpu.memory_space<hbm>> -> memref<24x512xf32, #tpu.memory_space<hbm>>
    %dma_start3A_281 = arith.constant 0 : i32
    %dma_start3A_282 = arith.constant 0 : i32
    %dma_start3A_283 = tpu.memref_slice %arg4[%add3A_269, %add3A_271, %dma_start3A_281, %dma_start3A_282] : memref<32x24x24x512xf32, #tpu.memory_space<hbm>> -> memref<1x1x24x512xf32, #tpu.memory_space<hbm>>
    %dma_start3A_284 = tpu.memref_squeeze %dma_start3A_283 : memref<1x1x24x512xf32, #tpu.memory_space<hbm>> -> memref<24x512xf32, #tpu.memory_space<hbm>>
    %dma_start3A_285 = arith.constant 0 : i32
    %dma_start3A_286 = arith.constant 0 : i32
    %dma_start3A_287 = tpu.memref_slice %arg7[%dma_start3A_272, %dma_start3A_285, %dma_start3A_286] : memref<3x24x512xf32, #tpu.memory_space<vmem>> -> memref<1x24x512xf32, #tpu.memory_space<vmem>>
    %dma_start3A_288 = tpu.memref_squeeze %dma_start3A_287 : memref<1x24x512xf32, #tpu.memory_space<vmem>> -> memref<24x512xf32, #tpu.memory_space<vmem>>
    tpu.enqueue_dma source(%dma_start3A_288 : memref<24x512xf32, #tpu.memory_space<vmem>>) target(%dma_start3A_284 : memref<24x512xf32, #tpu.memory_space<hbm>>) target_semaphore(%arg8 : memref<!tpu.dma_semaphore, #tpu.memory_space<semaphore_mem>>)
    %add3A_289 = arith.constant 7 : i32
    %add3A_290 = arith.addi %mul3A_34, %add3A_289 : i32
    %add3A_291 = arith.constant 0 : i32
    %add3A_292 = arith.addi %mul3A_32, %add3A_291 : i32
    %dma_start3A_293 = arith.constant 0 : i32
    %dma_start3A_294 = arith.constant 0 : i32
    %dma_start3A_295 = arith.constant 0 : i32
    %dma_start3A_296 = tpu.memref_slice %arg7[%dma_start3A_293, %dma_start3A_294, %dma_start3A_295] : memref<3x24x512xf32, #tpu.memory_space<vmem>> -> memref<1x24x512xf32, #tpu.memory_space<vmem>>
    %dma_start3A_297 = tpu.memref_squeeze %dma_start3A_296 : memref<1x24x512xf32, #tpu.memory_space<vmem>> -> memref<24x512xf32, #tpu.memory_space<vmem>>
    %dma_start3A_298 = arith.constant 0 : i32
    %dma_start3A_299 = arith.constant 0 : i32
    %dma_start3A_300 = tpu.memref_slice %arg4[%add3A_290, %add3A_292, %dma_start3A_298, %dma_start3A_299] : memref<32x24x24x512xf32, #tpu.memory_space<hbm>> -> memref<1x1x24x512xf32, #tpu.memory_space<hbm>>
    %dma_start3A_301 = tpu.memref_squeeze %dma_start3A_300 : memref<1x1x24x512xf32, #tpu.memory_space<hbm>> -> memref<24x512xf32, #tpu.memory_space<hbm>>
    %dma_start3A_302 = arith.constant 0 : i32
    %dma_start3A_303 = arith.constant 0 : i32
    %dma_start3A_304 = tpu.memref_slice %arg4[%add3A_290, %add3A_292, %dma_start3A_302, %dma_start3A_303] : memref<32x24x24x512xf32, #tpu.memory_space<hbm>> -> memref<1x1x24x512xf32, #tpu.memory_space<hbm>>
    %dma_start3A_305 = tpu.memref_squeeze %dma_start3A_304 : memref<1x1x24x512xf32, #tpu.memory_space<hbm>> -> memref<24x512xf32, #tpu.memory_space<hbm>>
    %dma_start3A_306 = arith.constant 0 : i32
    %dma_start3A_307 = arith.constant 0 : i32
    %dma_start3A_308 = tpu.memref_slice %arg7[%dma_start3A_293, %dma_start3A_306, %dma_start3A_307] : memref<3x24x512xf32, #tpu.memory_space<vmem>> -> memref<1x24x512xf32, #tpu.memory_space<vmem>>
    %dma_start3A_309 = tpu.memref_squeeze %dma_start3A_308 : memref<1x24x512xf32, #tpu.memory_space<vmem>> -> memref<24x512xf32, #tpu.memory_space<vmem>>
    tpu.enqueue_dma source(%dma_start3A_309 : memref<24x512xf32, #tpu.memory_space<vmem>>) target(%dma_start3A_305 : memref<24x512xf32, #tpu.memory_space<hbm>>) target_semaphore(%arg8 : memref<!tpu.dma_semaphore, #tpu.memory_space<semaphore_mem>>)
    %add3A_310 = arith.constant 1 : i32
    %add3A_311 = arith.addi %mul3A_32, %add3A_310 : i32
    %get3A_312 = arith.index_cast %add3A_311 : i32 to index
    %get3A_313 = arith.constant 0 : index
    %get3A_314 = tpu.vector_load %arg5[%get3A_312, %get3A_313] {strides = array<i32>} : memref<24x256xf32, #tpu.memory_space<vmem>>, vector<16xf32>,
    %add3A_315 = arith.constant 1 : i32
    %add3A_316 = arith.addi %mul3A_32, %add3A_315 : i32
    %get3A_317 = arith.index_cast %add3A_316 : i32 to index
    %get3A_318 = arith.constant 16 : index
    %get3A_319 = tpu.vector_load %arg5[%get3A_317, %get3A_318] {strides = array<i32>} : memref<24x256xf32, #tpu.memory_space<vmem>>, vector<16xf32>,
    %add3A_320 = arith.constant 1 : i32
    %add3A_321 = arith.addi %mul3A_32, %add3A_320 : i32
    %get3A_322 = arith.index_cast %add3A_321 : i32 to index
    %get3A_323 = arith.constant 32 : index
    %get3A_324 = tpu.vector_load %arg5[%get3A_322, %get3A_323] {strides = array<i32>} : memref<24x256xf32, #tpu.memory_space<vmem>>, vector<16xf32>,
    %add3A_325 = arith.constant 1 : i32
    %add3A_326 = arith.addi %mul3A_32, %add3A_325 : i32
    %get3A_327 = arith.index_cast %add3A_326 : i32 to index
    %get3A_328 = arith.constant 48 : index
    %get3A_329 = tpu.vector_load %arg5[%get3A_327, %get3A_328] {strides = array<i32>} : memref<24x256xf32, #tpu.memory_space<vmem>>, vector<16xf32>,
    %add3A_330 = arith.constant 1 : i32
    %add3A_331 = arith.addi %mul3A_32, %add3A_330 : i32
    %get3A_332 = arith.index_cast %add3A_331 : i32 to index
    %get3A_333 = arith.constant 64 : index
    %get3A_334 = tpu.vector_load %arg5[%get3A_332, %get3A_333] {strides = array<i32>} : memref<24x256xf32, #tpu.memory_space<vmem>>, vector<16xf32>,
    %add3A_335 = arith.constant 1 : i32
    %add3A_336 = arith.addi %mul3A_32, %add3A_335 : i32
    %get3A_337 = arith.index_cast %add3A_336 : i32 to index
    %get3A_338 = arith.constant 80 : index
    %get3A_339 = tpu.vector_load %arg5[%get3A_337, %get3A_338] {strides = array<i32>} : memref<24x256xf32, #tpu.memory_space<vmem>>, vector<16xf32>,
    %add3A_340 = arith.constant 1 : i32
    %add3A_341 = arith.addi %mul3A_32, %add3A_340 : i32
    %get3A_342 = arith.index_cast %add3A_341 : i32 to index
    %get3A_343 = arith.constant 96 : index
    %get3A_344 = tpu.vector_load %arg5[%get3A_342, %get3A_343] {strides = array<i32>} : memref<24x256xf32, #tpu.memory_space<vmem>>, vector<16xf32>,
    %add3A_345 = arith.constant 1 : i32
    %add3A_346 = arith.addi %mul3A_32, %add3A_345 : i32
    %get3A_347 = arith.index_cast %add3A_346 : i32 to index
    %get3A_348 = arith.constant 112 : index
    %get3A_349 = tpu.vector_load %arg5[%get3A_347, %get3A_348] {strides = array<i32>} : memref<24x256xf32, #tpu.memory_space<vmem>>, vector<16xf32>,
    %add3A_350 = arith.constant 1 : i32
    %add3A_351 = arith.addi %mul3A_32, %add3A_350 : i32
    %get3A_352 = arith.index_cast %add3A_351 : i32 to index
    %get3A_353 = arith.constant 128 : index
    %get3A_354 = tpu.vector_load %arg5[%get3A_352, %get3A_353] {strides = array<i32>} : memref<24x256xf32, #tpu.memory_space<vmem>>, vector<16xf32>,
    %add3A_355 = arith.constant 1 : i32
    %add3A_356 = arith.addi %mul3A_32, %add3A_355 : i32
    %get3A_357 = arith.index_cast %add3A_356 : i32 to index
    %get3A_358 = arith.constant 144 : index
    %get3A_359 = tpu.vector_load %arg5[%get3A_357, %get3A_358] {strides = array<i32>} : memref<24x256xf32, #tpu.memory_space<vmem>>, vector<16xf32>,
    %add3A_360 = arith.constant 1 : i32
    %add3A_361 = arith.addi %mul3A_32, %add3A_360 : i32
    %get3A_362 = arith.index_cast %add3A_361 : i32 to index
    %get3A_363 = arith.constant 160 : index
    %get3A_364 = tpu.vector_load %arg5[%get3A_362, %get3A_363] {strides = array<i32>} : memref<24x256xf32, #tpu.memory_space<vmem>>, vector<16xf32>,
    %add3A_365 = arith.constant 1 : i32
    %add3A_366 = arith.addi %mul3A_32, %add3A_365 : i32
    %get3A_367 = arith.index_cast %add3A_366 : i32 to index
    %get3A_368 = arith.constant 176 : index
    %get3A_369 = tpu.vector_load %arg5[%get3A_367, %get3A_368] {strides = array<i32>} : memref<24x256xf32, #tpu.memory_space<vmem>>, vector<16xf32>,
    %add3A_370 = arith.constant 1 : i32
    %add3A_371 = arith.addi %mul3A_32, %add3A_370 : i32
    %get3A_372 = arith.index_cast %add3A_371 : i32 to index
    %get3A_373 = arith.constant 192 : index
    %get3A_374 = tpu.vector_load %arg5[%get3A_372, %get3A_373] {strides = array<i32>} : memref<24x256xf32, #tpu.memory_space<vmem>>, vector<16xf32>,
    %add3A_375 = arith.constant 1 : i32
    %add3A_376 = arith.addi %mul3A_32, %add3A_375 : i32
    %get3A_377 = arith.index_cast %add3A_376 : i32 to index
    %get3A_378 = arith.constant 208 : index
    %get3A_379 = tpu.vector_load %arg5[%get3A_377, %get3A_378] {strides = array<i32>} : memref<24x256xf32, #tpu.memory_space<vmem>>, vector<16xf32>,
    %add3A_380 = arith.constant 1 : i32
    %add3A_381 = arith.addi %mul3A_32, %add3A_380 : i32
    %get3A_382 = arith.index_cast %add3A_381 : i32 to index
    %get3A_383 = arith.constant 224 : index
    %get3A_384 = tpu.vector_load %arg5[%get3A_382, %get3A_383] {strides = array<i32>} : memref<24x256xf32, #tpu.memory_space<vmem>>, vector<16xf32>,
    %add3A_385 = arith.constant 1 : i32
    %add3A_386 = arith.addi %mul3A_32, %add3A_385 : i32
    %get3A_387 = arith.index_cast %add3A_386 : i32 to index
    %get3A_388 = arith.constant 240 : index
    %get3A_389 = tpu.vector_load %arg5[%get3A_387, %get3A_388] {strides = array<i32>} : memref<24x256xf32, #tpu.memory_space<vmem>>, vector<16xf32>,
    %scan3A_390 = arith.constant 0 : i32
    %scan3A_391 = arith.constant 0 : i32
    %scan3A_392 = arith.constant 24 : i32
    %scan3A_393 = arith.addi %scan3A_391, %scan3A_392 : i32
    %scan3A_394 = arith.constant 1 : i32
    %scan3A_395 = scf.for %scan3A_1228 = %scan3A_391 to %scan3A_393 step %scan3A_394 iter_args(%scan3A_1229 = %scan3A_390) -> (i32)  : i32 {
      %get3A_1230 = arith.index_cast %scan3A_1228 : i32 to index
      %get3A_1231 = arith.constant 0 : index
      %get3A_1232 = tpu.vector_load %arg6[%get3A_1230, %get3A_1231] {strides = array<i32>} : memref<24x256xf32, #tpu.memory_space<vmem>>, vector<16xf32>,
      %swap3A = arith.constant 1 : i32
      %swap3A_1233 = arith.index_cast %swap3A : i32 to index
      %swap3A_1234 = arith.index_cast %scan3A_1228 : i32 to index
      %swap3A_1235 = arith.constant 0 : index
      %swap3A_1236 = tpu.vector_load %arg7[%swap3A_1233, %swap3A_1234, %swap3A_1235] {strides = array<i32>} : memref<3x24x512xf32, #tpu.memory_space<vmem>>, vector<16xf32>,
      tpu.vector_store %arg7[%swap3A_1233, %swap3A_1234, %swap3A_1235], %get3A_1232 {strides = array<i32>} : memref<3x24x512xf32, #tpu.memory_space<vmem>>, vector<16xf32>,
      %get3A_1237 = arith.index_cast %scan3A_1228 : i32 to index
      %get3A_1238 = arith.constant 16 : index
      %get3A_1239 = tpu.vector_load %arg6[%get3A_1237, %get3A_1238] {strides = array<i32>} : memref<24x256xf32, #tpu.memory_space<vmem>>, vector<16xf32>,
      %swap3A_1240 = arith.constant 1 : i32
      %swap3A_1241 = arith.index_cast %swap3A_1240 : i32 to index
      %swap3A_1242 = arith.index_cast %scan3A_1228 : i32 to index
      %swap3A_1243 = arith.constant 16 : index
      %swap3A_1244 = tpu.vector_load %arg7[%swap3A_1241, %swap3A_1242, %swap3A_1243] {strides = array<i32>} : memref<3x24x512xf32, #tpu.memory_space<vmem>>, vector<16xf32>,
      tpu.vector_store %arg7[%swap3A_1241, %swap3A_1242, %swap3A_1243], %get3A_1239 {strides = array<i32>} : memref<3x24x512xf32, #tpu.memory_space<vmem>>, vector<16xf32>,
      %get3A_1245 = arith.index_cast %scan3A_1228 : i32 to index
      %get3A_1246 = arith.constant 32 : index
      %get3A_1247 = tpu.vector_load %arg6[%get3A_1245, %get3A_1246] {strides = array<i32>} : memref<24x256xf32, #tpu.memory_space<vmem>>, vector<16xf32>,
      %swap3A_1248 = arith.constant 1 : i32
      %swap3A_1249 = arith.index_cast %swap3A_1248 : i32 to index
      %swap3A_1250 = arith.index_cast %scan3A_1228 : i32 to index
      %swap3A_1251 = arith.constant 32 : index
      %swap3A_1252 = tpu.vector_load %arg7[%swap3A_1249, %swap3A_1250, %swap3A_1251] {strides = array<i32>} : memref<3x24x512xf32, #tpu.memory_space<vmem>>, vector<16xf32>,
      tpu.vector_store %arg7[%swap3A_1249, %swap3A_1250, %swap3A_1251], %get3A_1247 {strides = array<i32>} : memref<3x24x512xf32, #tpu.memory_space<vmem>>, vector<16xf32>,
      %get3A_1253 = arith.index_cast %scan3A_1228 : i32 to index
      %get3A_1254 = arith.constant 48 : index
      %get3A_1255 = tpu.vector_load %arg6[%get3A_1253, %get3A_1254] {strides = array<i32>} : memref<24x256xf32, #tpu.memory_space<vmem>>, vector<16xf32>,
      %swap3A_1256 = arith.constant 1 : i32
      %swap3A_1257 = arith.index_cast %swap3A_1256 : i32 to index
      %swap3A_1258 = arith.index_cast %scan3A_1228 : i32 to index
      %swap3A_1259 = arith.constant 48 : index
      %swap3A_1260 = tpu.vector_load %arg7[%swap3A_1257, %swap3A_1258, %swap3A_1259] {strides = array<i32>} : memref<3x24x512xf32, #tpu.memory_space<vmem>>, vector<16xf32>,
      tpu.vector_store %arg7[%swap3A_1257, %swap3A_1258, %swap3A_1259], %get3A_1255 {strides = array<i32>} : memref<3x24x512xf32, #tpu.memory_space<vmem>>, vector<16xf32>,
      %get3A_1261 = arith.index_cast %scan3A_1228 : i32 to index
      %get3A_1262 = arith.constant 64 : index
      %get3A_1263 = tpu.vector_load %arg6[%get3A_1261, %get3A_1262] {strides = array<i32>} : memref<24x256xf32, #tpu.memory_space<vmem>>, vector<16xf32>,
      %swap3A_1264 = arith.constant 1 : i32
      %swap3A_1265 = arith.index_cast %swap3A_1264 : i32 to index
      %swap3A_1266 = arith.index_cast %scan3A_1228 : i32 to index
      %swap3A_1267 = arith.constant 64 : index
      %swap3A_1268 = tpu.vector_load %arg7[%swap3A_1265, %swap3A_1266, %swap3A_1267] {strides = array<i32>} : memref<3x24x512xf32, #tpu.memory_space<vmem>>, vector<16xf32>,
      tpu.vector_store %arg7[%swap3A_1265, %swap3A_1266, %swap3A_1267], %get3A_1263 {strides = array<i32>} : memref<3x24x512xf32, #tpu.memory_space<vmem>>, vector<16xf32>,
      %get3A_1269 = arith.index_cast %scan3A_1228 : i32 to index
      %get3A_1270 = arith.constant 80 : index
      %get3A_1271 = tpu.vector_load %arg6[%get3A_1269, %get3A_1270] {strides = array<i32>} : memref<24x256xf32, #tpu.memory_space<vmem>>, vector<16xf32>,
      %swap3A_1272 = arith.constant 1 : i32
      %swap3A_1273 = arith.index_cast %swap3A_1272 : i32 to index
      %swap3A_1274 = arith.index_cast %scan3A_1228 : i32 to index
      %swap3A_1275 = arith.constant 80 : index
      %swap3A_1276 = tpu.vector_load %arg7[%swap3A_1273, %swap3A_1274, %swap3A_1275] {strides = array<i32>} : memref<3x24x512xf32, #tpu.memory_space<vmem>>, vector<16xf32>,
      tpu.vector_store %arg7[%swap3A_1273, %swap3A_1274, %swap3A_1275], %get3A_1271 {strides = array<i32>} : memref<3x24x512xf32, #tpu.memory_space<vmem>>, vector<16xf32>,
      %get3A_1277 = arith.index_cast %scan3A_1228 : i32 to index
      %get3A_1278 = arith.constant 96 : index
      %get3A_1279 = tpu.vector_load %arg6[%get3A_1277, %get3A_1278] {strides = array<i32>} : memref<24x256xf32, #tpu.memory_space<vmem>>, vector<16xf32>,
      %swap3A_1280 = arith.constant 1 : i32
      %swap3A_1281 = arith.index_cast %swap3A_1280 : i32 to index
      %swap3A_1282 = arith.index_cast %scan3A_1228 : i32 to index
      %swap3A_1283 = arith.constant 96 : index
      %swap3A_1284 = tpu.vector_load %arg7[%swap3A_1281, %swap3A_1282, %swap3A_1283] {strides = array<i32>} : memref<3x24x512xf32, #tpu.memory_space<vmem>>, vector<16xf32>,
      tpu.vector_store %arg7[%swap3A_1281, %swap3A_1282, %swap3A_1283], %get3A_1279 {strides = array<i32>} : memref<3x24x512xf32, #tpu.memory_space<vmem>>, vector<16xf32>,
      %get3A_1285 = arith.index_cast %scan3A_1228 : i32 to index
      %get3A_1286 = arith.constant 112 : index
      %get3A_1287 = tpu.vector_load %arg6[%get3A_1285, %get3A_1286] {strides = array<i32>} : memref<24x256xf32, #tpu.memory_space<vmem>>, vector<16xf32>,
      %swap3A_1288 = arith.constant 1 : i32
      %swap3A_1289 = arith.index_cast %swap3A_1288 : i32 to index
      %swap3A_1290 = arith.index_cast %scan3A_1228 : i32 to index
      %swap3A_1291 = arith.constant 112 : index
      %swap3A_1292 = tpu.vector_load %arg7[%swap3A_1289, %swap3A_1290, %swap3A_1291] {strides = array<i32>} : memref<3x24x512xf32, #tpu.memory_space<vmem>>, vector<16xf32>,
      tpu.vector_store %arg7[%swap3A_1289, %swap3A_1290, %swap3A_1291], %get3A_1287 {strides = array<i32>} : memref<3x24x512xf32, #tpu.memory_space<vmem>>, vector<16xf32>,
      %get3A_1293 = arith.index_cast %scan3A_1228 : i32 to index
      %get3A_1294 = arith.constant 128 : index
      %get3A_1295 = tpu.vector_load %arg6[%get3A_1293, %get3A_1294] {strides = array<i32>} : memref<24x256xf32, #tpu.memory_space<vmem>>, vector<16xf32>,
      %swap3A_1296 = arith.constant 1 : i32
      %swap3A_1297 = arith.index_cast %swap3A_1296 : i32 to index
      %swap3A_1298 = arith.index_cast %scan3A_1228 : i32 to index
      %swap3A_1299 = arith.constant 128 : index
      %swap3A_1300 = tpu.vector_load %arg7[%swap3A_1297, %swap3A_1298, %swap3A_1299] {strides = array<i32>} : memref<3x24x512xf32, #tpu.memory_space<vmem>>, vector<16xf32>,
      tpu.vector_store %arg7[%swap3A_1297, %swap3A_1298, %swap3A_1299], %get3A_1295 {strides = array<i32>} : memref<3x24x512xf32, #tpu.memory_space<vmem>>, vector<16xf32>,
      %get3A_1301 = arith.index_cast %scan3A_1228 : i32 to index
      %get3A_1302 = arith.constant 144 : index
      %get3A_1303 = tpu.vector_load %arg6[%get3A_1301, %get3A_1302] {strides = array<i32>} : memref<24x256xf32, #tpu.memory_space<vmem>>, vector<16xf32>,
      %swap3A_1304 = arith.constant 1 : i32
      %swap3A_1305 = arith.index_cast %swap3A_1304 : i32 to index
      %swap3A_1306 = arith.index_cast %scan3A_1228 : i32 to index
      %swap3A_1307 = arith.constant 144 : index
      %swap3A_1308 = tpu.vector_load %arg7[%swap3A_1305, %swap3A_1306, %swap3A_1307] {strides = array<i32>} : memref<3x24x512xf32, #tpu.memory_space<vmem>>, vector<16xf32>,
      tpu.vector_store %arg7[%swap3A_1305, %swap3A_1306, %swap3A_1307], %get3A_1303 {strides = array<i32>} : memref<3x24x512xf32, #tpu.memory_space<vmem>>, vector<16xf32>,
      %get3A_1309 = arith.index_cast %scan3A_1228 : i32 to index
      %get3A_1310 = arith.constant 160 : index
      %get3A_1311 = tpu.vector_load %arg6[%get3A_1309, %get3A_1310] {strides = array<i32>} : memref<24x256xf32, #tpu.memory_space<vmem>>, vector<16xf32>,
      %swap3A_1312 = arith.constant 1 : i32
      %swap3A_1313 = arith.index_cast %swap3A_1312 : i32 to index
      %swap3A_1314 = arith.index_cast %scan3A_1228 : i32 to index
      %swap3A_1315 = arith.constant 160 : index
      %swap3A_1316 = tpu.vector_load %arg7[%swap3A_1313, %swap3A_1314, %swap3A_1315] {strides = array<i32>} : memref<3x24x512xf32, #tpu.memory_space<vmem>>, vector<16xf32>,
      tpu.vector_store %arg7[%swap3A_1313, %swap3A_1314, %swap3A_1315], %get3A_1311 {strides = array<i32>} : memref<3x24x512xf32, #tpu.memory_space<vmem>>, vector<16xf32>,
      %get3A_1317 = arith.index_cast %scan3A_1228 : i32 to index
      %get3A_1318 = arith.constant 176 : index
      %get3A_1319 = tpu.vector_load %arg6[%get3A_1317, %get3A_1318] {strides = array<i32>} : memref<24x256xf32, #tpu.memory_space<vmem>>, vector<16xf32>,
      %swap3A_1320 = arith.constant 1 : i32
      %swap3A_1321 = arith.index_cast %swap3A_1320 : i32 to index
      %swap3A_1322 = arith.index_cast %scan3A_1228 : i32 to index
      %swap3A_1323 = arith.constant 176 : index
      %swap3A_1324 = tpu.vector_load %arg7[%swap3A_1321, %swap3A_1322, %swap3A_1323] {strides = array<i32>} : memref<3x24x512xf32, #tpu.memory_space<vmem>>, vector<16xf32>,
      tpu.vector_store %arg7[%swap3A_1321, %swap3A_1322, %swap3A_1323], %get3A_1319 {strides = array<i32>} : memref<3x24x512xf32, #tpu.memory_space<vmem>>, vector<16xf32>,
      %get3A_1325 = arith.index_cast %scan3A_1228 : i32 to index
      %get3A_1326 = arith.constant 192 : index
      %get3A_1327 = tpu.vector_load %arg6[%get3A_1325, %get3A_1326] {strides = array<i32>} : memref<24x256xf32, #tpu.memory_space<vmem>>, vector<16xf32>,
      %swap3A_1328 = arith.constant 1 : i32
      %swap3A_1329 = arith.index_cast %swap3A_1328 : i32 to index
      %swap3A_1330 = arith.index_cast %scan3A_1228 : i32 to index
      %swap3A_1331 = arith.constant 192 : index
      %swap3A_1332 = tpu.vector_load %arg7[%swap3A_1329, %swap3A_1330, %swap3A_1331] {strides = array<i32>} : memref<3x24x512xf32, #tpu.memory_space<vmem>>, vector<16xf32>,
      tpu.vector_store %arg7[%swap3A_1329, %swap3A_1330, %swap3A_1331], %get3A_1327 {strides = array<i32>} : memref<3x24x512xf32, #tpu.memory_space<vmem>>, vector<16xf32>,
      %get3A_1333 = arith.index_cast %scan3A_1228 : i32 to index
      %get3A_1334 = arith.constant 208 : index
      %get3A_1335 = tpu.vector_load %arg6[%get3A_1333, %get3A_1334] {strides = array<i32>} : memref<24x256xf32, #tpu.memory_space<vmem>>, vector<16xf32>,
      %swap3A_1336 = arith.constant 1 : i32
      %swap3A_1337 = arith.index_cast %swap3A_1336 : i32 to index
      %swap3A_1338 = arith.index_cast %scan3A_1228 : i32 to index
      %swap3A_1339 = arith.constant 208 : index
      %swap3A_1340 = tpu.vector_load %arg7[%swap3A_1337, %swap3A_1338, %swap3A_1339] {strides = array<i32>} : memref<3x24x512xf32, #tpu.memory_space<vmem>>, vector<16xf32>,
      tpu.vector_store %arg7[%swap3A_1337, %swap3A_1338, %swap3A_1339], %get3A_1335 {strides = array<i32>} : memref<3x24x512xf32, #tpu.memory_space<vmem>>, vector<16xf32>,
      %get3A_1341 = arith.index_cast %scan3A_1228 : i32 to index
      %get3A_1342 = arith.constant 224 : index
      %get3A_1343 = tpu.vector_load %arg6[%get3A_1341, %get3A_1342] {strides = array<i32>} : memref<24x256xf32, #tpu.memory_space<vmem>>, vector<16xf32>,
      %swap3A_1344 = arith.constant 1 : i32
      %swap3A_1345 = arith.index_cast %swap3A_1344 : i32 to index
      %swap3A_1346 = arith.index_cast %scan3A_1228 : i32 to index
      %swap3A_1347 = arith.constant 224 : index
      %swap3A_1348 = tpu.vector_load %arg7[%swap3A_1345, %swap3A_1346, %swap3A_1347] {strides = array<i32>} : memref<3x24x512xf32, #tpu.memory_space<vmem>>, vector<16xf32>,
      tpu.vector_store %arg7[%swap3A_1345, %swap3A_1346, %swap3A_1347], %get3A_1343 {strides = array<i32>} : memref<3x24x512xf32, #tpu.memory_space<vmem>>, vector<16xf32>,
      %get3A_1349 = arith.index_cast %scan3A_1228 : i32 to index
      %get3A_1350 = arith.constant 240 : index
      %get3A_1351 = tpu.vector_load %arg6[%get3A_1349, %get3A_1350] {strides = array<i32>} : memref<24x256xf32, #tpu.memory_space<vmem>>, vector<16xf32>,
      %swap3A_1352 = arith.constant 1 : i32
      %swap3A_1353 = arith.index_cast %swap3A_1352 : i32 to index
      %swap3A_1354 = arith.index_cast %scan3A_1228 : i32 to index
      %swap3A_1355 = arith.constant 240 : index
      %swap3A_1356 = tpu.vector_load %arg7[%swap3A_1353, %swap3A_1354, %swap3A_1355] {strides = array<i32>} : memref<3x24x512xf32, #tpu.memory_space<vmem>>, vector<16xf32>,
      tpu.vector_store %arg7[%swap3A_1353, %swap3A_1354, %swap3A_1355], %get3A_1351 {strides = array<i32>} : memref<3x24x512xf32, #tpu.memory_space<vmem>>, vector<16xf32>,
      %swap3A_1357 = arith.constant 1 : i32
      %swap3A_1358 = arith.index_cast %swap3A_1357 : i32 to index
      %swap3A_1359 = arith.index_cast %scan3A_1228 : i32 to index
      %swap3A_1360 = arith.constant 256 : index
      %swap3A_1361 = tpu.vector_load %arg7[%swap3A_1358, %swap3A_1359, %swap3A_1360] {strides = array<i32>} : memref<3x24x512xf32, #tpu.memory_space<vmem>>, vector<16xf32>,
      tpu.vector_store %arg7[%swap3A_1358, %swap3A_1359, %swap3A_1360], %get3A_314 {strides = array<i32>} : memref<3x24x512xf32, #tpu.memory_space<vmem>>, vector<16xf32>,
      %swap3A_1362 = arith.constant 1 : i32
      %swap3A_1363 = arith.index_cast %swap3A_1362 : i32 to index
      %swap3A_1364 = arith.index_cast %scan3A_1228 : i32 to index
      %swap3A_1365 = arith.constant 272 : index
      %swap3A_1366 = tpu.vector_load %arg7[%swap3A_1363, %swap3A_1364, %swap3A_1365] {strides = array<i32>} : memref<3x24x512xf32, #tpu.memory_space<vmem>>, vector<16xf32>,
      tpu.vector_store %arg7[%swap3A_1363, %swap3A_1364, %swap3A_1365], %get3A_319 {strides = array<i32>} : memref<3x24x512xf32, #tpu.memory_space<vmem>>, vector<16xf32>,
      %swap3A_1367 = arith.constant 1 : i32
      %swap3A_1368 = arith.index_cast %swap3A_1367 : i32 to index
      %swap3A_1369 = arith.index_cast %scan3A_1228 : i32 to index
      %swap3A_1370 = arith.constant 288 : index
      %swap3A_1371 = tpu.vector_load %arg7[%swap3A_1368, %swap3A_1369, %swap3A_1370] {strides = array<i32>} : memref<3x24x512xf32, #tpu.memory_space<vmem>>, vector<16xf32>,
      tpu.vector_store %arg7[%swap3A_1368, %swap3A_1369, %swap3A_1370], %get3A_324 {strides = array<i32>} : memref<3x24x512xf32, #tpu.memory_space<vmem>>, vector<16xf32>,
      %swap3A_1372 = arith.constant 1 : i32
      %swap3A_1373 = arith.index_cast %swap3A_1372 : i32 to index
      %swap3A_1374 = arith.index_cast %scan3A_1228 : i32 to index
      %swap3A_1375 = arith.constant 304 : index
      %swap3A_1376 = tpu.vector_load %arg7[%swap3A_1373, %swap3A_1374, %swap3A_1375] {strides = array<i32>} : memref<3x24x512xf32, #tpu.memory_space<vmem>>, vector<16xf32>,
      tpu.vector_store %arg7[%swap3A_1373, %swap3A_1374, %swap3A_1375], %get3A_329 {strides = array<i32>} : memref<3x24x512xf32, #tpu.memory_space<vmem>>, vector<16xf32>,
      %swap3A_1377 = arith.constant 1 : i32
      %swap3A_1378 = arith.index_cast %swap3A_1377 : i32 to index
      %swap3A_1379 = arith.index_cast %scan3A_1228 : i32 to index
      %swap3A_1380 = arith.constant 320 : index
      %swap3A_1381 = tpu.vector_load %arg7[%swap3A_1378, %swap3A_1379, %swap3A_1380] {strides = array<i32>} : memref<3x24x512xf32, #tpu.memory_space<vmem>>, vector<16xf32>,
      tpu.vector_store %arg7[%swap3A_1378, %swap3A_1379, %swap3A_1380], %get3A_334 {strides = array<i32>} : memref<3x24x512xf32, #tpu.memory_space<vmem>>, vector<16xf32>,
      %swap3A_1382 = arith.constant 1 : i32
      %swap3A_1383 = arith.index_cast %swap3A_1382 : i32 to index
      %swap3A_1384 = arith.index_cast %scan3A_1228 : i32 to index
      %swap3A_1385 = arith.constant 336 : index
      %swap3A_1386 = tpu.vector_load %arg7[%swap3A_1383, %swap3A_1384, %swap3A_1385] {strides = array<i32>} : memref<3x24x512xf32, #tpu.memory_space<vmem>>, vector<16xf32>,
      tpu.vector_store %arg7[%swap3A_1383, %swap3A_1384, %swap3A_1385], %get3A_339 {strides = array<i32>} : memref<3x24x512xf32, #tpu.memory_space<vmem>>, vector<16xf32>,
      %swap3A_1387 = arith.constant 1 : i32
      %swap3A_1388 = arith.index_cast %swap3A_1387 : i32 to index
      %swap3A_1389 = arith.index_cast %scan3A_1228 : i32 to index
      %swap3A_1390 = arith.constant 352 : index
      %swap3A_1391 = tpu.vector_load %arg7[%swap3A_1388, %swap3A_1389, %swap3A_1390] {strides = array<i32>} : memref<3x24x512xf32, #tpu.memory_space<vmem>>, vector<16xf32>,
      tpu.vector_store %arg7[%swap3A_1388, %swap3A_1389, %swap3A_1390], %get3A_344 {strides = array<i32>} : memref<3x24x512xf32, #tpu.memory_space<vmem>>, vector<16xf32>,
      %swap3A_1392 = arith.constant 1 : i32
      %swap3A_1393 = arith.index_cast %swap3A_1392 : i32 to index
      %swap3A_1394 = arith.index_cast %scan3A_1228 : i32 to index
      %swap3A_1395 = arith.constant 368 : index
      %swap3A_1396 = tpu.vector_load %arg7[%swap3A_1393, %swap3A_1394, %swap3A_1395] {strides = array<i32>} : memref<3x24x512xf32, #tpu.memory_space<vmem>>, vector<16xf32>,
      tpu.vector_store %arg7[%swap3A_1393, %swap3A_1394, %swap3A_1395], %get3A_349 {strides = array<i32>} : memref<3x24x512xf32, #tpu.memory_space<vmem>>, vector<16xf32>,
      %swap3A_1397 = arith.constant 1 : i32
      %swap3A_1398 = arith.index_cast %swap3A_1397 : i32 to index
      %swap3A_1399 = arith.index_cast %scan3A_1228 : i32 to index
      %swap3A_1400 = arith.constant 384 : index
      %swap3A_1401 = tpu.vector_load %arg7[%swap3A_1398, %swap3A_1399, %swap3A_1400] {strides = array<i32>} : memref<3x24x512xf32, #tpu.memory_space<vmem>>, vector<16xf32>,
      tpu.vector_store %arg7[%swap3A_1398, %swap3A_1399, %swap3A_1400], %get3A_354 {strides = array<i32>} : memref<3x24x512xf32, #tpu.memory_space<vmem>>, vector<16xf32>,
      %swap3A_1402 = arith.constant 1 : i32
      %swap3A_1403 = arith.index_cast %swap3A_1402 : i32 to index
      %swap3A_1404 = arith.index_cast %scan3A_1228 : i32 to index
      %swap3A_1405 = arith.constant 400 : index
      %swap3A_1406 = tpu.vector_load %arg7[%swap3A_1403, %swap3A_1404, %swap3A_1405] {strides = array<i32>} : memref<3x24x512xf32, #tpu.memory_space<vmem>>, vector<16xf32>,
      tpu.vector_store %arg7[%swap3A_1403, %swap3A_1404, %swap3A_1405], %get3A_359 {strides = array<i32>} : memref<3x24x512xf32, #tpu.memory_space<vmem>>, vector<16xf32>,
      %swap3A_1407 = arith.constant 1 : i32
      %swap3A_1408 = arith.index_cast %swap3A_1407 : i32 to index
      %swap3A_1409 = arith.index_cast %scan3A_1228 : i32 to index
      %swap3A_1410 = arith.constant 416 : index
      %swap3A_1411 = tpu.vector_load %arg7[%swap3A_1408, %swap3A_1409, %swap3A_1410] {strides = array<i32>} : memref<3x24x512xf32, #tpu.memory_space<vmem>>, vector<16xf32>,
      tpu.vector_store %arg7[%swap3A_1408, %swap3A_1409, %swap3A_1410], %get3A_364 {strides = array<i32>} : memref<3x24x512xf32, #tpu.memory_space<vmem>>, vector<16xf32>,
      %swap3A_1412 = arith.constant 1 : i32
      %swap3A_1413 = arith.index_cast %swap3A_1412 : i32 to index
      %swap3A_1414 = arith.index_cast %scan3A_1228 : i32 to index
      %swap3A_1415 = arith.constant 432 : index
      %swap3A_1416 = tpu.vector_load %arg7[%swap3A_1413, %swap3A_1414, %swap3A_1415] {strides = array<i32>} : memref<3x24x512xf32, #tpu.memory_space<vmem>>, vector<16xf32>,
      tpu.vector_store %arg7[%swap3A_1413, %swap3A_1414, %swap3A_1415], %get3A_369 {strides = array<i32>} : memref<3x24x512xf32, #tpu.memory_space<vmem>>, vector<16xf32>,
      %swap3A_1417 = arith.constant 1 : i32
      %swap3A_1418 = arith.index_cast %swap3A_1417 : i32 to index
      %swap3A_1419 = arith.index_cast %scan3A_1228 : i32 to index
      %swap3A_1420 = arith.constant 448 : index
      %swap3A_1421 = tpu.vector_load %arg7[%swap3A_1418, %swap3A_1419, %swap3A_1420] {strides = array<i32>} : memref<3x24x512xf32, #tpu.memory_space<vmem>>, vector<16xf32>,
      tpu.vector_store %arg7[%swap3A_1418, %swap3A_1419, %swap3A_1420], %get3A_374 {strides = array<i32>} : memref<3x24x512xf32, #tpu.memory_space<vmem>>, vector<16xf32>,
      %swap3A_1422 = arith.constant 1 : i32
      %swap3A_1423 = arith.index_cast %swap3A_1422 : i32 to index
      %swap3A_1424 = arith.index_cast %scan3A_1228 : i32 to index
      %swap3A_1425 = arith.constant 464 : index
      %swap3A_1426 = tpu.vector_load %arg7[%swap3A_1423, %swap3A_1424, %swap3A_1425] {strides = array<i32>} : memref<3x24x512xf32, #tpu.memory_space<vmem>>, vector<16xf32>,
      tpu.vector_store %arg7[%swap3A_1423, %swap3A_1424, %swap3A_1425], %get3A_379 {strides = array<i32>} : memref<3x24x512xf32, #tpu.memory_space<vmem>>, vector<16xf32>,
      %swap3A_1427 = arith.constant 1 : i32
      %swap3A_1428 = arith.index_cast %swap3A_1427 : i32 to index
      %swap3A_1429 = arith.index_cast %scan3A_1228 : i32 to index
      %swap3A_1430 = arith.constant 480 : index
      %swap3A_1431 = tpu.vector_load %arg7[%swap3A_1428, %swap3A_1429, %swap3A_1430] {strides = array<i32>} : memref<3x24x512xf32, #tpu.memory_space<vmem>>, vector<16xf32>,
      tpu.vector_store %arg7[%swap3A_1428, %swap3A_1429, %swap3A_1430], %get3A_384 {strides = array<i32>} : memref<3x24x512xf32, #tpu.memory_space<vmem>>, vector<16xf32>,
      %swap3A_1432 = arith.constant 1 : i32
      %swap3A_1433 = arith.index_cast %swap3A_1432 : i32 to index
      %swap3A_1434 = arith.index_cast %scan3A_1228 : i32 to index
      %swap3A_1435 = arith.constant 496 : index
      %swap3A_1436 = tpu.vector_load %arg7[%swap3A_1433, %swap3A_1434, %swap3A_1435] {strides = array<i32>} : memref<3x24x512xf32, #tpu.memory_space<vmem>>, vector<16xf32>,
      tpu.vector_store %arg7[%swap3A_1433, %swap3A_1434, %swap3A_1435], %get3A_389 {strides = array<i32>} : memref<3x24x512xf32, #tpu.memory_space<vmem>>, vector<16xf32>,
      %scan3A_1437 = arith.constant 0 : i32
      scf.yield %scan3A_1437 : i32
    }
    %scan3A_396 = arith.constant 24 : i32
    %add3A_397 = arith.constant 0 : i32
    %add3A_398 = arith.addi %mul3A_34, %add3A_397 : i32
    %add3A_399 = arith.constant 1 : i32
    %add3A_400 = arith.addi %mul3A_32, %add3A_399 : i32
    %dma_start3A_401 = arith.constant 1 : i32
    %dma_start3A_402 = arith.constant 0 : i32
    %dma_start3A_403 = arith.constant 0 : i32
    %dma_start3A_404 = tpu.memref_slice %arg7[%dma_start3A_401, %dma_start3A_402, %dma_start3A_403] : memref<3x24x512xf32, #tpu.memory_space<vmem>> -> memref<1x24x512xf32, #tpu.memory_space<vmem>>
    %dma_start3A_405 = tpu.memref_squeeze %dma_start3A_404 : memref<1x24x512xf32, #tpu.memory_space<vmem>> -> memref<24x512xf32, #tpu.memory_space<vmem>>
    %dma_start3A_406 = arith.constant 0 : i32
    %dma_start3A_407 = arith.constant 0 : i32
    %dma_start3A_408 = tpu.memref_slice %arg4[%add3A_398, %add3A_400, %dma_start3A_406, %dma_start3A_407] : memref<32x24x24x512xf32, #tpu.memory_space<hbm>> -> memref<1x1x24x512xf32, #tpu.memory_space<hbm>>
    %dma_start3A_409 = tpu.memref_squeeze %dma_start3A_408 : memref<1x1x24x512xf32, #tpu.memory_space<hbm>> -> memref<24x512xf32, #tpu.memory_space<hbm>>
    %dma_start3A_410 = arith.constant 0 : i32
    %dma_start3A_411 = arith.constant 0 : i32
    %dma_start3A_412 = tpu.memref_slice %arg4[%add3A_398, %add3A_400, %dma_start3A_410, %dma_start3A_411] : memref<32x24x24x512xf32, #tpu.memory_space<hbm>> -> memref<1x1x24x512xf32, #tpu.memory_space<hbm>>
    %dma_start3A_413 = tpu.memref_squeeze %dma_start3A_412 : memref<1x1x24x512xf32, #tpu.memory_space<hbm>> -> memref<24x512xf32, #tpu.memory_space<hbm>>
    %dma_start3A_414 = arith.constant 0 : i32
    %dma_start3A_415 = arith.constant 0 : i32
    %dma_start3A_416 = tpu.memref_slice %arg7[%dma_start3A_401, %dma_start3A_414, %dma_start3A_415] : memref<3x24x512xf32, #tpu.memory_space<vmem>> -> memref<1x24x512xf32, #tpu.memory_space<vmem>>
    %dma_start3A_417 = tpu.memref_squeeze %dma_start3A_416 : memref<1x24x512xf32, #tpu.memory_space<vmem>> -> memref<24x512xf32, #tpu.memory_space<vmem>>
    tpu.enqueue_dma source(%dma_start3A_417 : memref<24x512xf32, #tpu.memory_space<vmem>>) target(%dma_start3A_413 : memref<24x512xf32, #tpu.memory_space<hbm>>) target_semaphore(%arg8 : memref<!tpu.dma_semaphore, #tpu.memory_space<semaphore_mem>>)
    %add3A_418 = arith.constant 1 : i32
    %add3A_419 = arith.addi %mul3A_34, %add3A_418 : i32
    %add3A_420 = arith.constant 1 : i32
    %add3A_421 = arith.addi %mul3A_32, %add3A_420 : i32
    %dma_start3A_422 = arith.constant 1 : i32
    %dma_start3A_423 = arith.constant 0 : i32
    %dma_start3A_424 = arith.constant 0 : i32
    %dma_start3A_425 = tpu.memref_slice %arg7[%dma_start3A_422, %dma_start3A_423, %dma_start3A_424] : memref<3x24x512xf32, #tpu.memory_space<vmem>> -> memref<1x24x512xf32, #tpu.memory_space<vmem>>
    %dma_start3A_426 = tpu.memref_squeeze %dma_start3A_425 : memref<1x24x512xf32, #tpu.memory_space<vmem>> -> memref<24x512xf32, #tpu.memory_space<vmem>>
    %dma_start3A_427 = arith.constant 0 : i32
    %dma_start3A_428 = arith.constant 0 : i32
    %dma_start3A_429 = tpu.memref_slice %arg4[%add3A_419, %add3A_421, %dma_start3A_427, %dma_start3A_428] : memref<32x24x24x512xf32, #tpu.memory_space<hbm>> -> memref<1x1x24x512xf32, #tpu.memory_space<hbm>>
    %dma_start3A_430 = tpu.memref_squeeze %dma_start3A_429 : memref<1x1x24x512xf32, #tpu.memory_space<hbm>> -> memref<24x512xf32, #tpu.memory_space<hbm>>
    %dma_start3A_431 = arith.constant 0 : i32
    %dma_start3A_432 = arith.constant 0 : i32
    %dma_start3A_433 = tpu.memref_slice %arg4[%add3A_419, %add3A_421, %dma_start3A_431, %dma_start3A_432] : memref<32x24x24x512xf32, #tpu.memory_space<hbm>> -> memref<1x1x24x512xf32, #tpu.memory_space<hbm>>
    %dma_start3A_434 = tpu.memref_squeeze %dma_start3A_433 : memref<1x1x24x512xf32, #tpu.memory_space<hbm>> -> memref<24x512xf32, #tpu.memory_space<hbm>>
    %dma_start3A_435 = arith.constant 0 : i32
    %dma_start3A_436 = arith.constant 0 : i32
    %dma_start3A_437 = tpu.memref_slice %arg7[%dma_start3A_422, %dma_start3A_435, %dma_start3A_436] : memref<3x24x512xf32, #tpu.memory_space<vmem>> -> memref<1x24x512xf32, #tpu.memory_space<vmem>>
    %dma_start3A_438 = tpu.memref_squeeze %dma_start3A_437 : memref<1x24x512xf32, #tpu.memory_space<vmem>> -> memref<24x512xf32, #tpu.memory_space<vmem>>
    tpu.enqueue_dma source(%dma_start3A_438 : memref<24x512xf32, #tpu.memory_space<vmem>>) target(%dma_start3A_434 : memref<24x512xf32, #tpu.memory_space<hbm>>) target_semaphore(%arg8 : memref<!tpu.dma_semaphore, #tpu.memory_space<semaphore_mem>>)
    %add3A_439 = arith.constant 2 : i32
    %add3A_440 = arith.addi %mul3A_34, %add3A_439 : i32
    %add3A_441 = arith.constant 1 : i32
    %add3A_442 = arith.addi %mul3A_32, %add3A_441 : i32
    %dma_start3A_443 = arith.constant 1 : i32
    %dma_start3A_444 = arith.constant 0 : i32
    %dma_start3A_445 = arith.constant 0 : i32
    %dma_start3A_446 = tpu.memref_slice %arg7[%dma_start3A_443, %dma_start3A_444, %dma_start3A_445] : memref<3x24x512xf32, #tpu.memory_space<vmem>> -> memref<1x24x512xf32, #tpu.memory_space<vmem>>
    %dma_start3A_447 = tpu.memref_squeeze %dma_start3A_446 : memref<1x24x512xf32, #tpu.memory_space<vmem>> -> memref<24x512xf32, #tpu.memory_space<vmem>>
    %dma_start3A_448 = arith.constant 0 : i32
    %dma_start3A_449 = arith.constant 0 : i32
    %dma_start3A_450 = tpu.memref_slice %arg4[%add3A_440, %add3A_442, %dma_start3A_448, %dma_start3A_449] : memref<32x24x24x512xf32, #tpu.memory_space<hbm>> -> memref<1x1x24x512xf32, #tpu.memory_space<hbm>>
    %dma_start3A_451 = tpu.memref_squeeze %dma_start3A_450 : memref<1x1x24x512xf32, #tpu.memory_space<hbm>> -> memref<24x512xf32, #tpu.memory_space<hbm>>
    %dma_start3A_452 = arith.constant 0 : i32
    %dma_start3A_453 = arith.constant 0 : i32
    %dma_start3A_454 = tpu.memref_slice %arg4[%add3A_440, %add3A_442, %dma_start3A_452, %dma_start3A_453] : memref<32x24x24x512xf32, #tpu.memory_space<hbm>> -> memref<1x1x24x512xf32, #tpu.memory_space<hbm>>
    %dma_start3A_455 = tpu.memref_squeeze %dma_start3A_454 : memref<1x1x24x512xf32, #tpu.memory_space<hbm>> -> memref<24x512xf32, #tpu.memory_space<hbm>>
    %dma_start3A_456 = arith.constant 0 : i32
    %dma_start3A_457 = arith.constant 0 : i32
    %dma_start3A_458 = tpu.memref_slice %arg7[%dma_start3A_443, %dma_start3A_456, %dma_start3A_457] : memref<3x24x512xf32, #tpu.memory_space<vmem>> -> memref<1x24x512xf32, #tpu.memory_space<vmem>>
    %dma_start3A_459 = tpu.memref_squeeze %dma_start3A_458 : memref<1x24x512xf32, #tpu.memory_space<vmem>> -> memref<24x512xf32, #tpu.memory_space<vmem>>
    tpu.enqueue_dma source(%dma_start3A_459 : memref<24x512xf32, #tpu.memory_space<vmem>>) target(%dma_start3A_455 : memref<24x512xf32, #tpu.memory_space<hbm>>) target_semaphore(%arg8 : memref<!tpu.dma_semaphore, #tpu.memory_space<semaphore_mem>>)
    %add3A_460 = arith.constant 3 : i32
    %add3A_461 = arith.addi %mul3A_34, %add3A_460 : i32
    %add3A_462 = arith.constant 1 : i32
    %add3A_463 = arith.addi %mul3A_32, %add3A_462 : i32
    %dma_start3A_464 = arith.constant 1 : i32
    %dma_start3A_465 = arith.constant 0 : i32
    %dma_start3A_466 = arith.constant 0 : i32
    %dma_start3A_467 = tpu.memref_slice %arg7[%dma_start3A_464, %dma_start3A_465, %dma_start3A_466] : memref<3x24x512xf32, #tpu.memory_space<vmem>> -> memref<1x24x512xf32, #tpu.memory_space<vmem>>
    %dma_start3A_468 = tpu.memref_squeeze %dma_start3A_467 : memref<1x24x512xf32, #tpu.memory_space<vmem>> -> memref<24x512xf32, #tpu.memory_space<vmem>>
    %dma_start3A_469 = arith.constant 0 : i32
    %dma_start3A_470 = arith.constant 0 : i32
    %dma_start3A_471 = tpu.memref_slice %arg4[%add3A_461, %add3A_463, %dma_start3A_469, %dma_start3A_470] : memref<32x24x24x512xf32, #tpu.memory_space<hbm>> -> memref<1x1x24x512xf32, #tpu.memory_space<hbm>>
    %dma_start3A_472 = tpu.memref_squeeze %dma_start3A_471 : memref<1x1x24x512xf32, #tpu.memory_space<hbm>> -> memref<24x512xf32, #tpu.memory_space<hbm>>
    %dma_start3A_473 = arith.constant 0 : i32
    %dma_start3A_474 = arith.constant 0 : i32
    %dma_start3A_475 = tpu.memref_slice %arg4[%add3A_461, %add3A_463, %dma_start3A_473, %dma_start3A_474] : memref<32x24x24x512xf32, #tpu.memory_space<hbm>> -> memref<1x1x24x512xf32, #tpu.memory_space<hbm>>
    %dma_start3A_476 = tpu.memref_squeeze %dma_start3A_475 : memref<1x1x24x512xf32, #tpu.memory_space<hbm>> -> memref<24x512xf32, #tpu.memory_space<hbm>>
    %dma_start3A_477 = arith.constant 0 : i32
    %dma_start3A_478 = arith.constant 0 : i32
    %dma_start3A_479 = tpu.memref_slice %arg7[%dma_start3A_464, %dma_start3A_477, %dma_start3A_478] : memref<3x24x512xf32, #tpu.memory_space<vmem>> -> memref<1x24x512xf32, #tpu.memory_space<vmem>>
    %dma_start3A_480 = tpu.memref_squeeze %dma_start3A_479 : memref<1x24x512xf32, #tpu.memory_space<vmem>> -> memref<24x512xf32, #tpu.memory_space<vmem>>
    tpu.enqueue_dma source(%dma_start3A_480 : memref<24x512xf32, #tpu.memory_space<vmem>>) target(%dma_start3A_476 : memref<24x512xf32, #tpu.memory_space<hbm>>) target_semaphore(%arg8 : memref<!tpu.dma_semaphore, #tpu.memory_space<semaphore_mem>>)
    %add3A_481 = arith.constant 4 : i32
    %add3A_482 = arith.addi %mul3A_34, %add3A_481 : i32
    %add3A_483 = arith.constant 1 : i32
    %add3A_484 = arith.addi %mul3A_32, %add3A_483 : i32
    %dma_start3A_485 = arith.constant 1 : i32
    %dma_start3A_486 = arith.constant 0 : i32
    %dma_start3A_487 = arith.constant 0 : i32
    %dma_start3A_488 = tpu.memref_slice %arg7[%dma_start3A_485, %dma_start3A_486, %dma_start3A_487] : memref<3x24x512xf32, #tpu.memory_space<vmem>> -> memref<1x24x512xf32, #tpu.memory_space<vmem>>
    %dma_start3A_489 = tpu.memref_squeeze %dma_start3A_488 : memref<1x24x512xf32, #tpu.memory_space<vmem>> -> memref<24x512xf32, #tpu.memory_space<vmem>>
    %dma_start3A_490 = arith.constant 0 : i32
    %dma_start3A_491 = arith.constant 0 : i32
    %dma_start3A_492 = tpu.memref_slice %arg4[%add3A_482, %add3A_484, %dma_start3A_490, %dma_start3A_491] : memref<32x24x24x512xf32, #tpu.memory_space<hbm>> -> memref<1x1x24x512xf32, #tpu.memory_space<hbm>>
    %dma_start3A_493 = tpu.memref_squeeze %dma_start3A_492 : memref<1x1x24x512xf32, #tpu.memory_space<hbm>> -> memref<24x512xf32, #tpu.memory_space<hbm>>
    %dma_start3A_494 = arith.constant 0 : i32
    %dma_start3A_495 = arith.constant 0 : i32
    %dma_start3A_496 = tpu.memref_slice %arg4[%add3A_482, %add3A_484, %dma_start3A_494, %dma_start3A_495] : memref<32x24x24x512xf32, #tpu.memory_space<hbm>> -> memref<1x1x24x512xf32, #tpu.memory_space<hbm>>
    %dma_start3A_497 = tpu.memref_squeeze %dma_start3A_496 : memref<1x1x24x512xf32, #tpu.memory_space<hbm>> -> memref<24x512xf32, #tpu.memory_space<hbm>>
    %dma_start3A_498 = arith.constant 0 : i32
    %dma_start3A_499 = arith.constant 0 : i32
    %dma_start3A_500 = tpu.memref_slice %arg7[%dma_start3A_485, %dma_start3A_498, %dma_start3A_499] : memref<3x24x512xf32, #tpu.memory_space<vmem>> -> memref<1x24x512xf32, #tpu.memory_space<vmem>>
    %dma_start3A_501 = tpu.memref_squeeze %dma_start3A_500 : memref<1x24x512xf32, #tpu.memory_space<vmem>> -> memref<24x512xf32, #tpu.memory_space<vmem>>
    tpu.enqueue_dma source(%dma_start3A_501 : memref<24x512xf32, #tpu.memory_space<vmem>>) target(%dma_start3A_497 : memref<24x512xf32, #tpu.memory_space<hbm>>) target_semaphore(%arg8 : memref<!tpu.dma_semaphore, #tpu.memory_space<semaphore_mem>>)
    %add3A_502 = arith.constant 5 : i32
    %add3A_503 = arith.addi %mul3A_34, %add3A_502 : i32
    %add3A_504 = arith.constant 1 : i32
    %add3A_505 = arith.addi %mul3A_32, %add3A_504 : i32
    %dma_start3A_506 = arith.constant 1 : i32
    %dma_start3A_507 = arith.constant 0 : i32
    %dma_start3A_508 = arith.constant 0 : i32
    %dma_start3A_509 = tpu.memref_slice %arg7[%dma_start3A_506, %dma_start3A_507, %dma_start3A_508] : memref<3x24x512xf32, #tpu.memory_space<vmem>> -> memref<1x24x512xf32, #tpu.memory_space<vmem>>
    %dma_start3A_510 = tpu.memref_squeeze %dma_start3A_509 : memref<1x24x512xf32, #tpu.memory_space<vmem>> -> memref<24x512xf32, #tpu.memory_space<vmem>>
    %dma_start3A_511 = arith.constant 0 : i32
    %dma_start3A_512 = arith.constant 0 : i32
    %dma_start3A_513 = tpu.memref_slice %arg4[%add3A_503, %add3A_505, %dma_start3A_511, %dma_start3A_512] : memref<32x24x24x512xf32, #tpu.memory_space<hbm>> -> memref<1x1x24x512xf32, #tpu.memory_space<hbm>>
    %dma_start3A_514 = tpu.memref_squeeze %dma_start3A_513 : memref<1x1x24x512xf32, #tpu.memory_space<hbm>> -> memref<24x512xf32, #tpu.memory_space<hbm>>
    %dma_start3A_515 = arith.constant 0 : i32
    %dma_start3A_516 = arith.constant 0 : i32
    %dma_start3A_517 = tpu.memref_slice %arg4[%add3A_503, %add3A_505, %dma_start3A_515, %dma_start3A_516] : memref<32x24x24x512xf32, #tpu.memory_space<hbm>> -> memref<1x1x24x512xf32, #tpu.memory_space<hbm>>
    %dma_start3A_518 = tpu.memref_squeeze %dma_start3A_517 : memref<1x1x24x512xf32, #tpu.memory_space<hbm>> -> memref<24x512xf32, #tpu.memory_space<hbm>>
    %dma_start3A_519 = arith.constant 0 : i32
    %dma_start3A_520 = arith.constant 0 : i32
    %dma_start3A_521 = tpu.memref_slice %arg7[%dma_start3A_506, %dma_start3A_519, %dma_start3A_520] : memref<3x24x512xf32, #tpu.memory_space<vmem>> -> memref<1x24x512xf32, #tpu.memory_space<vmem>>
    %dma_start3A_522 = tpu.memref_squeeze %dma_start3A_521 : memref<1x24x512xf32, #tpu.memory_space<vmem>> -> memref<24x512xf32, #tpu.memory_space<vmem>>
    tpu.enqueue_dma source(%dma_start3A_522 : memref<24x512xf32, #tpu.memory_space<vmem>>) target(%dma_start3A_518 : memref<24x512xf32, #tpu.memory_space<hbm>>) target_semaphore(%arg8 : memref<!tpu.dma_semaphore, #tpu.memory_space<semaphore_mem>>)
    %add3A_523 = arith.constant 6 : i32
    %add3A_524 = arith.addi %mul3A_34, %add3A_523 : i32
    %add3A_525 = arith.constant 1 : i32
    %add3A_526 = arith.addi %mul3A_32, %add3A_525 : i32
    %dma_start3A_527 = arith.constant 1 : i32
    %dma_start3A_528 = arith.constant 0 : i32
    %dma_start3A_529 = arith.constant 0 : i32
    %dma_start3A_530 = tpu.memref_slice %arg7[%dma_start3A_527, %dma_start3A_528, %dma_start3A_529] : memref<3x24x512xf32, #tpu.memory_space<vmem>> -> memref<1x24x512xf32, #tpu.memory_space<vmem>>
    %dma_start3A_531 = tpu.memref_squeeze %dma_start3A_530 : memref<1x24x512xf32, #tpu.memory_space<vmem>> -> memref<24x512xf32, #tpu.memory_space<vmem>>
    %dma_start3A_532 = arith.constant 0 : i32
    %dma_start3A_533 = arith.constant 0 : i32
    %dma_start3A_534 = tpu.memref_slice %arg4[%add3A_524, %add3A_526, %dma_start3A_532, %dma_start3A_533] : memref<32x24x24x512xf32, #tpu.memory_space<hbm>> -> memref<1x1x24x512xf32, #tpu.memory_space<hbm>>
    %dma_start3A_535 = tpu.memref_squeeze %dma_start3A_534 : memref<1x1x24x512xf32, #tpu.memory_space<hbm>> -> memref<24x512xf32, #tpu.memory_space<hbm>>
    %dma_start3A_536 = arith.constant 0 : i32
    %dma_start3A_537 = arith.constant 0 : i32
    %dma_start3A_538 = tpu.memref_slice %arg4[%add3A_524, %add3A_526, %dma_start3A_536, %dma_start3A_537] : memref<32x24x24x512xf32, #tpu.memory_space<hbm>> -> memref<1x1x24x512xf32, #tpu.memory_space<hbm>>
    %dma_start3A_539 = tpu.memref_squeeze %dma_start3A_538 : memref<1x1x24x512xf32, #tpu.memory_space<hbm>> -> memref<24x512xf32, #tpu.memory_space<hbm>>
    %dma_start3A_540 = arith.constant 0 : i32
    %dma_start3A_541 = arith.constant 0 : i32
    %dma_start3A_542 = tpu.memref_slice %arg7[%dma_start3A_527, %dma_start3A_540, %dma_start3A_541] : memref<3x24x512xf32, #tpu.memory_space<vmem>> -> memref<1x24x512xf32, #tpu.memory_space<vmem>>
    %dma_start3A_543 = tpu.memref_squeeze %dma_start3A_542 : memref<1x24x512xf32, #tpu.memory_space<vmem>> -> memref<24x512xf32, #tpu.memory_space<vmem>>
    tpu.enqueue_dma source(%dma_start3A_543 : memref<24x512xf32, #tpu.memory_space<vmem>>) target(%dma_start3A_539 : memref<24x512xf32, #tpu.memory_space<hbm>>) target_semaphore(%arg8 : memref<!tpu.dma_semaphore, #tpu.memory_space<semaphore_mem>>)
    %add3A_544 = arith.constant 7 : i32
    %add3A_545 = arith.addi %mul3A_34, %add3A_544 : i32
    %add3A_546 = arith.constant 1 : i32
    %add3A_547 = arith.addi %mul3A_32, %add3A_546 : i32
    %dma_start3A_548 = arith.constant 1 : i32
    %dma_start3A_549 = arith.constant 0 : i32
    %dma_start3A_550 = arith.constant 0 : i32
    %dma_start3A_551 = tpu.memref_slice %arg7[%dma_start3A_548, %dma_start3A_549, %dma_start3A_550] : memref<3x24x512xf32, #tpu.memory_space<vmem>> -> memref<1x24x512xf32, #tpu.memory_space<vmem>>
    %dma_start3A_552 = tpu.memref_squeeze %dma_start3A_551 : memref<1x24x512xf32, #tpu.memory_space<vmem>> -> memref<24x512xf32, #tpu.memory_space<vmem>>
    %dma_start3A_553 = arith.constant 0 : i32
    %dma_start3A_554 = arith.constant 0 : i32
    %dma_start3A_555 = tpu.memref_slice %arg4[%add3A_545, %add3A_547, %dma_start3A_553, %dma_start3A_554] : memref<32x24x24x512xf32, #tpu.memory_space<hbm>> -> memref<1x1x24x512xf32, #tpu.memory_space<hbm>>
    %dma_start3A_556 = tpu.memref_squeeze %dma_start3A_555 : memref<1x1x24x512xf32, #tpu.memory_space<hbm>> -> memref<24x512xf32, #tpu.memory_space<hbm>>
    %dma_start3A_557 = arith.constant 0 : i32
    %dma_start3A_558 = arith.constant 0 : i32
    %dma_start3A_559 = tpu.memref_slice %arg4[%add3A_545, %add3A_547, %dma_start3A_557, %dma_start3A_558] : memref<32x24x24x512xf32, #tpu.memory_space<hbm>> -> memref<1x1x24x512xf32, #tpu.memory_space<hbm>>
    %dma_start3A_560 = tpu.memref_squeeze %dma_start3A_559 : memref<1x1x24x512xf32, #tpu.memory_space<hbm>> -> memref<24x512xf32, #tpu.memory_space<hbm>>
    %dma_start3A_561 = arith.constant 0 : i32
    %dma_start3A_562 = arith.constant 0 : i32
    %dma_start3A_563 = tpu.memref_slice %arg7[%dma_start3A_548, %dma_start3A_561, %dma_start3A_562] : memref<3x24x512xf32, #tpu.memory_space<vmem>> -> memref<1x24x512xf32, #tpu.memory_space<vmem>>
    %dma_start3A_564 = tpu.memref_squeeze %dma_start3A_563 : memref<1x24x512xf32, #tpu.memory_space<vmem>> -> memref<24x512xf32, #tpu.memory_space<vmem>>
    tpu.enqueue_dma source(%dma_start3A_564 : memref<24x512xf32, #tpu.memory_space<vmem>>) target(%dma_start3A_560 : memref<24x512xf32, #tpu.memory_space<hbm>>) target_semaphore(%arg8 : memref<!tpu.dma_semaphore, #tpu.memory_space<semaphore_mem>>)
    %add3A_565 = arith.constant 2 : i32
    %add3A_566 = arith.addi %mul3A_32, %add3A_565 : i32
    %get3A_567 = arith.index_cast %add3A_566 : i32 to index
    %get3A_568 = arith.constant 0 : index
    %get3A_569 = tpu.vector_load %arg5[%get3A_567, %get3A_568] {strides = array<i32>} : memref<24x256xf32, #tpu.memory_space<vmem>>, vector<16xf32>,
    %add3A_570 = arith.constant 2 : i32
    %add3A_571 = arith.addi %mul3A_32, %add3A_570 : i32
    %get3A_572 = arith.index_cast %add3A_571 : i32 to index
    %get3A_573 = arith.constant 16 : index
    %get3A_574 = tpu.vector_load %arg5[%get3A_572, %get3A_573] {strides = array<i32>} : memref<24x256xf32, #tpu.memory_space<vmem>>, vector<16xf32>,
    %add3A_575 = arith.constant 2 : i32
    %add3A_576 = arith.addi %mul3A_32, %add3A_575 : i32
    %get3A_577 = arith.index_cast %add3A_576 : i32 to index
    %get3A_578 = arith.constant 32 : index
    %get3A_579 = tpu.vector_load %arg5[%get3A_577, %get3A_578] {strides = array<i32>} : memref<24x256xf32, #tpu.memory_space<vmem>>, vector<16xf32>,
    %add3A_580 = arith.constant 2 : i32
    %add3A_581 = arith.addi %mul3A_32, %add3A_580 : i32
    %get3A_582 = arith.index_cast %add3A_581 : i32 to index
    %get3A_583 = arith.constant 48 : index
    %get3A_584 = tpu.vector_load %arg5[%get3A_582, %get3A_583] {strides = array<i32>} : memref<24x256xf32, #tpu.memory_space<vmem>>, vector<16xf32>,
    %add3A_585 = arith.constant 2 : i32
    %add3A_586 = arith.addi %mul3A_32, %add3A_585 : i32
    %get3A_587 = arith.index_cast %add3A_586 : i32 to index
    %get3A_588 = arith.constant 64 : index
    %get3A_589 = tpu.vector_load %arg5[%get3A_587, %get3A_588] {strides = array<i32>} : memref<24x256xf32, #tpu.memory_space<vmem>>, vector<16xf32>,
    %add3A_590 = arith.constant 2 : i32
    %add3A_591 = arith.addi %mul3A_32, %add3A_590 : i32
    %get3A_592 = arith.index_cast %add3A_591 : i32 to index
    %get3A_593 = arith.constant 80 : index
    %get3A_594 = tpu.vector_load %arg5[%get3A_592, %get3A_593] {strides = array<i32>} : memref<24x256xf32, #tpu.memory_space<vmem>>, vector<16xf32>,
    %add3A_595 = arith.constant 2 : i32
    %add3A_596 = arith.addi %mul3A_32, %add3A_595 : i32
    %get3A_597 = arith.index_cast %add3A_596 : i32 to index
    %get3A_598 = arith.constant 96 : index
    %get3A_599 = tpu.vector_load %arg5[%get3A_597, %get3A_598] {strides = array<i32>} : memref<24x256xf32, #tpu.memory_space<vmem>>, vector<16xf32>,
    %add3A_600 = arith.constant 2 : i32
    %add3A_601 = arith.addi %mul3A_32, %add3A_600 : i32
    %get3A_602 = arith.index_cast %add3A_601 : i32 to index
    %get3A_603 = arith.constant 112 : index
    %get3A_604 = tpu.vector_load %arg5[%get3A_602, %get3A_603] {strides = array<i32>} : memref<24x256xf32, #tpu.memory_space<vmem>>, vector<16xf32>,
    %add3A_605 = arith.constant 2 : i32
    %add3A_606 = arith.addi %mul3A_32, %add3A_605 : i32
    %get3A_607 = arith.index_cast %add3A_606 : i32 to index
    %get3A_608 = arith.constant 128 : index
    %get3A_609 = tpu.vector_load %arg5[%get3A_607, %get3A_608] {strides = array<i32>} : memref<24x256xf32, #tpu.memory_space<vmem>>, vector<16xf32>,
    %add3A_610 = arith.constant 2 : i32
    %add3A_611 = arith.addi %mul3A_32, %add3A_610 : i32
    %get3A_612 = arith.index_cast %add3A_611 : i32 to index
    %get3A_613 = arith.constant 144 : index
    %get3A_614 = tpu.vector_load %arg5[%get3A_612, %get3A_613] {strides = array<i32>} : memref<24x256xf32, #tpu.memory_space<vmem>>, vector<16xf32>,
    %add3A_615 = arith.constant 2 : i32
    %add3A_616 = arith.addi %mul3A_32, %add3A_615 : i32
    %get3A_617 = arith.index_cast %add3A_616 : i32 to index
    %get3A_618 = arith.constant 160 : index
    %get3A_619 = tpu.vector_load %arg5[%get3A_617, %get3A_618] {strides = array<i32>} : memref<24x256xf32, #tpu.memory_space<vmem>>, vector<16xf32>,
    %add3A_620 = arith.constant 2 : i32
    %add3A_621 = arith.addi %mul3A_32, %add3A_620 : i32
    %get3A_622 = arith.index_cast %add3A_621 : i32 to index
    %get3A_623 = arith.constant 176 : index
    %get3A_624 = tpu.vector_load %arg5[%get3A_622, %get3A_623] {strides = array<i32>} : memref<24x256xf32, #tpu.memory_space<vmem>>, vector<16xf32>,
    %add3A_625 = arith.constant 2 : i32
    %add3A_626 = arith.addi %mul3A_32, %add3A_625 : i32
    %get3A_627 = arith.index_cast %add3A_626 : i32 to index
    %get3A_628 = arith.constant 192 : index
    %get3A_629 = tpu.vector_load %arg5[%get3A_627, %get3A_628] {strides = array<i32>} : memref<24x256xf32, #tpu.memory_space<vmem>>, vector<16xf32>,
    %add3A_630 = arith.constant 2 : i32
    %add3A_631 = arith.addi %mul3A_32, %add3A_630 : i32
    %get3A_632 = arith.index_cast %add3A_631 : i32 to index
    %get3A_633 = arith.constant 208 : index
    %get3A_634 = tpu.vector_load %arg5[%get3A_632, %get3A_633] {strides = array<i32>} : memref<24x256xf32, #tpu.memory_space<vmem>>, vector<16xf32>,
    %add3A_635 = arith.constant 2 : i32
    %add3A_636 = arith.addi %mul3A_32, %add3A_635 : i32
    %get3A_637 = arith.index_cast %add3A_636 : i32 to index
    %get3A_638 = arith.constant 224 : index
    %get3A_639 = tpu.vector_load %arg5[%get3A_637, %get3A_638] {strides = array<i32>} : memref<24x256xf32, #tpu.memory_space<vmem>>, vector<16xf32>,
    %add3A_640 = arith.constant 2 : i32
    %add3A_641 = arith.addi %mul3A_32, %add3A_640 : i32
    %get3A_642 = arith.index_cast %add3A_641 : i32 to index
    %get3A_643 = arith.constant 240 : index
    %get3A_644 = tpu.vector_load %arg5[%get3A_642, %get3A_643] {strides = array<i32>} : memref<24x256xf32, #tpu.memory_space<vmem>>, vector<16xf32>,
    %scan3A_645 = arith.constant 0 : i32
    %scan3A_646 = arith.constant 0 : i32
    %scan3A_647 = arith.constant 24 : i32
    %scan3A_648 = arith.addi %scan3A_646, %scan3A_647 : i32
    %scan3A_649 = arith.constant 1 : i32
    %scan3A_650 = scf.for %scan3A_1228 = %scan3A_646 to %scan3A_648 step %scan3A_649 iter_args(%scan3A_1229 = %scan3A_645) -> (i32)  : i32 {
      %get3A_1230 = arith.index_cast %scan3A_1228 : i32 to index
      %get3A_1231 = arith.constant 0 : index
      %get3A_1232 = tpu.vector_load %arg6[%get3A_1230, %get3A_1231] {strides = array<i32>} : memref<24x256xf32, #tpu.memory_space<vmem>>, vector<16xf32>,
      %swap3A = arith.constant 2 : i32
      %swap3A_1233 = arith.index_cast %swap3A : i32 to index
      %swap3A_1234 = arith.index_cast %scan3A_1228 : i32 to index
      %swap3A_1235 = arith.constant 0 : index
      %swap3A_1236 = tpu.vector_load %arg7[%swap3A_1233, %swap3A_1234, %swap3A_1235] {strides = array<i32>} : memref<3x24x512xf32, #tpu.memory_space<vmem>>, vector<16xf32>,
      tpu.vector_store %arg7[%swap3A_1233, %swap3A_1234, %swap3A_1235], %get3A_1232 {strides = array<i32>} : memref<3x24x512xf32, #tpu.memory_space<vmem>>, vector<16xf32>,
      %get3A_1237 = arith.index_cast %scan3A_1228 : i32 to index
      %get3A_1238 = arith.constant 16 : index
      %get3A_1239 = tpu.vector_load %arg6[%get3A_1237, %get3A_1238] {strides = array<i32>} : memref<24x256xf32, #tpu.memory_space<vmem>>, vector<16xf32>,
      %swap3A_1240 = arith.constant 2 : i32
      %swap3A_1241 = arith.index_cast %swap3A_1240 : i32 to index
      %swap3A_1242 = arith.index_cast %scan3A_1228 : i32 to index
      %swap3A_1243 = arith.constant 16 : index
      %swap3A_1244 = tpu.vector_load %arg7[%swap3A_1241, %swap3A_1242, %swap3A_1243] {strides = array<i32>} : memref<3x24x512xf32, #tpu.memory_space<vmem>>, vector<16xf32>,
      tpu.vector_store %arg7[%swap3A_1241, %swap3A_1242, %swap3A_1243], %get3A_1239 {strides = array<i32>} : memref<3x24x512xf32, #tpu.memory_space<vmem>>, vector<16xf32>,
      %get3A_1245 = arith.index_cast %scan3A_1228 : i32 to index
      %get3A_1246 = arith.constant 32 : index
      %get3A_1247 = tpu.vector_load %arg6[%get3A_1245, %get3A_1246] {strides = array<i32>} : memref<24x256xf32, #tpu.memory_space<vmem>>, vector<16xf32>,
      %swap3A_1248 = arith.constant 2 : i32
      %swap3A_1249 = arith.index_cast %swap3A_1248 : i32 to index
      %swap3A_1250 = arith.index_cast %scan3A_1228 : i32 to index
      %swap3A_1251 = arith.constant 32 : index
      %swap3A_1252 = tpu.vector_load %arg7[%swap3A_1249, %swap3A_1250, %swap3A_1251] {strides = array<i32>} : memref<3x24x512xf32, #tpu.memory_space<vmem>>, vector<16xf32>,
      tpu.vector_store %arg7[%swap3A_1249, %swap3A_1250, %swap3A_1251], %get3A_1247 {strides = array<i32>} : memref<3x24x512xf32, #tpu.memory_space<vmem>>, vector<16xf32>,
      %get3A_1253 = arith.index_cast %scan3A_1228 : i32 to index
      %get3A_1254 = arith.constant 48 : index
      %get3A_1255 = tpu.vector_load %arg6[%get3A_1253, %get3A_1254] {strides = array<i32>} : memref<24x256xf32, #tpu.memory_space<vmem>>, vector<16xf32>,
      %swap3A_1256 = arith.constant 2 : i32
      %swap3A_1257 = arith.index_cast %swap3A_1256 : i32 to index
      %swap3A_1258 = arith.index_cast %scan3A_1228 : i32 to index
      %swap3A_1259 = arith.constant 48 : index
      %swap3A_1260 = tpu.vector_load %arg7[%swap3A_1257, %swap3A_1258, %swap3A_1259] {strides = array<i32>} : memref<3x24x512xf32, #tpu.memory_space<vmem>>, vector<16xf32>,
      tpu.vector_store %arg7[%swap3A_1257, %swap3A_1258, %swap3A_1259], %get3A_1255 {strides = array<i32>} : memref<3x24x512xf32, #tpu.memory_space<vmem>>, vector<16xf32>,
      %get3A_1261 = arith.index_cast %scan3A_1228 : i32 to index
      %get3A_1262 = arith.constant 64 : index
      %get3A_1263 = tpu.vector_load %arg6[%get3A_1261, %get3A_1262] {strides = array<i32>} : memref<24x256xf32, #tpu.memory_space<vmem>>, vector<16xf32>,
      %swap3A_1264 = arith.constant 2 : i32
      %swap3A_1265 = arith.index_cast %swap3A_1264 : i32 to index
      %swap3A_1266 = arith.index_cast %scan3A_1228 : i32 to index
      %swap3A_1267 = arith.constant 64 : index
      %swap3A_1268 = tpu.vector_load %arg7[%swap3A_1265, %swap3A_1266, %swap3A_1267] {strides = array<i32>} : memref<3x24x512xf32, #tpu.memory_space<vmem>>, vector<16xf32>,
      tpu.vector_store %arg7[%swap3A_1265, %swap3A_1266, %swap3A_1267], %get3A_1263 {strides = array<i32>} : memref<3x24x512xf32, #tpu.memory_space<vmem>>, vector<16xf32>,
      %get3A_1269 = arith.index_cast %scan3A_1228 : i32 to index
      %get3A_1270 = arith.constant 80 : index
      %get3A_1271 = tpu.vector_load %arg6[%get3A_1269, %get3A_1270] {strides = array<i32>} : memref<24x256xf32, #tpu.memory_space<vmem>>, vector<16xf32>,
      %swap3A_1272 = arith.constant 2 : i32
      %swap3A_1273 = arith.index_cast %swap3A_1272 : i32 to index
      %swap3A_1274 = arith.index_cast %scan3A_1228 : i32 to index
      %swap3A_1275 = arith.constant 80 : index
      %swap3A_1276 = tpu.vector_load %arg7[%swap3A_1273, %swap3A_1274, %swap3A_1275] {strides = array<i32>} : memref<3x24x512xf32, #tpu.memory_space<vmem>>, vector<16xf32>,
      tpu.vector_store %arg7[%swap3A_1273, %swap3A_1274, %swap3A_1275], %get3A_1271 {strides = array<i32>} : memref<3x24x512xf32, #tpu.memory_space<vmem>>, vector<16xf32>,
      %get3A_1277 = arith.index_cast %scan3A_1228 : i32 to index
      %get3A_1278 = arith.constant 96 : index
      %get3A_1279 = tpu.vector_load %arg6[%get3A_1277, %get3A_1278] {strides = array<i32>} : memref<24x256xf32, #tpu.memory_space<vmem>>, vector<16xf32>,
      %swap3A_1280 = arith.constant 2 : i32
      %swap3A_1281 = arith.index_cast %swap3A_1280 : i32 to index
      %swap3A_1282 = arith.index_cast %scan3A_1228 : i32 to index
      %swap3A_1283 = arith.constant 96 : index
      %swap3A_1284 = tpu.vector_load %arg7[%swap3A_1281, %swap3A_1282, %swap3A_1283] {strides = array<i32>} : memref<3x24x512xf32, #tpu.memory_space<vmem>>, vector<16xf32>,
      tpu.vector_store %arg7[%swap3A_1281, %swap3A_1282, %swap3A_1283], %get3A_1279 {strides = array<i32>} : memref<3x24x512xf32, #tpu.memory_space<vmem>>, vector<16xf32>,
      %get3A_1285 = arith.index_cast %scan3A_1228 : i32 to index
      %get3A_1286 = arith.constant 112 : index
      %get3A_1287 = tpu.vector_load %arg6[%get3A_1285, %get3A_1286] {strides = array<i32>} : memref<24x256xf32, #tpu.memory_space<vmem>>, vector<16xf32>,
      %swap3A_1288 = arith.constant 2 : i32
      %swap3A_1289 = arith.index_cast %swap3A_1288 : i32 to index
      %swap3A_1290 = arith.index_cast %scan3A_1228 : i32 to index
      %swap3A_1291 = arith.constant 112 : index
      %swap3A_1292 = tpu.vector_load %arg7[%swap3A_1289, %swap3A_1290, %swap3A_1291] {strides = array<i32>} : memref<3x24x512xf32, #tpu.memory_space<vmem>>, vector<16xf32>,
      tpu.vector_store %arg7[%swap3A_1289, %swap3A_1290, %swap3A_1291], %get3A_1287 {strides = array<i32>} : memref<3x24x512xf32, #tpu.memory_space<vmem>>, vector<16xf32>,
      %get3A_1293 = arith.index_cast %scan3A_1228 : i32 to index
      %get3A_1294 = arith.constant 128 : index
      %get3A_1295 = tpu.vector_load %arg6[%get3A_1293, %get3A_1294] {strides = array<i32>} : memref<24x256xf32, #tpu.memory_space<vmem>>, vector<16xf32>,
      %swap3A_1296 = arith.constant 2 : i32
      %swap3A_1297 = arith.index_cast %swap3A_1296 : i32 to index
      %swap3A_1298 = arith.index_cast %scan3A_1228 : i32 to index
      %swap3A_1299 = arith.constant 128 : index
      %swap3A_1300 = tpu.vector_load %arg7[%swap3A_1297, %swap3A_1298, %swap3A_1299] {strides = array<i32>} : memref<3x24x512xf32, #tpu.memory_space<vmem>>, vector<16xf32>,
      tpu.vector_store %arg7[%swap3A_1297, %swap3A_1298, %swap3A_1299], %get3A_1295 {strides = array<i32>} : memref<3x24x512xf32, #tpu.memory_space<vmem>>, vector<16xf32>,
      %get3A_1301 = arith.index_cast %scan3A_1228 : i32 to index
      %get3A_1302 = arith.constant 144 : index
      %get3A_1303 = tpu.vector_load %arg6[%get3A_1301, %get3A_1302] {strides = array<i32>} : memref<24x256xf32, #tpu.memory_space<vmem>>, vector<16xf32>,
      %swap3A_1304 = arith.constant 2 : i32
      %swap3A_1305 = arith.index_cast %swap3A_1304 : i32 to index
      %swap3A_1306 = arith.index_cast %scan3A_1228 : i32 to index
      %swap3A_1307 = arith.constant 144 : index
      %swap3A_1308 = tpu.vector_load %arg7[%swap3A_1305, %swap3A_1306, %swap3A_1307] {strides = array<i32>} : memref<3x24x512xf32, #tpu.memory_space<vmem>>, vector<16xf32>,
      tpu.vector_store %arg7[%swap3A_1305, %swap3A_1306, %swap3A_1307], %get3A_1303 {strides = array<i32>} : memref<3x24x512xf32, #tpu.memory_space<vmem>>, vector<16xf32>,
      %get3A_1309 = arith.index_cast %scan3A_1228 : i32 to index
      %get3A_1310 = arith.constant 160 : index
      %get3A_1311 = tpu.vector_load %arg6[%get3A_1309, %get3A_1310] {strides = array<i32>} : memref<24x256xf32, #tpu.memory_space<vmem>>, vector<16xf32>,
      %swap3A_1312 = arith.constant 2 : i32
      %swap3A_1313 = arith.index_cast %swap3A_1312 : i32 to index
      %swap3A_1314 = arith.index_cast %scan3A_1228 : i32 to index
      %swap3A_1315 = arith.constant 160 : index
      %swap3A_1316 = tpu.vector_load %arg7[%swap3A_1313, %swap3A_1314, %swap3A_1315] {strides = array<i32>} : memref<3x24x512xf32, #tpu.memory_space<vmem>>, vector<16xf32>,
      tpu.vector_store %arg7[%swap3A_1313, %swap3A_1314, %swap3A_1315], %get3A_1311 {strides = array<i32>} : memref<3x24x512xf32, #tpu.memory_space<vmem>>, vector<16xf32>,
      %get3A_1317 = arith.index_cast %scan3A_1228 : i32 to index
      %get3A_1318 = arith.constant 176 : index
      %get3A_1319 = tpu.vector_load %arg6[%get3A_1317, %get3A_1318] {strides = array<i32>} : memref<24x256xf32, #tpu.memory_space<vmem>>, vector<16xf32>,
      %swap3A_1320 = arith.constant 2 : i32
      %swap3A_1321 = arith.index_cast %swap3A_1320 : i32 to index
      %swap3A_1322 = arith.index_cast %scan3A_1228 : i32 to index
      %swap3A_1323 = arith.constant 176 : index
      %swap3A_1324 = tpu.vector_load %arg7[%swap3A_1321, %swap3A_1322, %swap3A_1323] {strides = array<i32>} : memref<3x24x512xf32, #tpu.memory_space<vmem>>, vector<16xf32>,
      tpu.vector_store %arg7[%swap3A_1321, %swap3A_1322, %swap3A_1323], %get3A_1319 {strides = array<i32>} : memref<3x24x512xf32, #tpu.memory_space<vmem>>, vector<16xf32>,
      %get3A_1325 = arith.index_cast %scan3A_1228 : i32 to index
      %get3A_1326 = arith.constant 192 : index
      %get3A_1327 = tpu.vector_load %arg6[%get3A_1325, %get3A_1326] {strides = array<i32>} : memref<24x256xf32, #tpu.memory_space<vmem>>, vector<16xf32>,
      %swap3A_1328 = arith.constant 2 : i32
      %swap3A_1329 = arith.index_cast %swap3A_1328 : i32 to index
      %swap3A_1330 = arith.index_cast %scan3A_1228 : i32 to index
      %swap3A_1331 = arith.constant 192 : index
      %swap3A_1332 = tpu.vector_load %arg7[%swap3A_1329, %swap3A_1330, %swap3A_1331] {strides = array<i32>} : memref<3x24x512xf32, #tpu.memory_space<vmem>>, vector<16xf32>,
      tpu.vector_store %arg7[%swap3A_1329, %swap3A_1330, %swap3A_1331], %get3A_1327 {strides = array<i32>} : memref<3x24x512xf32, #tpu.memory_space<vmem>>, vector<16xf32>,
      %get3A_1333 = arith.index_cast %scan3A_1228 : i32 to index
      %get3A_1334 = arith.constant 208 : index
      %get3A_1335 = tpu.vector_load %arg6[%get3A_1333, %get3A_1334] {strides = array<i32>} : memref<24x256xf32, #tpu.memory_space<vmem>>, vector<16xf32>,
      %swap3A_1336 = arith.constant 2 : i32
      %swap3A_1337 = arith.index_cast %swap3A_1336 : i32 to index
      %swap3A_1338 = arith.index_cast %scan3A_1228 : i32 to index
      %swap3A_1339 = arith.constant 208 : index
      %swap3A_1340 = tpu.vector_load %arg7[%swap3A_1337, %swap3A_1338, %swap3A_1339] {strides = array<i32>} : memref<3x24x512xf32, #tpu.memory_space<vmem>>, vector<16xf32>,
      tpu.vector_store %arg7[%swap3A_1337, %swap3A_1338, %swap3A_1339], %get3A_1335 {strides = array<i32>} : memref<3x24x512xf32, #tpu.memory_space<vmem>>, vector<16xf32>,
      %get3A_1341 = arith.index_cast %scan3A_1228 : i32 to index
      %get3A_1342 = arith.constant 224 : index
      %get3A_1343 = tpu.vector_load %arg6[%get3A_1341, %get3A_1342] {strides = array<i32>} : memref<24x256xf32, #tpu.memory_space<vmem>>, vector<16xf32>,
      %swap3A_1344 = arith.constant 2 : i32
      %swap3A_1345 = arith.index_cast %swap3A_1344 : i32 to index
      %swap3A_1346 = arith.index_cast %scan3A_1228 : i32 to index
      %swap3A_1347 = arith.constant 224 : index
      %swap3A_1348 = tpu.vector_load %arg7[%swap3A_1345, %swap3A_1346, %swap3A_1347] {strides = array<i32>} : memref<3x24x512xf32, #tpu.memory_space<vmem>>, vector<16xf32>,
      tpu.vector_store %arg7[%swap3A_1345, %swap3A_1346, %swap3A_1347], %get3A_1343 {strides = array<i32>} : memref<3x24x512xf32, #tpu.memory_space<vmem>>, vector<16xf32>,
      %get3A_1349 = arith.index_cast %scan3A_1228 : i32 to index
      %get3A_1350 = arith.constant 240 : index
      %get3A_1351 = tpu.vector_load %arg6[%get3A_1349, %get3A_1350] {strides = array<i32>} : memref<24x256xf32, #tpu.memory_space<vmem>>, vector<16xf32>,
      %swap3A_1352 = arith.constant 2 : i32
      %swap3A_1353 = arith.index_cast %swap3A_1352 : i32 to index
      %swap3A_1354 = arith.index_cast %scan3A_1228 : i32 to index
      %swap3A_1355 = arith.constant 240 : index
      %swap3A_1356 = tpu.vector_load %arg7[%swap3A_1353, %swap3A_1354, %swap3A_1355] {strides = array<i32>} : memref<3x24x512xf32, #tpu.memory_space<vmem>>, vector<16xf32>,
      tpu.vector_store %arg7[%swap3A_1353, %swap3A_1354, %swap3A_1355], %get3A_1351 {strides = array<i32>} : memref<3x24x512xf32, #tpu.memory_space<vmem>>, vector<16xf32>,
      %swap3A_1357 = arith.constant 2 : i32
      %swap3A_1358 = arith.index_cast %swap3A_1357 : i32 to index
      %swap3A_1359 = arith.index_cast %scan3A_1228 : i32 to index
      %swap3A_1360 = arith.constant 256 : index
      %swap3A_1361 = tpu.vector_load %arg7[%swap3A_1358, %swap3A_1359, %swap3A_1360] {strides = array<i32>} : memref<3x24x512xf32, #tpu.memory_space<vmem>>, vector<16xf32>,
      tpu.vector_store %arg7[%swap3A_1358, %swap3A_1359, %swap3A_1360], %get3A_569 {strides = array<i32>} : memref<3x24x512xf32, #tpu.memory_space<vmem>>, vector<16xf32>,
      %swap3A_1362 = arith.constant 2 : i32
      %swap3A_1363 = arith.index_cast %swap3A_1362 : i32 to index
      %swap3A_1364 = arith.index_cast %scan3A_1228 : i32 to index
      %swap3A_1365 = arith.constant 272 : index
      %swap3A_1366 = tpu.vector_load %arg7[%swap3A_1363, %swap3A_1364, %swap3A_1365] {strides = array<i32>} : memref<3x24x512xf32, #tpu.memory_space<vmem>>, vector<16xf32>,
      tpu.vector_store %arg7[%swap3A_1363, %swap3A_1364, %swap3A_1365], %get3A_574 {strides = array<i32>} : memref<3x24x512xf32, #tpu.memory_space<vmem>>, vector<16xf32>,
      %swap3A_1367 = arith.constant 2 : i32
      %swap3A_1368 = arith.index_cast %swap3A_1367 : i32 to index
      %swap3A_1369 = arith.index_cast %scan3A_1228 : i32 to index
      %swap3A_1370 = arith.constant 288 : index
      %swap3A_1371 = tpu.vector_load %arg7[%swap3A_1368, %swap3A_1369, %swap3A_1370] {strides = array<i32>} : memref<3x24x512xf32, #tpu.memory_space<vmem>>, vector<16xf32>,
      tpu.vector_store %arg7[%swap3A_1368, %swap3A_1369, %swap3A_1370], %get3A_579 {strides = array<i32>} : memref<3x24x512xf32, #tpu.memory_space<vmem>>, vector<16xf32>,
      %swap3A_1372 = arith.constant 2 : i32
      %swap3A_1373 = arith.index_cast %swap3A_1372 : i32 to index
      %swap3A_1374 = arith.index_cast %scan3A_1228 : i32 to index
      %swap3A_1375 = arith.constant 304 : index
      %swap3A_1376 = tpu.vector_load %arg7[%swap3A_1373, %swap3A_1374, %swap3A_1375] {strides = array<i32>} : memref<3x24x512xf32, #tpu.memory_space<vmem>>, vector<16xf32>,
      tpu.vector_store %arg7[%swap3A_1373, %swap3A_1374, %swap3A_1375], %get3A_584 {strides = array<i32>} : memref<3x24x512xf32, #tpu.memory_space<vmem>>, vector<16xf32>,
      %swap3A_1377 = arith.constant 2 : i32
      %swap3A_1378 = arith.index_cast %swap3A_1377 : i32 to index
      %swap3A_1379 = arith.index_cast %scan3A_1228 : i32 to index
      %swap3A_1380 = arith.constant 320 : index
      %swap3A_1381 = tpu.vector_load %arg7[%swap3A_1378, %swap3A_1379, %swap3A_1380] {strides = array<i32>} : memref<3x24x512xf32, #tpu.memory_space<vmem>>, vector<16xf32>,
      tpu.vector_store %arg7[%swap3A_1378, %swap3A_1379, %swap3A_1380], %get3A_589 {strides = array<i32>} : memref<3x24x512xf32, #tpu.memory_space<vmem>>, vector<16xf32>,
      %swap3A_1382 = arith.constant 2 : i32
      %swap3A_1383 = arith.index_cast %swap3A_1382 : i32 to index
      %swap3A_1384 = arith.index_cast %scan3A_1228 : i32 to index
      %swap3A_1385 = arith.constant 336 : index
      %swap3A_1386 = tpu.vector_load %arg7[%swap3A_1383, %swap3A_1384, %swap3A_1385] {strides = array<i32>} : memref<3x24x512xf32, #tpu.memory_space<vmem>>, vector<16xf32>,
      tpu.vector_store %arg7[%swap3A_1383, %swap3A_1384, %swap3A_1385], %get3A_594 {strides = array<i32>} : memref<3x24x512xf32, #tpu.memory_space<vmem>>, vector<16xf32>,
      %swap3A_1387 = arith.constant 2 : i32
      %swap3A_1388 = arith.index_cast %swap3A_1387 : i32 to index
      %swap3A_1389 = arith.index_cast %scan3A_1228 : i32 to index
      %swap3A_1390 = arith.constant 352 : index
      %swap3A_1391 = tpu.vector_load %arg7[%swap3A_1388, %swap3A_1389, %swap3A_1390] {strides = array<i32>} : memref<3x24x512xf32, #tpu.memory_space<vmem>>, vector<16xf32>,
      tpu.vector_store %arg7[%swap3A_1388, %swap3A_1389, %swap3A_1390], %get3A_599 {strides = array<i32>} : memref<3x24x512xf32, #tpu.memory_space<vmem>>, vector<16xf32>,
      %swap3A_1392 = arith.constant 2 : i32
      %swap3A_1393 = arith.index_cast %swap3A_1392 : i32 to index
      %swap3A_1394 = arith.index_cast %scan3A_1228 : i32 to index
      %swap3A_1395 = arith.constant 368 : index
      %swap3A_1396 = tpu.vector_load %arg7[%swap3A_1393, %swap3A_1394, %swap3A_1395] {strides = array<i32>} : memref<3x24x512xf32, #tpu.memory_space<vmem>>, vector<16xf32>,
      tpu.vector_store %arg7[%swap3A_1393, %swap3A_1394, %swap3A_1395], %get3A_604 {strides = array<i32>} : memref<3x24x512xf32, #tpu.memory_space<vmem>>, vector<16xf32>,
      %swap3A_1397 = arith.constant 2 : i32
      %swap3A_1398 = arith.index_cast %swap3A_1397 : i32 to index
      %swap3A_1399 = arith.index_cast %scan3A_1228 : i32 to index
      %swap3A_1400 = arith.constant 384 : index
      %swap3A_1401 = tpu.vector_load %arg7[%swap3A_1398, %swap3A_1399, %swap3A_1400] {strides = array<i32>} : memref<3x24x512xf32, #tpu.memory_space<vmem>>, vector<16xf32>,
      tpu.vector_store %arg7[%swap3A_1398, %swap3A_1399, %swap3A_1400], %get3A_609 {strides = array<i32>} : memref<3x24x512xf32, #tpu.memory_space<vmem>>, vector<16xf32>,
      %swap3A_1402 = arith.constant 2 : i32
      %swap3A_1403 = arith.index_cast %swap3A_1402 : i32 to index
      %swap3A_1404 = arith.index_cast %scan3A_1228 : i32 to index
      %swap3A_1405 = arith.constant 400 : index
      %swap3A_1406 = tpu.vector_load %arg7[%swap3A_1403, %swap3A_1404, %swap3A_1405] {strides = array<i32>} : memref<3x24x512xf32, #tpu.memory_space<vmem>>, vector<16xf32>,
      tpu.vector_store %arg7[%swap3A_1403, %swap3A_1404, %swap3A_1405], %get3A_614 {strides = array<i32>} : memref<3x24x512xf32, #tpu.memory_space<vmem>>, vector<16xf32>,
      %swap3A_1407 = arith.constant 2 : i32
      %swap3A_1408 = arith.index_cast %swap3A_1407 : i32 to index
      %swap3A_1409 = arith.index_cast %scan3A_1228 : i32 to index
      %swap3A_1410 = arith.constant 416 : index
      %swap3A_1411 = tpu.vector_load %arg7[%swap3A_1408, %swap3A_1409, %swap3A_1410] {strides = array<i32>} : memref<3x24x512xf32, #tpu.memory_space<vmem>>, vector<16xf32>,
      tpu.vector_store %arg7[%swap3A_1408, %swap3A_1409, %swap3A_1410], %get3A_619 {strides = array<i32>} : memref<3x24x512xf32, #tpu.memory_space<vmem>>, vector<16xf32>,
      %swap3A_1412 = arith.constant 2 : i32
      %swap3A_1413 = arith.index_cast %swap3A_1412 : i32 to index
      %swap3A_1414 = arith.index_cast %scan3A_1228 : i32 to index
      %swap3A_1415 = arith.constant 432 : index
      %swap3A_1416 = tpu.vector_load %arg7[%swap3A_1413, %swap3A_1414, %swap3A_1415] {strides = array<i32>} : memref<3x24x512xf32, #tpu.memory_space<vmem>>, vector<16xf32>,
      tpu.vector_store %arg7[%swap3A_1413, %swap3A_1414, %swap3A_1415], %get3A_624 {strides = array<i32>} : memref<3x24x512xf32, #tpu.memory_space<vmem>>, vector<16xf32>,
      %swap3A_1417 = arith.constant 2 : i32
      %swap3A_1418 = arith.index_cast %swap3A_1417 : i32 to index
      %swap3A_1419 = arith.index_cast %scan3A_1228 : i32 to index
      %swap3A_1420 = arith.constant 448 : index
      %swap3A_1421 = tpu.vector_load %arg7[%swap3A_1418, %swap3A_1419, %swap3A_1420] {strides = array<i32>} : memref<3x24x512xf32, #tpu.memory_space<vmem>>, vector<16xf32>,
      tpu.vector_store %arg7[%swap3A_1418, %swap3A_1419, %swap3A_1420], %get3A_629 {strides = array<i32>} : memref<3x24x512xf32, #tpu.memory_space<vmem>>, vector<16xf32>,
      %swap3A_1422 = arith.constant 2 : i32
      %swap3A_1423 = arith.index_cast %swap3A_1422 : i32 to index
      %swap3A_1424 = arith.index_cast %scan3A_1228 : i32 to index
      %swap3A_1425 = arith.constant 464 : index
      %swap3A_1426 = tpu.vector_load %arg7[%swap3A_1423, %swap3A_1424, %swap3A_1425] {strides = array<i32>} : memref<3x24x512xf32, #tpu.memory_space<vmem>>, vector<16xf32>,
      tpu.vector_store %arg7[%swap3A_1423, %swap3A_1424, %swap3A_1425], %get3A_634 {strides = array<i32>} : memref<3x24x512xf32, #tpu.memory_space<vmem>>, vector<16xf32>,
      %swap3A_1427 = arith.constant 2 : i32
      %swap3A_1428 = arith.index_cast %swap3A_1427 : i32 to index
      %swap3A_1429 = arith.index_cast %scan3A_1228 : i32 to index
      %swap3A_1430 = arith.constant 480 : index
      %swap3A_1431 = tpu.vector_load %arg7[%swap3A_1428, %swap3A_1429, %swap3A_1430] {strides = array<i32>} : memref<3x24x512xf32, #tpu.memory_space<vmem>>, vector<16xf32>,
      tpu.vector_store %arg7[%swap3A_1428, %swap3A_1429, %swap3A_1430], %get3A_639 {strides = array<i32>} : memref<3x24x512xf32, #tpu.memory_space<vmem>>, vector<16xf32>,
      %swap3A_1432 = arith.constant 2 : i32
      %swap3A_1433 = arith.index_cast %swap3A_1432 : i32 to index
      %swap3A_1434 = arith.index_cast %scan3A_1228 : i32 to index
      %swap3A_1435 = arith.constant 496 : index
      %swap3A_1436 = tpu.vector_load %arg7[%swap3A_1433, %swap3A_1434, %swap3A_1435] {strides = array<i32>} : memref<3x24x512xf32, #tpu.memory_space<vmem>>, vector<16xf32>,
      tpu.vector_store %arg7[%swap3A_1433, %swap3A_1434, %swap3A_1435], %get3A_644 {strides = array<i32>} : memref<3x24x512xf32, #tpu.memory_space<vmem>>, vector<16xf32>,
      %scan3A_1437 = arith.constant 0 : i32
      scf.yield %scan3A_1437 : i32
    }
    %scan3A_651 = arith.constant 24 : i32
    %add3A_652 = arith.constant 0 : i32
    %add3A_653 = arith.addi %mul3A_34, %add3A_652 : i32
    %add3A_654 = arith.constant 2 : i32
    %add3A_655 = arith.addi %mul3A_32, %add3A_654 : i32
    %dma_start3A_656 = arith.constant 2 : i32
    %dma_start3A_657 = arith.constant 0 : i32
    %dma_start3A_658 = arith.constant 0 : i32
    %dma_start3A_659 = tpu.memref_slice %arg7[%dma_start3A_656, %dma_start3A_657, %dma_start3A_658] : memref<3x24x512xf32, #tpu.memory_space<vmem>> -> memref<1x24x512xf32, #tpu.memory_space<vmem>>
    %dma_start3A_660 = tpu.memref_squeeze %dma_start3A_659 : memref<1x24x512xf32, #tpu.memory_space<vmem>> -> memref<24x512xf32, #tpu.memory_space<vmem>>
    %dma_start3A_661 = arith.constant 0 : i32
    %dma_start3A_662 = arith.constant 0 : i32
    %dma_start3A_663 = tpu.memref_slice %arg4[%add3A_653, %add3A_655, %dma_start3A_661, %dma_start3A_662] : memref<32x24x24x512xf32, #tpu.memory_space<hbm>> -> memref<1x1x24x512xf32, #tpu.memory_space<hbm>>
    %dma_start3A_664 = tpu.memref_squeeze %dma_start3A_663 : memref<1x1x24x512xf32, #tpu.memory_space<hbm>> -> memref<24x512xf32, #tpu.memory_space<hbm>>
    %dma_start3A_665 = arith.constant 0 : i32
    %dma_start3A_666 = arith.constant 0 : i32
    %dma_start3A_667 = tpu.memref_slice %arg4[%add3A_653, %add3A_655, %dma_start3A_665, %dma_start3A_666] : memref<32x24x24x512xf32, #tpu.memory_space<hbm>> -> memref<1x1x24x512xf32, #tpu.memory_space<hbm>>
    %dma_start3A_668 = tpu.memref_squeeze %dma_start3A_667 : memref<1x1x24x512xf32, #tpu.memory_space<hbm>> -> memref<24x512xf32, #tpu.memory_space<hbm>>
    %dma_start3A_669 = arith.constant 0 : i32
    %dma_start3A_670 = arith.constant 0 : i32
    %dma_start3A_671 = tpu.memref_slice %arg7[%dma_start3A_656, %dma_start3A_669, %dma_start3A_670] : memref<3x24x512xf32, #tpu.memory_space<vmem>> -> memref<1x24x512xf32, #tpu.memory_space<vmem>>
    %dma_start3A_672 = tpu.memref_squeeze %dma_start3A_671 : memref<1x24x512xf32, #tpu.memory_space<vmem>> -> memref<24x512xf32, #tpu.memory_space<vmem>>
    tpu.enqueue_dma source(%dma_start3A_672 : memref<24x512xf32, #tpu.memory_space<vmem>>) target(%dma_start3A_668 : memref<24x512xf32, #tpu.memory_space<hbm>>) target_semaphore(%arg8 : memref<!tpu.dma_semaphore, #tpu.memory_space<semaphore_mem>>)
    %add3A_673 = arith.constant 1 : i32
    %add3A_674 = arith.addi %mul3A_34, %add3A_673 : i32
    %add3A_675 = arith.constant 2 : i32
    %add3A_676 = arith.addi %mul3A_32, %add3A_675 : i32
    %dma_start3A_677 = arith.constant 2 : i32
    %dma_start3A_678 = arith.constant 0 : i32
    %dma_start3A_679 = arith.constant 0 : i32
    %dma_start3A_680 = tpu.memref_slice %arg7[%dma_start3A_677, %dma_start3A_678, %dma_start3A_679] : memref<3x24x512xf32, #tpu.memory_space<vmem>> -> memref<1x24x512xf32, #tpu.memory_space<vmem>>
    %dma_start3A_681 = tpu.memref_squeeze %dma_start3A_680 : memref<1x24x512xf32, #tpu.memory_space<vmem>> -> memref<24x512xf32, #tpu.memory_space<vmem>>
    %dma_start3A_682 = arith.constant 0 : i32
    %dma_start3A_683 = arith.constant 0 : i32
    %dma_start3A_684 = tpu.memref_slice %arg4[%add3A_674, %add3A_676, %dma_start3A_682, %dma_start3A_683] : memref<32x24x24x512xf32, #tpu.memory_space<hbm>> -> memref<1x1x24x512xf32, #tpu.memory_space<hbm>>
    %dma_start3A_685 = tpu.memref_squeeze %dma_start3A_684 : memref<1x1x24x512xf32, #tpu.memory_space<hbm>> -> memref<24x512xf32, #tpu.memory_space<hbm>>
    %dma_start3A_686 = arith.constant 0 : i32
    %dma_start3A_687 = arith.constant 0 : i32
    %dma_start3A_688 = tpu.memref_slice %arg4[%add3A_674, %add3A_676, %dma_start3A_686, %dma_start3A_687] : memref<32x24x24x512xf32, #tpu.memory_space<hbm>> -> memref<1x1x24x512xf32, #tpu.memory_space<hbm>>
    %dma_start3A_689 = tpu.memref_squeeze %dma_start3A_688 : memref<1x1x24x512xf32, #tpu.memory_space<hbm>> -> memref<24x512xf32, #tpu.memory_space<hbm>>
    %dma_start3A_690 = arith.constant 0 : i32
    %dma_start3A_691 = arith.constant 0 : i32
    %dma_start3A_692 = tpu.memref_slice %arg7[%dma_start3A_677, %dma_start3A_690, %dma_start3A_691] : memref<3x24x512xf32, #tpu.memory_space<vmem>> -> memref<1x24x512xf32, #tpu.memory_space<vmem>>
    %dma_start3A_693 = tpu.memref_squeeze %dma_start3A_692 : memref<1x24x512xf32, #tpu.memory_space<vmem>> -> memref<24x512xf32, #tpu.memory_space<vmem>>
    tpu.enqueue_dma source(%dma_start3A_693 : memref<24x512xf32, #tpu.memory_space<vmem>>) target(%dma_start3A_689 : memref<24x512xf32, #tpu.memory_space<hbm>>) target_semaphore(%arg8 : memref<!tpu.dma_semaphore, #tpu.memory_space<semaphore_mem>>)
    %add3A_694 = arith.constant 2 : i32
    %add3A_695 = arith.addi %mul3A_34, %add3A_694 : i32
    %add3A_696 = arith.constant 2 : i32
    %add3A_697 = arith.addi %mul3A_32, %add3A_696 : i32
    %dma_start3A_698 = arith.constant 2 : i32
    %dma_start3A_699 = arith.constant 0 : i32
    %dma_start3A_700 = arith.constant 0 : i32
    %dma_start3A_701 = tpu.memref_slice %arg7[%dma_start3A_698, %dma_start3A_699, %dma_start3A_700] : memref<3x24x512xf32, #tpu.memory_space<vmem>> -> memref<1x24x512xf32, #tpu.memory_space<vmem>>
    %dma_start3A_702 = tpu.memref_squeeze %dma_start3A_701 : memref<1x24x512xf32, #tpu.memory_space<vmem>> -> memref<24x512xf32, #tpu.memory_space<vmem>>
    %dma_start3A_703 = arith.constant 0 : i32
    %dma_start3A_704 = arith.constant 0 : i32
    %dma_start3A_705 = tpu.memref_slice %arg4[%add3A_695, %add3A_697, %dma_start3A_703, %dma_start3A_704] : memref<32x24x24x512xf32, #tpu.memory_space<hbm>> -> memref<1x1x24x512xf32, #tpu.memory_space<hbm>>
    %dma_start3A_706 = tpu.memref_squeeze %dma_start3A_705 : memref<1x1x24x512xf32, #tpu.memory_space<hbm>> -> memref<24x512xf32, #tpu.memory_space<hbm>>
    %dma_start3A_707 = arith.constant 0 : i32
    %dma_start3A_708 = arith.constant 0 : i32
    %dma_start3A_709 = tpu.memref_slice %arg4[%add3A_695, %add3A_697, %dma_start3A_707, %dma_start3A_708] : memref<32x24x24x512xf32, #tpu.memory_space<hbm>> -> memref<1x1x24x512xf32, #tpu.memory_space<hbm>>
    %dma_start3A_710 = tpu.memref_squeeze %dma_start3A_709 : memref<1x1x24x512xf32, #tpu.memory_space<hbm>> -> memref<24x512xf32, #tpu.memory_space<hbm>>
    %dma_start3A_711 = arith.constant 0 : i32
    %dma_start3A_712 = arith.constant 0 : i32
    %dma_start3A_713 = tpu.memref_slice %arg7[%dma_start3A_698, %dma_start3A_711, %dma_start3A_712] : memref<3x24x512xf32, #tpu.memory_space<vmem>> -> memref<1x24x512xf32, #tpu.memory_space<vmem>>
    %dma_start3A_714 = tpu.memref_squeeze %dma_start3A_713 : memref<1x24x512xf32, #tpu.memory_space<vmem>> -> memref<24x512xf32, #tpu.memory_space<vmem>>
    tpu.enqueue_dma source(%dma_start3A_714 : memref<24x512xf32, #tpu.memory_space<vmem>>) target(%dma_start3A_710 : memref<24x512xf32, #tpu.memory_space<hbm>>) target_semaphore(%arg8 : memref<!tpu.dma_semaphore, #tpu.memory_space<semaphore_mem>>)
    %add3A_715 = arith.constant 3 : i32
    %add3A_716 = arith.addi %mul3A_34, %add3A_715 : i32
    %add3A_717 = arith.constant 2 : i32
    %add3A_718 = arith.addi %mul3A_32, %add3A_717 : i32
    %dma_start3A_719 = arith.constant 2 : i32
    %dma_start3A_720 = arith.constant 0 : i32
    %dma_start3A_721 = arith.constant 0 : i32
    %dma_start3A_722 = tpu.memref_slice %arg7[%dma_start3A_719, %dma_start3A_720, %dma_start3A_721] : memref<3x24x512xf32, #tpu.memory_space<vmem>> -> memref<1x24x512xf32, #tpu.memory_space<vmem>>
    %dma_start3A_723 = tpu.memref_squeeze %dma_start3A_722 : memref<1x24x512xf32, #tpu.memory_space<vmem>> -> memref<24x512xf32, #tpu.memory_space<vmem>>
    %dma_start3A_724 = arith.constant 0 : i32
    %dma_start3A_725 = arith.constant 0 : i32
    %dma_start3A_726 = tpu.memref_slice %arg4[%add3A_716, %add3A_718, %dma_start3A_724, %dma_start3A_725] : memref<32x24x24x512xf32, #tpu.memory_space<hbm>> -> memref<1x1x24x512xf32, #tpu.memory_space<hbm>>
    %dma_start3A_727 = tpu.memref_squeeze %dma_start3A_726 : memref<1x1x24x512xf32, #tpu.memory_space<hbm>> -> memref<24x512xf32, #tpu.memory_space<hbm>>
    %dma_start3A_728 = arith.constant 0 : i32
    %dma_start3A_729 = arith.constant 0 : i32
    %dma_start3A_730 = tpu.memref_slice %arg4[%add3A_716, %add3A_718, %dma_start3A_728, %dma_start3A_729] : memref<32x24x24x512xf32, #tpu.memory_space<hbm>> -> memref<1x1x24x512xf32, #tpu.memory_space<hbm>>
    %dma_start3A_731 = tpu.memref_squeeze %dma_start3A_730 : memref<1x1x24x512xf32, #tpu.memory_space<hbm>> -> memref<24x512xf32, #tpu.memory_space<hbm>>
    %dma_start3A_732 = arith.constant 0 : i32
    %dma_start3A_733 = arith.constant 0 : i32
    %dma_start3A_734 = tpu.memref_slice %arg7[%dma_start3A_719, %dma_start3A_732, %dma_start3A_733] : memref<3x24x512xf32, #tpu.memory_space<vmem>> -> memref<1x24x512xf32, #tpu.memory_space<vmem>>
    %dma_start3A_735 = tpu.memref_squeeze %dma_start3A_734 : memref<1x24x512xf32, #tpu.memory_space<vmem>> -> memref<24x512xf32, #tpu.memory_space<vmem>>
    tpu.enqueue_dma source(%dma_start3A_735 : memref<24x512xf32, #tpu.memory_space<vmem>>) target(%dma_start3A_731 : memref<24x512xf32, #tpu.memory_space<hbm>>) target_semaphore(%arg8 : memref<!tpu.dma_semaphore, #tpu.memory_space<semaphore_mem>>)
    %add3A_736 = arith.constant 4 : i32
    %add3A_737 = arith.addi %mul3A_34, %add3A_736 : i32
    %add3A_738 = arith.constant 2 : i32
    %add3A_739 = arith.addi %mul3A_32, %add3A_738 : i32
    %dma_start3A_740 = arith.constant 2 : i32
    %dma_start3A_741 = arith.constant 0 : i32
    %dma_start3A_742 = arith.constant 0 : i32
    %dma_start3A_743 = tpu.memref_slice %arg7[%dma_start3A_740, %dma_start3A_741, %dma_start3A_742] : memref<3x24x512xf32, #tpu.memory_space<vmem>> -> memref<1x24x512xf32, #tpu.memory_space<vmem>>
    %dma_start3A_744 = tpu.memref_squeeze %dma_start3A_743 : memref<1x24x512xf32, #tpu.memory_space<vmem>> -> memref<24x512xf32, #tpu.memory_space<vmem>>
    %dma_start3A_745 = arith.constant 0 : i32
    %dma_start3A_746 = arith.constant 0 : i32
    %dma_start3A_747 = tpu.memref_slice %arg4[%add3A_737, %add3A_739, %dma_start3A_745, %dma_start3A_746] : memref<32x24x24x512xf32, #tpu.memory_space<hbm>> -> memref<1x1x24x512xf32, #tpu.memory_space<hbm>>
    %dma_start3A_748 = tpu.memref_squeeze %dma_start3A_747 : memref<1x1x24x512xf32, #tpu.memory_space<hbm>> -> memref<24x512xf32, #tpu.memory_space<hbm>>
    %dma_start3A_749 = arith.constant 0 : i32
    %dma_start3A_750 = arith.constant 0 : i32
    %dma_start3A_751 = tpu.memref_slice %arg4[%add3A_737, %add3A_739, %dma_start3A_749, %dma_start3A_750] : memref<32x24x24x512xf32, #tpu.memory_space<hbm>> -> memref<1x1x24x512xf32, #tpu.memory_space<hbm>>
    %dma_start3A_752 = tpu.memref_squeeze %dma_start3A_751 : memref<1x1x24x512xf32, #tpu.memory_space<hbm>> -> memref<24x512xf32, #tpu.memory_space<hbm>>
    %dma_start3A_753 = arith.constant 0 : i32
    %dma_start3A_754 = arith.constant 0 : i32
    %dma_start3A_755 = tpu.memref_slice %arg7[%dma_start3A_740, %dma_start3A_753, %dma_start3A_754] : memref<3x24x512xf32, #tpu.memory_space<vmem>> -> memref<1x24x512xf32, #tpu.memory_space<vmem>>
    %dma_start3A_756 = tpu.memref_squeeze %dma_start3A_755 : memref<1x24x512xf32, #tpu.memory_space<vmem>> -> memref<24x512xf32, #tpu.memory_space<vmem>>
    tpu.enqueue_dma source(%dma_start3A_756 : memref<24x512xf32, #tpu.memory_space<vmem>>) target(%dma_start3A_752 : memref<24x512xf32, #tpu.memory_space<hbm>>) target_semaphore(%arg8 : memref<!tpu.dma_semaphore, #tpu.memory_space<semaphore_mem>>)
    %add3A_757 = arith.constant 5 : i32
    %add3A_758 = arith.addi %mul3A_34, %add3A_757 : i32
    %add3A_759 = arith.constant 2 : i32
    %add3A_760 = arith.addi %mul3A_32, %add3A_759 : i32
    %dma_start3A_761 = arith.constant 2 : i32
    %dma_start3A_762 = arith.constant 0 : i32
    %dma_start3A_763 = arith.constant 0 : i32
    %dma_start3A_764 = tpu.memref_slice %arg7[%dma_start3A_761, %dma_start3A_762, %dma_start3A_763] : memref<3x24x512xf32, #tpu.memory_space<vmem>> -> memref<1x24x512xf32, #tpu.memory_space<vmem>>
    %dma_start3A_765 = tpu.memref_squeeze %dma_start3A_764 : memref<1x24x512xf32, #tpu.memory_space<vmem>> -> memref<24x512xf32, #tpu.memory_space<vmem>>
    %dma_start3A_766 = arith.constant 0 : i32
    %dma_start3A_767 = arith.constant 0 : i32
    %dma_start3A_768 = tpu.memref_slice %arg4[%add3A_758, %add3A_760, %dma_start3A_766, %dma_start3A_767] : memref<32x24x24x512xf32, #tpu.memory_space<hbm>> -> memref<1x1x24x512xf32, #tpu.memory_space<hbm>>
    %dma_start3A_769 = tpu.memref_squeeze %dma_start3A_768 : memref<1x1x24x512xf32, #tpu.memory_space<hbm>> -> memref<24x512xf32, #tpu.memory_space<hbm>>
    %dma_start3A_770 = arith.constant 0 : i32
    %dma_start3A_771 = arith.constant 0 : i32
    %dma_start3A_772 = tpu.memref_slice %arg4[%add3A_758, %add3A_760, %dma_start3A_770, %dma_start3A_771] : memref<32x24x24x512xf32, #tpu.memory_space<hbm>> -> memref<1x1x24x512xf32, #tpu.memory_space<hbm>>
    %dma_start3A_773 = tpu.memref_squeeze %dma_start3A_772 : memref<1x1x24x512xf32, #tpu.memory_space<hbm>> -> memref<24x512xf32, #tpu.memory_space<hbm>>
    %dma_start3A_774 = arith.constant 0 : i32
    %dma_start3A_775 = arith.constant 0 : i32
    %dma_start3A_776 = tpu.memref_slice %arg7[%dma_start3A_761, %dma_start3A_774, %dma_start3A_775] : memref<3x24x512xf32, #tpu.memory_space<vmem>> -> memref<1x24x512xf32, #tpu.memory_space<vmem>>
    %dma_start3A_777 = tpu.memref_squeeze %dma_start3A_776 : memref<1x24x512xf32, #tpu.memory_space<vmem>> -> memref<24x512xf32, #tpu.memory_space<vmem>>
    tpu.enqueue_dma source(%dma_start3A_777 : memref<24x512xf32, #tpu.memory_space<vmem>>) target(%dma_start3A_773 : memref<24x512xf32, #tpu.memory_space<hbm>>) target_semaphore(%arg8 : memref<!tpu.dma_semaphore, #tpu.memory_space<semaphore_mem>>)
    %add3A_778 = arith.constant 6 : i32
    %add3A_779 = arith.addi %mul3A_34, %add3A_778 : i32
    %add3A_780 = arith.constant 2 : i32
    %add3A_781 = arith.addi %mul3A_32, %add3A_780 : i32
    %dma_start3A_782 = arith.constant 2 : i32
    %dma_start3A_783 = arith.constant 0 : i32
    %dma_start3A_784 = arith.constant 0 : i32
    %dma_start3A_785 = tpu.memref_slice %arg7[%dma_start3A_782, %dma_start3A_783, %dma_start3A_784] : memref<3x24x512xf32, #tpu.memory_space<vmem>> -> memref<1x24x512xf32, #tpu.memory_space<vmem>>
    %dma_start3A_786 = tpu.memref_squeeze %dma_start3A_785 : memref<1x24x512xf32, #tpu.memory_space<vmem>> -> memref<24x512xf32, #tpu.memory_space<vmem>>
    %dma_start3A_787 = arith.constant 0 : i32
    %dma_start3A_788 = arith.constant 0 : i32
    %dma_start3A_789 = tpu.memref_slice %arg4[%add3A_779, %add3A_781, %dma_start3A_787, %dma_start3A_788] : memref<32x24x24x512xf32, #tpu.memory_space<hbm>> -> memref<1x1x24x512xf32, #tpu.memory_space<hbm>>
    %dma_start3A_790 = tpu.memref_squeeze %dma_start3A_789 : memref<1x1x24x512xf32, #tpu.memory_space<hbm>> -> memref<24x512xf32, #tpu.memory_space<hbm>>
    %dma_start3A_791 = arith.constant 0 : i32
    %dma_start3A_792 = arith.constant 0 : i32
    %dma_start3A_793 = tpu.memref_slice %arg4[%add3A_779, %add3A_781, %dma_start3A_791, %dma_start3A_792] : memref<32x24x24x512xf32, #tpu.memory_space<hbm>> -> memref<1x1x24x512xf32, #tpu.memory_space<hbm>>
    %dma_start3A_794 = tpu.memref_squeeze %dma_start3A_793 : memref<1x1x24x512xf32, #tpu.memory_space<hbm>> -> memref<24x512xf32, #tpu.memory_space<hbm>>
    %dma_start3A_795 = arith.constant 0 : i32
    %dma_start3A_796 = arith.constant 0 : i32
    %dma_start3A_797 = tpu.memref_slice %arg7[%dma_start3A_782, %dma_start3A_795, %dma_start3A_796] : memref<3x24x512xf32, #tpu.memory_space<vmem>> -> memref<1x24x512xf32, #tpu.memory_space<vmem>>
    %dma_start3A_798 = tpu.memref_squeeze %dma_start3A_797 : memref<1x24x512xf32, #tpu.memory_space<vmem>> -> memref<24x512xf32, #tpu.memory_space<vmem>>
    tpu.enqueue_dma source(%dma_start3A_798 : memref<24x512xf32, #tpu.memory_space<vmem>>) target(%dma_start3A_794 : memref<24x512xf32, #tpu.memory_space<hbm>>) target_semaphore(%arg8 : memref<!tpu.dma_semaphore, #tpu.memory_space<semaphore_mem>>)
    %add3A_799 = arith.constant 7 : i32
    %add3A_800 = arith.addi %mul3A_34, %add3A_799 : i32
    %add3A_801 = arith.constant 2 : i32
    %add3A_802 = arith.addi %mul3A_32, %add3A_801 : i32
    %dma_start3A_803 = arith.constant 2 : i32
    %dma_start3A_804 = arith.constant 0 : i32
    %dma_start3A_805 = arith.constant 0 : i32
    %dma_start3A_806 = tpu.memref_slice %arg7[%dma_start3A_803, %dma_start3A_804, %dma_start3A_805] : memref<3x24x512xf32, #tpu.memory_space<vmem>> -> memref<1x24x512xf32, #tpu.memory_space<vmem>>
    %dma_start3A_807 = tpu.memref_squeeze %dma_start3A_806 : memref<1x24x512xf32, #tpu.memory_space<vmem>> -> memref<24x512xf32, #tpu.memory_space<vmem>>
    %dma_start3A_808 = arith.constant 0 : i32
    %dma_start3A_809 = arith.constant 0 : i32
    %dma_start3A_810 = tpu.memref_slice %arg4[%add3A_800, %add3A_802, %dma_start3A_808, %dma_start3A_809] : memref<32x24x24x512xf32, #tpu.memory_space<hbm>> -> memref<1x1x24x512xf32, #tpu.memory_space<hbm>>
    %dma_start3A_811 = tpu.memref_squeeze %dma_start3A_810 : memref<1x1x24x512xf32, #tpu.memory_space<hbm>> -> memref<24x512xf32, #tpu.memory_space<hbm>>
    %dma_start3A_812 = arith.constant 0 : i32
    %dma_start3A_813 = arith.constant 0 : i32
    %dma_start3A_814 = tpu.memref_slice %arg4[%add3A_800, %add3A_802, %dma_start3A_812, %dma_start3A_813] : memref<32x24x24x512xf32, #tpu.memory_space<hbm>> -> memref<1x1x24x512xf32, #tpu.memory_space<hbm>>
    %dma_start3A_815 = tpu.memref_squeeze %dma_start3A_814 : memref<1x1x24x512xf32, #tpu.memory_space<hbm>> -> memref<24x512xf32, #tpu.memory_space<hbm>>
    %dma_start3A_816 = arith.constant 0 : i32
    %dma_start3A_817 = arith.constant 0 : i32
    %dma_start3A_818 = tpu.memref_slice %arg7[%dma_start3A_803, %dma_start3A_816, %dma_start3A_817] : memref<3x24x512xf32, #tpu.memory_space<vmem>> -> memref<1x24x512xf32, #tpu.memory_space<vmem>>
    %dma_start3A_819 = tpu.memref_squeeze %dma_start3A_818 : memref<1x24x512xf32, #tpu.memory_space<vmem>> -> memref<24x512xf32, #tpu.memory_space<vmem>>
    tpu.enqueue_dma source(%dma_start3A_819 : memref<24x512xf32, #tpu.memory_space<vmem>>) target(%dma_start3A_815 : memref<24x512xf32, #tpu.memory_space<hbm>>) target_semaphore(%arg8 : memref<!tpu.dma_semaphore, #tpu.memory_space<semaphore_mem>>)
    %dma_wait3A_820 = arith.constant 0 : i32
    %dma_wait3A_821 = arith.constant 0 : i32
    %dma_wait3A_822 = arith.constant 0 : i32
    %dma_wait3A_823 = tpu.memref_slice %arg7[%dma_wait3A_820, %dma_wait3A_821, %dma_wait3A_822] : memref<3x24x512xf32, #tpu.memory_space<vmem>> -> memref<1x24x512xf32, #tpu.memory_space<vmem>>
    %dma_wait3A_824 = tpu.memref_squeeze %dma_wait3A_823 : memref<1x24x512xf32, #tpu.memory_space<vmem>> -> memref<24x512xf32, #tpu.memory_space<vmem>>
    %dma_wait3A_825 = arith.constant 0 : i32
    %dma_wait3A_826 = arith.constant 0 : i32
    %dma_wait3A_827 = tpu.memref_slice %arg4[%add3A_143, %add3A_145, %dma_wait3A_825, %dma_wait3A_826] : memref<32x24x24x512xf32, #tpu.memory_space<hbm>> -> memref<1x1x24x512xf32, #tpu.memory_space<hbm>>
    %dma_wait3A_828 = tpu.memref_squeeze %dma_wait3A_827 : memref<1x1x24x512xf32, #tpu.memory_space<hbm>> -> memref<24x512xf32, #tpu.memory_space<hbm>>
    %dma_wait3A_829 = arith.constant 0 : i32
    %dma_wait3A_830 = arith.constant 0 : i32
    %dma_wait3A_831 = tpu.memref_slice %arg4[%add3A_143, %add3A_145, %dma_wait3A_829, %dma_wait3A_830] : memref<32x24x24x512xf32, #tpu.memory_space<hbm>> -> memref<1x1x24x512xf32, #tpu.memory_space<hbm>>
    %dma_wait3A_832 = tpu.memref_squeeze %dma_wait3A_831 : memref<1x1x24x512xf32, #tpu.memory_space<hbm>> -> memref<24x512xf32, #tpu.memory_space<hbm>>
    %dma_wait3A_833 = arith.constant 0 : i32
    %dma_wait3A_834 = arith.constant 0 : i32
    %dma_wait3A_835 = tpu.memref_slice %arg7[%dma_wait3A_820, %dma_wait3A_833, %dma_wait3A_834] : memref<3x24x512xf32, #tpu.memory_space<vmem>> -> memref<1x24x512xf32, #tpu.memory_space<vmem>>
    %dma_wait3A_836 = tpu.memref_squeeze %dma_wait3A_835 : memref<1x24x512xf32, #tpu.memory_space<vmem>> -> memref<24x512xf32, #tpu.memory_space<vmem>>
    tpu.wait_dma2 semaphore(%arg8 : memref<!tpu.dma_semaphore, #tpu.memory_space<semaphore_mem>>) src(%dma_wait3A_836 : memref<24x512xf32, #tpu.memory_space<vmem>>) dst(%dma_wait3A_832 : memref<24x512xf32, #tpu.memory_space<hbm>>)
    %dma_wait3A_837 = arith.constant 0 : i32
    %dma_wait3A_838 = arith.constant 0 : i32
    %dma_wait3A_839 = arith.constant 0 : i32
    %dma_wait3A_840 = tpu.memref_slice %arg7[%dma_wait3A_837, %dma_wait3A_838, %dma_wait3A_839] : memref<3x24x512xf32, #tpu.memory_space<vmem>> -> memref<1x24x512xf32, #tpu.memory_space<vmem>>
    %dma_wait3A_841 = tpu.memref_squeeze %dma_wait3A_840 : memref<1x24x512xf32, #tpu.memory_space<vmem>> -> memref<24x512xf32, #tpu.memory_space<vmem>>
    %dma_wait3A_842 = arith.constant 0 : i32
    %dma_wait3A_843 = arith.constant 0 : i32
    %dma_wait3A_844 = tpu.memref_slice %arg4[%add3A_164, %add3A_166, %dma_wait3A_842, %dma_wait3A_843] : memref<32x24x24x512xf32, #tpu.memory_space<hbm>> -> memref<1x1x24x512xf32, #tpu.memory_space<hbm>>
    %dma_wait3A_845 = tpu.memref_squeeze %dma_wait3A_844 : memref<1x1x24x512xf32, #tpu.memory_space<hbm>> -> memref<24x512xf32, #tpu.memory_space<hbm>>
    %dma_wait3A_846 = arith.constant 0 : i32
    %dma_wait3A_847 = arith.constant 0 : i32
    %dma_wait3A_848 = tpu.memref_slice %arg4[%add3A_164, %add3A_166, %dma_wait3A_846, %dma_wait3A_847] : memref<32x24x24x512xf32, #tpu.memory_space<hbm>> -> memref<1x1x24x512xf32, #tpu.memory_space<hbm>>
    %dma_wait3A_849 = tpu.memref_squeeze %dma_wait3A_848 : memref<1x1x24x512xf32, #tpu.memory_space<hbm>> -> memref<24x512xf32, #tpu.memory_space<hbm>>
    %dma_wait3A_850 = arith.constant 0 : i32
    %dma_wait3A_851 = arith.constant 0 : i32
    %dma_wait3A_852 = tpu.memref_slice %arg7[%dma_wait3A_837, %dma_wait3A_850, %dma_wait3A_851] : memref<3x24x512xf32, #tpu.memory_space<vmem>> -> memref<1x24x512xf32, #tpu.memory_space<vmem>>
    %dma_wait3A_853 = tpu.memref_squeeze %dma_wait3A_852 : memref<1x24x512xf32, #tpu.memory_space<vmem>> -> memref<24x512xf32, #tpu.memory_space<vmem>>
    tpu.wait_dma2 semaphore(%arg8 : memref<!tpu.dma_semaphore, #tpu.memory_space<semaphore_mem>>) src(%dma_wait3A_853 : memref<24x512xf32, #tpu.memory_space<vmem>>) dst(%dma_wait3A_849 : memref<24x512xf32, #tpu.memory_space<hbm>>)
    %dma_wait3A_854 = arith.constant 0 : i32
    %dma_wait3A_855 = arith.constant 0 : i32
    %dma_wait3A_856 = arith.constant 0 : i32
    %dma_wait3A_857 = tpu.memref_slice %arg7[%dma_wait3A_854, %dma_wait3A_855, %dma_wait3A_856] : memref<3x24x512xf32, #tpu.memory_space<vmem>> -> memref<1x24x512xf32, #tpu.memory_space<vmem>>
    %dma_wait3A_858 = tpu.memref_squeeze %dma_wait3A_857 : memref<1x24x512xf32, #tpu.memory_space<vmem>> -> memref<24x512xf32, #tpu.memory_space<vmem>>
    %dma_wait3A_859 = arith.constant 0 : i32
    %dma_wait3A_860 = arith.constant 0 : i32
    %dma_wait3A_861 = tpu.memref_slice %arg4[%add3A_185, %add3A_187, %dma_wait3A_859, %dma_wait3A_860] : memref<32x24x24x512xf32, #tpu.memory_space<hbm>> -> memref<1x1x24x512xf32, #tpu.memory_space<hbm>>
    %dma_wait3A_862 = tpu.memref_squeeze %dma_wait3A_861 : memref<1x1x24x512xf32, #tpu.memory_space<hbm>> -> memref<24x512xf32, #tpu.memory_space<hbm>>
    %dma_wait3A_863 = arith.constant 0 : i32
    %dma_wait3A_864 = arith.constant 0 : i32
    %dma_wait3A_865 = tpu.memref_slice %arg4[%add3A_185, %add3A_187, %dma_wait3A_863, %dma_wait3A_864] : memref<32x24x24x512xf32, #tpu.memory_space<hbm>> -> memref<1x1x24x512xf32, #tpu.memory_space<hbm>>
    %dma_wait3A_866 = tpu.memref_squeeze %dma_wait3A_865 : memref<1x1x24x512xf32, #tpu.memory_space<hbm>> -> memref<24x512xf32, #tpu.memory_space<hbm>>
    %dma_wait3A_867 = arith.constant 0 : i32
    %dma_wait3A_868 = arith.constant 0 : i32
    %dma_wait3A_869 = tpu.memref_slice %arg7[%dma_wait3A_854, %dma_wait3A_867, %dma_wait3A_868] : memref<3x24x512xf32, #tpu.memory_space<vmem>> -> memref<1x24x512xf32, #tpu.memory_space<vmem>>
    %dma_wait3A_870 = tpu.memref_squeeze %dma_wait3A_869 : memref<1x24x512xf32, #tpu.memory_space<vmem>> -> memref<24x512xf32, #tpu.memory_space<vmem>>
    tpu.wait_dma2 semaphore(%arg8 : memref<!tpu.dma_semaphore, #tpu.memory_space<semaphore_mem>>) src(%dma_wait3A_870 : memref<24x512xf32, #tpu.memory_space<vmem>>) dst(%dma_wait3A_866 : memref<24x512xf32, #tpu.memory_space<hbm>>)
    %dma_wait3A_871 = arith.constant 0 : i32
    %dma_wait3A_872 = arith.constant 0 : i32
    %dma_wait3A_873 = arith.constant 0 : i32
    %dma_wait3A_874 = tpu.memref_slice %arg7[%dma_wait3A_871, %dma_wait3A_872, %dma_wait3A_873] : memref<3x24x512xf32, #tpu.memory_space<vmem>> -> memref<1x24x512xf32, #tpu.memory_space<vmem>>
    %dma_wait3A_875 = tpu.memref_squeeze %dma_wait3A_874 : memref<1x24x512xf32, #tpu.memory_space<vmem>> -> memref<24x512xf32, #tpu.memory_space<vmem>>
    %dma_wait3A_876 = arith.constant 0 : i32
    %dma_wait3A_877 = arith.constant 0 : i32
    %dma_wait3A_878 = tpu.memref_slice %arg4[%add3A_206, %add3A_208, %dma_wait3A_876, %dma_wait3A_877] : memref<32x24x24x512xf32, #tpu.memory_space<hbm>> -> memref<1x1x24x512xf32, #tpu.memory_space<hbm>>
    %dma_wait3A_879 = tpu.memref_squeeze %dma_wait3A_878 : memref<1x1x24x512xf32, #tpu.memory_space<hbm>> -> memref<24x512xf32, #tpu.memory_space<hbm>>
    %dma_wait3A_880 = arith.constant 0 : i32
    %dma_wait3A_881 = arith.constant 0 : i32
    %dma_wait3A_882 = tpu.memref_slice %arg4[%add3A_206, %add3A_208, %dma_wait3A_880, %dma_wait3A_881] : memref<32x24x24x512xf32, #tpu.memory_space<hbm>> -> memref<1x1x24x512xf32, #tpu.memory_space<hbm>>
    %dma_wait3A_883 = tpu.memref_squeeze %dma_wait3A_882 : memref<1x1x24x512xf32, #tpu.memory_space<hbm>> -> memref<24x512xf32, #tpu.memory_space<hbm>>
    %dma_wait3A_884 = arith.constant 0 : i32
    %dma_wait3A_885 = arith.constant 0 : i32
    %dma_wait3A_886 = tpu.memref_slice %arg7[%dma_wait3A_871, %dma_wait3A_884, %dma_wait3A_885] : memref<3x24x512xf32, #tpu.memory_space<vmem>> -> memref<1x24x512xf32, #tpu.memory_space<vmem>>
    %dma_wait3A_887 = tpu.memref_squeeze %dma_wait3A_886 : memref<1x24x512xf32, #tpu.memory_space<vmem>> -> memref<24x512xf32, #tpu.memory_space<vmem>>
    tpu.wait_dma2 semaphore(%arg8 : memref<!tpu.dma_semaphore, #tpu.memory_space<semaphore_mem>>) src(%dma_wait3A_887 : memref<24x512xf32, #tpu.memory_space<vmem>>) dst(%dma_wait3A_883 : memref<24x512xf32, #tpu.memory_space<hbm>>)
    %dma_wait3A_888 = arith.constant 0 : i32
    %dma_wait3A_889 = arith.constant 0 : i32
    %dma_wait3A_890 = arith.constant 0 : i32
    %dma_wait3A_891 = tpu.memref_slice %arg7[%dma_wait3A_888, %dma_wait3A_889, %dma_wait3A_890] : memref<3x24x512xf32, #tpu.memory_space<vmem>> -> memref<1x24x512xf32, #tpu.memory_space<vmem>>
    %dma_wait3A_892 = tpu.memref_squeeze %dma_wait3A_891 : memref<1x24x512xf32, #tpu.memory_space<vmem>> -> memref<24x512xf32, #tpu.memory_space<vmem>>
    %dma_wait3A_893 = arith.constant 0 : i32
    %dma_wait3A_894 = arith.constant 0 : i32
    %dma_wait3A_895 = tpu.memref_slice %arg4[%add3A_227, %add3A_229, %dma_wait3A_893, %dma_wait3A_894] : memref<32x24x24x512xf32, #tpu.memory_space<hbm>> -> memref<1x1x24x512xf32, #tpu.memory_space<hbm>>
    %dma_wait3A_896 = tpu.memref_squeeze %dma_wait3A_895 : memref<1x1x24x512xf32, #tpu.memory_space<hbm>> -> memref<24x512xf32, #tpu.memory_space<hbm>>
    %dma_wait3A_897 = arith.constant 0 : i32
    %dma_wait3A_898 = arith.constant 0 : i32
    %dma_wait3A_899 = tpu.memref_slice %arg4[%add3A_227, %add3A_229, %dma_wait3A_897, %dma_wait3A_898] : memref<32x24x24x512xf32, #tpu.memory_space<hbm>> -> memref<1x1x24x512xf32, #tpu.memory_space<hbm>>
    %dma_wait3A_900 = tpu.memref_squeeze %dma_wait3A_899 : memref<1x1x24x512xf32, #tpu.memory_space<hbm>> -> memref<24x512xf32, #tpu.memory_space<hbm>>
    %dma_wait3A_901 = arith.constant 0 : i32
    %dma_wait3A_902 = arith.constant 0 : i32
    %dma_wait3A_903 = tpu.memref_slice %arg7[%dma_wait3A_888, %dma_wait3A_901, %dma_wait3A_902] : memref<3x24x512xf32, #tpu.memory_space<vmem>> -> memref<1x24x512xf32, #tpu.memory_space<vmem>>
    %dma_wait3A_904 = tpu.memref_squeeze %dma_wait3A_903 : memref<1x24x512xf32, #tpu.memory_space<vmem>> -> memref<24x512xf32, #tpu.memory_space<vmem>>
    tpu.wait_dma2 semaphore(%arg8 : memref<!tpu.dma_semaphore, #tpu.memory_space<semaphore_mem>>) src(%dma_wait3A_904 : memref<24x512xf32, #tpu.memory_space<vmem>>) dst(%dma_wait3A_900 : memref<24x512xf32, #tpu.memory_space<hbm>>)
    %dma_wait3A_905 = arith.constant 0 : i32
    %dma_wait3A_906 = arith.constant 0 : i32
    %dma_wait3A_907 = arith.constant 0 : i32
    %dma_wait3A_908 = tpu.memref_slice %arg7[%dma_wait3A_905, %dma_wait3A_906, %dma_wait3A_907] : memref<3x24x512xf32, #tpu.memory_space<vmem>> -> memref<1x24x512xf32, #tpu.memory_space<vmem>>
    %dma_wait3A_909 = tpu.memref_squeeze %dma_wait3A_908 : memref<1x24x512xf32, #tpu.memory_space<vmem>> -> memref<24x512xf32, #tpu.memory_space<vmem>>
    %dma_wait3A_910 = arith.constant 0 : i32
    %dma_wait3A_911 = arith.constant 0 : i32
    %dma_wait3A_912 = tpu.memref_slice %arg4[%add3A_248, %add3A_250, %dma_wait3A_910, %dma_wait3A_911] : memref<32x24x24x512xf32, #tpu.memory_space<hbm>> -> memref<1x1x24x512xf32, #tpu.memory_space<hbm>>
    %dma_wait3A_913 = tpu.memref_squeeze %dma_wait3A_912 : memref<1x1x24x512xf32, #tpu.memory_space<hbm>> -> memref<24x512xf32, #tpu.memory_space<hbm>>
    %dma_wait3A_914 = arith.constant 0 : i32
    %dma_wait3A_915 = arith.constant 0 : i32
    %dma_wait3A_916 = tpu.memref_slice %arg4[%add3A_248, %add3A_250, %dma_wait3A_914, %dma_wait3A_915] : memref<32x24x24x512xf32, #tpu.memory_space<hbm>> -> memref<1x1x24x512xf32, #tpu.memory_space<hbm>>
    %dma_wait3A_917 = tpu.memref_squeeze %dma_wait3A_916 : memref<1x1x24x512xf32, #tpu.memory_space<hbm>> -> memref<24x512xf32, #tpu.memory_space<hbm>>
    %dma_wait3A_918 = arith.constant 0 : i32
    %dma_wait3A_919 = arith.constant 0 : i32
    %dma_wait3A_920 = tpu.memref_slice %arg7[%dma_wait3A_905, %dma_wait3A_918, %dma_wait3A_919] : memref<3x24x512xf32, #tpu.memory_space<vmem>> -> memref<1x24x512xf32, #tpu.memory_space<vmem>>
    %dma_wait3A_921 = tpu.memref_squeeze %dma_wait3A_920 : memref<1x24x512xf32, #tpu.memory_space<vmem>> -> memref<24x512xf32, #tpu.memory_space<vmem>>
    tpu.wait_dma2 semaphore(%arg8 : memref<!tpu.dma_semaphore, #tpu.memory_space<semaphore_mem>>) src(%dma_wait3A_921 : memref<24x512xf32, #tpu.memory_space<vmem>>) dst(%dma_wait3A_917 : memref<24x512xf32, #tpu.memory_space<hbm>>)
    %dma_wait3A_922 = arith.constant 0 : i32
    %dma_wait3A_923 = arith.constant 0 : i32
    %dma_wait3A_924 = arith.constant 0 : i32
    %dma_wait3A_925 = tpu.memref_slice %arg7[%dma_wait3A_922, %dma_wait3A_923, %dma_wait3A_924] : memref<3x24x512xf32, #tpu.memory_space<vmem>> -> memref<1x24x512xf32, #tpu.memory_space<vmem>>
    %dma_wait3A_926 = tpu.memref_squeeze %dma_wait3A_925 : memref<1x24x512xf32, #tpu.memory_space<vmem>> -> memref<24x512xf32, #tpu.memory_space<vmem>>
    %dma_wait3A_927 = arith.constant 0 : i32
    %dma_wait3A_928 = arith.constant 0 : i32
    %dma_wait3A_929 = tpu.memref_slice %arg4[%add3A_269, %add3A_271, %dma_wait3A_927, %dma_wait3A_928] : memref<32x24x24x512xf32, #tpu.memory_space<hbm>> -> memref<1x1x24x512xf32, #tpu.memory_space<hbm>>
    %dma_wait3A_930 = tpu.memref_squeeze %dma_wait3A_929 : memref<1x1x24x512xf32, #tpu.memory_space<hbm>> -> memref<24x512xf32, #tpu.memory_space<hbm>>
    %dma_wait3A_931 = arith.constant 0 : i32
    %dma_wait3A_932 = arith.constant 0 : i32
    %dma_wait3A_933 = tpu.memref_slice %arg4[%add3A_269, %add3A_271, %dma_wait3A_931, %dma_wait3A_932] : memref<32x24x24x512xf32, #tpu.memory_space<hbm>> -> memref<1x1x24x512xf32, #tpu.memory_space<hbm>>
    %dma_wait3A_934 = tpu.memref_squeeze %dma_wait3A_933 : memref<1x1x24x512xf32, #tpu.memory_space<hbm>> -> memref<24x512xf32, #tpu.memory_space<hbm>>
    %dma_wait3A_935 = arith.constant 0 : i32
    %dma_wait3A_936 = arith.constant 0 : i32
    %dma_wait3A_937 = tpu.memref_slice %arg7[%dma_wait3A_922, %dma_wait3A_935, %dma_wait3A_936] : memref<3x24x512xf32, #tpu.memory_space<vmem>> -> memref<1x24x512xf32, #tpu.memory_space<vmem>>
    %dma_wait3A_938 = tpu.memref_squeeze %dma_wait3A_937 : memref<1x24x512xf32, #tpu.memory_space<vmem>> -> memref<24x512xf32, #tpu.memory_space<vmem>>
    tpu.wait_dma2 semaphore(%arg8 : memref<!tpu.dma_semaphore, #tpu.memory_space<semaphore_mem>>) src(%dma_wait3A_938 : memref<24x512xf32, #tpu.memory_space<vmem>>) dst(%dma_wait3A_934 : memref<24x512xf32, #tpu.memory_space<hbm>>)
    %dma_wait3A_939 = arith.constant 0 : i32
    %dma_wait3A_940 = arith.constant 0 : i32
    %dma_wait3A_941 = arith.constant 0 : i32
    %dma_wait3A_942 = tpu.memref_slice %arg7[%dma_wait3A_939, %dma_wait3A_940, %dma_wait3A_941] : memref<3x24x512xf32, #tpu.memory_space<vmem>> -> memref<1x24x512xf32, #tpu.memory_space<vmem>>
    %dma_wait3A_943 = tpu.memref_squeeze %dma_wait3A_942 : memref<1x24x512xf32, #tpu.memory_space<vmem>> -> memref<24x512xf32, #tpu.memory_space<vmem>>
    %dma_wait3A_944 = arith.constant 0 : i32
    %dma_wait3A_945 = arith.constant 0 : i32
    %dma_wait3A_946 = tpu.memref_slice %arg4[%add3A_290, %add3A_292, %dma_wait3A_944, %dma_wait3A_945] : memref<32x24x24x512xf32, #tpu.memory_space<hbm>> -> memref<1x1x24x512xf32, #tpu.memory_space<hbm>>
    %dma_wait3A_947 = tpu.memref_squeeze %dma_wait3A_946 : memref<1x1x24x512xf32, #tpu.memory_space<hbm>> -> memref<24x512xf32, #tpu.memory_space<hbm>>
    %dma_wait3A_948 = arith.constant 0 : i32
    %dma_wait3A_949 = arith.constant 0 : i32
    %dma_wait3A_950 = tpu.memref_slice %arg4[%add3A_290, %add3A_292, %dma_wait3A_948, %dma_wait3A_949] : memref<32x24x24x512xf32, #tpu.memory_space<hbm>> -> memref<1x1x24x512xf32, #tpu.memory_space<hbm>>
    %dma_wait3A_951 = tpu.memref_squeeze %dma_wait3A_950 : memref<1x1x24x512xf32, #tpu.memory_space<hbm>> -> memref<24x512xf32, #tpu.memory_space<hbm>>
    %dma_wait3A_952 = arith.constant 0 : i32
    %dma_wait3A_953 = arith.constant 0 : i32
    %dma_wait3A_954 = tpu.memref_slice %arg7[%dma_wait3A_939, %dma_wait3A_952, %dma_wait3A_953] : memref<3x24x512xf32, #tpu.memory_space<vmem>> -> memref<1x24x512xf32, #tpu.memory_space<vmem>>
    %dma_wait3A_955 = tpu.memref_squeeze %dma_wait3A_954 : memref<1x24x512xf32, #tpu.memory_space<vmem>> -> memref<24x512xf32, #tpu.memory_space<vmem>>
    tpu.wait_dma2 semaphore(%arg8 : memref<!tpu.dma_semaphore, #tpu.memory_space<semaphore_mem>>) src(%dma_wait3A_955 : memref<24x512xf32, #tpu.memory_space<vmem>>) dst(%dma_wait3A_951 : memref<24x512xf32, #tpu.memory_space<hbm>>)
    %dma_wait3A_956 = arith.constant 1 : i32
    %dma_wait3A_957 = arith.constant 0 : i32
    %dma_wait3A_958 = arith.constant 0 : i32
    %dma_wait3A_959 = tpu.memref_slice %arg7[%dma_wait3A_956, %dma_wait3A_957, %dma_wait3A_958] : memref<3x24x512xf32, #tpu.memory_space<vmem>> -> memref<1x24x512xf32, #tpu.memory_space<vmem>>
    %dma_wait3A_960 = tpu.memref_squeeze %dma_wait3A_959 : memref<1x24x512xf32, #tpu.memory_space<vmem>> -> memref<24x512xf32, #tpu.memory_space<vmem>>
    %dma_wait3A_961 = arith.constant 0 : i32
    %dma_wait3A_962 = arith.constant 0 : i32
    %dma_wait3A_963 = tpu.memref_slice %arg4[%add3A_398, %add3A_400, %dma_wait3A_961, %dma_wait3A_962] : memref<32x24x24x512xf32, #tpu.memory_space<hbm>> -> memref<1x1x24x512xf32, #tpu.memory_space<hbm>>
    %dma_wait3A_964 = tpu.memref_squeeze %dma_wait3A_963 : memref<1x1x24x512xf32, #tpu.memory_space<hbm>> -> memref<24x512xf32, #tpu.memory_space<hbm>>
    %dma_wait3A_965 = arith.constant 0 : i32
    %dma_wait3A_966 = arith.constant 0 : i32
    %dma_wait3A_967 = tpu.memref_slice %arg4[%add3A_398, %add3A_400, %dma_wait3A_965, %dma_wait3A_966] : memref<32x24x24x512xf32, #tpu.memory_space<hbm>> -> memref<1x1x24x512xf32, #tpu.memory_space<hbm>>
    %dma_wait3A_968 = tpu.memref_squeeze %dma_wait3A_967 : memref<1x1x24x512xf32, #tpu.memory_space<hbm>> -> memref<24x512xf32, #tpu.memory_space<hbm>>
    %dma_wait3A_969 = arith.constant 0 : i32
    %dma_wait3A_970 = arith.constant 0 : i32
    %dma_wait3A_971 = tpu.memref_slice %arg7[%dma_wait3A_956, %dma_wait3A_969, %dma_wait3A_970] : memref<3x24x512xf32, #tpu.memory_space<vmem>> -> memref<1x24x512xf32, #tpu.memory_space<vmem>>
    %dma_wait3A_972 = tpu.memref_squeeze %dma_wait3A_971 : memref<1x24x512xf32, #tpu.memory_space<vmem>> -> memref<24x512xf32, #tpu.memory_space<vmem>>
    tpu.wait_dma2 semaphore(%arg8 : memref<!tpu.dma_semaphore, #tpu.memory_space<semaphore_mem>>) src(%dma_wait3A_972 : memref<24x512xf32, #tpu.memory_space<vmem>>) dst(%dma_wait3A_968 : memref<24x512xf32, #tpu.memory_space<hbm>>)
    %dma_wait3A_973 = arith.constant 1 : i32
    %dma_wait3A_974 = arith.constant 0 : i32
    %dma_wait3A_975 = arith.constant 0 : i32
    %dma_wait3A_976 = tpu.memref_slice %arg7[%dma_wait3A_973, %dma_wait3A_974, %dma_wait3A_975] : memref<3x24x512xf32, #tpu.memory_space<vmem>> -> memref<1x24x512xf32, #tpu.memory_space<vmem>>
    %dma_wait3A_977 = tpu.memref_squeeze %dma_wait3A_976 : memref<1x24x512xf32, #tpu.memory_space<vmem>> -> memref<24x512xf32, #tpu.memory_space<vmem>>
    %dma_wait3A_978 = arith.constant 0 : i32
    %dma_wait3A_979 = arith.constant 0 : i32
    %dma_wait3A_980 = tpu.memref_slice %arg4[%add3A_419, %add3A_421, %dma_wait3A_978, %dma_wait3A_979] : memref<32x24x24x512xf32, #tpu.memory_space<hbm>> -> memref<1x1x24x512xf32, #tpu.memory_space<hbm>>
    %dma_wait3A_981 = tpu.memref_squeeze %dma_wait3A_980 : memref<1x1x24x512xf32, #tpu.memory_space<hbm>> -> memref<24x512xf32, #tpu.memory_space<hbm>>
    %dma_wait3A_982 = arith.constant 0 : i32
    %dma_wait3A_983 = arith.constant 0 : i32
    %dma_wait3A_984 = tpu.memref_slice %arg4[%add3A_419, %add3A_421, %dma_wait3A_982, %dma_wait3A_983] : memref<32x24x24x512xf32, #tpu.memory_space<hbm>> -> memref<1x1x24x512xf32, #tpu.memory_space<hbm>>
    %dma_wait3A_985 = tpu.memref_squeeze %dma_wait3A_984 : memref<1x1x24x512xf32, #tpu.memory_space<hbm>> -> memref<24x512xf32, #tpu.memory_space<hbm>>
    %dma_wait3A_986 = arith.constant 0 : i32
    %dma_wait3A_987 = arith.constant 0 : i32
    %dma_wait3A_988 = tpu.memref_slice %arg7[%dma_wait3A_973, %dma_wait3A_986, %dma_wait3A_987] : memref<3x24x512xf32, #tpu.memory_space<vmem>> -> memref<1x24x512xf32, #tpu.memory_space<vmem>>
    %dma_wait3A_989 = tpu.memref_squeeze %dma_wait3A_988 : memref<1x24x512xf32, #tpu.memory_space<vmem>> -> memref<24x512xf32, #tpu.memory_space<vmem>>
    tpu.wait_dma2 semaphore(%arg8 : memref<!tpu.dma_semaphore, #tpu.memory_space<semaphore_mem>>) src(%dma_wait3A_989 : memref<24x512xf32, #tpu.memory_space<vmem>>) dst(%dma_wait3A_985 : memref<24x512xf32, #tpu.memory_space<hbm>>)
    %dma_wait3A_990 = arith.constant 1 : i32
    %dma_wait3A_991 = arith.constant 0 : i32
    %dma_wait3A_992 = arith.constant 0 : i32
    %dma_wait3A_993 = tpu.memref_slice %arg7[%dma_wait3A_990, %dma_wait3A_991, %dma_wait3A_992] : memref<3x24x512xf32, #tpu.memory_space<vmem>> -> memref<1x24x512xf32, #tpu.memory_space<vmem>>
    %dma_wait3A_994 = tpu.memref_squeeze %dma_wait3A_993 : memref<1x24x512xf32, #tpu.memory_space<vmem>> -> memref<24x512xf32, #tpu.memory_space<vmem>>
    %dma_wait3A_995 = arith.constant 0 : i32
    %dma_wait3A_996 = arith.constant 0 : i32
    %dma_wait3A_997 = tpu.memref_slice %arg4[%add3A_440, %add3A_442, %dma_wait3A_995, %dma_wait3A_996] : memref<32x24x24x512xf32, #tpu.memory_space<hbm>> -> memref<1x1x24x512xf32, #tpu.memory_space<hbm>>
    %dma_wait3A_998 = tpu.memref_squeeze %dma_wait3A_997 : memref<1x1x24x512xf32, #tpu.memory_space<hbm>> -> memref<24x512xf32, #tpu.memory_space<hbm>>
    %dma_wait3A_999 = arith.constant 0 : i32
    %dma_wait3A_1000 = arith.constant 0 : i32
    %dma_wait3A_1001 = tpu.memref_slice %arg4[%add3A_440, %add3A_442, %dma_wait3A_999, %dma_wait3A_1000] : memref<32x24x24x512xf32, #tpu.memory_space<hbm>> -> memref<1x1x24x512xf32, #tpu.memory_space<hbm>>
    %dma_wait3A_1002 = tpu.memref_squeeze %dma_wait3A_1001 : memref<1x1x24x512xf32, #tpu.memory_space<hbm>> -> memref<24x512xf32, #tpu.memory_space<hbm>>
    %dma_wait3A_1003 = arith.constant 0 : i32
    %dma_wait3A_1004 = arith.constant 0 : i32
    %dma_wait3A_1005 = tpu.memref_slice %arg7[%dma_wait3A_990, %dma_wait3A_1003, %dma_wait3A_1004] : memref<3x24x512xf32, #tpu.memory_space<vmem>> -> memref<1x24x512xf32, #tpu.memory_space<vmem>>
    %dma_wait3A_1006 = tpu.memref_squeeze %dma_wait3A_1005 : memref<1x24x512xf32, #tpu.memory_space<vmem>> -> memref<24x512xf32, #tpu.memory_space<vmem>>
    tpu.wait_dma2 semaphore(%arg8 : memref<!tpu.dma_semaphore, #tpu.memory_space<semaphore_mem>>) src(%dma_wait3A_1006 : memref<24x512xf32, #tpu.memory_space<vmem>>) dst(%dma_wait3A_1002 : memref<24x512xf32, #tpu.memory_space<hbm>>)
    %dma_wait3A_1007 = arith.constant 1 : i32
    %dma_wait3A_1008 = arith.constant 0 : i32
    %dma_wait3A_1009 = arith.constant 0 : i32
    %dma_wait3A_1010 = tpu.memref_slice %arg7[%dma_wait3A_1007, %dma_wait3A_1008, %dma_wait3A_1009] : memref<3x24x512xf32, #tpu.memory_space<vmem>> -> memref<1x24x512xf32, #tpu.memory_space<vmem>>
    %dma_wait3A_1011 = tpu.memref_squeeze %dma_wait3A_1010 : memref<1x24x512xf32, #tpu.memory_space<vmem>> -> memref<24x512xf32, #tpu.memory_space<vmem>>
    %dma_wait3A_1012 = arith.constant 0 : i32
    %dma_wait3A_1013 = arith.constant 0 : i32
    %dma_wait3A_1014 = tpu.memref_slice %arg4[%add3A_461, %add3A_463, %dma_wait3A_1012, %dma_wait3A_1013] : memref<32x24x24x512xf32, #tpu.memory_space<hbm>> -> memref<1x1x24x512xf32, #tpu.memory_space<hbm>>
    %dma_wait3A_1015 = tpu.memref_squeeze %dma_wait3A_1014 : memref<1x1x24x512xf32, #tpu.memory_space<hbm>> -> memref<24x512xf32, #tpu.memory_space<hbm>>
    %dma_wait3A_1016 = arith.constant 0 : i32
    %dma_wait3A_1017 = arith.constant 0 : i32
    %dma_wait3A_1018 = tpu.memref_slice %arg4[%add3A_461, %add3A_463, %dma_wait3A_1016, %dma_wait3A_1017] : memref<32x24x24x512xf32, #tpu.memory_space<hbm>> -> memref<1x1x24x512xf32, #tpu.memory_space<hbm>>
    %dma_wait3A_1019 = tpu.memref_squeeze %dma_wait3A_1018 : memref<1x1x24x512xf32, #tpu.memory_space<hbm>> -> memref<24x512xf32, #tpu.memory_space<hbm>>
    %dma_wait3A_1020 = arith.constant 0 : i32
    %dma_wait3A_1021 = arith.constant 0 : i32
    %dma_wait3A_1022 = tpu.memref_slice %arg7[%dma_wait3A_1007, %dma_wait3A_1020, %dma_wait3A_1021] : memref<3x24x512xf32, #tpu.memory_space<vmem>> -> memref<1x24x512xf32, #tpu.memory_space<vmem>>
    %dma_wait3A_1023 = tpu.memref_squeeze %dma_wait3A_1022 : memref<1x24x512xf32, #tpu.memory_space<vmem>> -> memref<24x512xf32, #tpu.memory_space<vmem>>
    tpu.wait_dma2 semaphore(%arg8 : memref<!tpu.dma_semaphore, #tpu.memory_space<semaphore_mem>>) src(%dma_wait3A_1023 : memref<24x512xf32, #tpu.memory_space<vmem>>) dst(%dma_wait3A_1019 : memref<24x512xf32, #tpu.memory_space<hbm>>)
    %dma_wait3A_1024 = arith.constant 1 : i32
    %dma_wait3A_1025 = arith.constant 0 : i32
    %dma_wait3A_1026 = arith.constant 0 : i32
    %dma_wait3A_1027 = tpu.memref_slice %arg7[%dma_wait3A_1024, %dma_wait3A_1025, %dma_wait3A_1026] : memref<3x24x512xf32, #tpu.memory_space<vmem>> -> memref<1x24x512xf32, #tpu.memory_space<vmem>>
    %dma_wait3A_1028 = tpu.memref_squeeze %dma_wait3A_1027 : memref<1x24x512xf32, #tpu.memory_space<vmem>> -> memref<24x512xf32, #tpu.memory_space<vmem>>
    %dma_wait3A_1029 = arith.constant 0 : i32
    %dma_wait3A_1030 = arith.constant 0 : i32
    %dma_wait3A_1031 = tpu.memref_slice %arg4[%add3A_482, %add3A_484, %dma_wait3A_1029, %dma_wait3A_1030] : memref<32x24x24x512xf32, #tpu.memory_space<hbm>> -> memref<1x1x24x512xf32, #tpu.memory_space<hbm>>
    %dma_wait3A_1032 = tpu.memref_squeeze %dma_wait3A_1031 : memref<1x1x24x512xf32, #tpu.memory_space<hbm>> -> memref<24x512xf32, #tpu.memory_space<hbm>>
    %dma_wait3A_1033 = arith.constant 0 : i32
    %dma_wait3A_1034 = arith.constant 0 : i32
    %dma_wait3A_1035 = tpu.memref_slice %arg4[%add3A_482, %add3A_484, %dma_wait3A_1033, %dma_wait3A_1034] : memref<32x24x24x512xf32, #tpu.memory_space<hbm>> -> memref<1x1x24x512xf32, #tpu.memory_space<hbm>>
    %dma_wait3A_1036 = tpu.memref_squeeze %dma_wait3A_1035 : memref<1x1x24x512xf32, #tpu.memory_space<hbm>> -> memref<24x512xf32, #tpu.memory_space<hbm>>
    %dma_wait3A_1037 = arith.constant 0 : i32
    %dma_wait3A_1038 = arith.constant 0 : i32
    %dma_wait3A_1039 = tpu.memref_slice %arg7[%dma_wait3A_1024, %dma_wait3A_1037, %dma_wait3A_1038] : memref<3x24x512xf32, #tpu.memory_space<vmem>> -> memref<1x24x512xf32, #tpu.memory_space<vmem>>
    %dma_wait3A_1040 = tpu.memref_squeeze %dma_wait3A_1039 : memref<1x24x512xf32, #tpu.memory_space<vmem>> -> memref<24x512xf32, #tpu.memory_space<vmem>>
    tpu.wait_dma2 semaphore(%arg8 : memref<!tpu.dma_semaphore, #tpu.memory_space<semaphore_mem>>) src(%dma_wait3A_1040 : memref<24x512xf32, #tpu.memory_space<vmem>>) dst(%dma_wait3A_1036 : memref<24x512xf32, #tpu.memory_space<hbm>>)
    %dma_wait3A_1041 = arith.constant 1 : i32
    %dma_wait3A_1042 = arith.constant 0 : i32
    %dma_wait3A_1043 = arith.constant 0 : i32
    %dma_wait3A_1044 = tpu.memref_slice %arg7[%dma_wait3A_1041, %dma_wait3A_1042, %dma_wait3A_1043] : memref<3x24x512xf32, #tpu.memory_space<vmem>> -> memref<1x24x512xf32, #tpu.memory_space<vmem>>
    %dma_wait3A_1045 = tpu.memref_squeeze %dma_wait3A_1044 : memref<1x24x512xf32, #tpu.memory_space<vmem>> -> memref<24x512xf32, #tpu.memory_space<vmem>>
    %dma_wait3A_1046 = arith.constant 0 : i32
    %dma_wait3A_1047 = arith.constant 0 : i32
    %dma_wait3A_1048 = tpu.memref_slice %arg4[%add3A_503, %add3A_505, %dma_wait3A_1046, %dma_wait3A_1047] : memref<32x24x24x512xf32, #tpu.memory_space<hbm>> -> memref<1x1x24x512xf32, #tpu.memory_space<hbm>>
    %dma_wait3A_1049 = tpu.memref_squeeze %dma_wait3A_1048 : memref<1x1x24x512xf32, #tpu.memory_space<hbm>> -> memref<24x512xf32, #tpu.memory_space<hbm>>
    %dma_wait3A_1050 = arith.constant 0 : i32
    %dma_wait3A_1051 = arith.constant 0 : i32
    %dma_wait3A_1052 = tpu.memref_slice %arg4[%add3A_503, %add3A_505, %dma_wait3A_1050, %dma_wait3A_1051] : memref<32x24x24x512xf32, #tpu.memory_space<hbm>> -> memref<1x1x24x512xf32, #tpu.memory_space<hbm>>
    %dma_wait3A_1053 = tpu.memref_squeeze %dma_wait3A_1052 : memref<1x1x24x512xf32, #tpu.memory_space<hbm>> -> memref<24x512xf32, #tpu.memory_space<hbm>>
    %dma_wait3A_1054 = arith.constant 0 : i32
    %dma_wait3A_1055 = arith.constant 0 : i32
    %dma_wait3A_1056 = tpu.memref_slice %arg7[%dma_wait3A_1041, %dma_wait3A_1054, %dma_wait3A_1055] : memref<3x24x512xf32, #tpu.memory_space<vmem>> -> memref<1x24x512xf32, #tpu.memory_space<vmem>>
    %dma_wait3A_1057 = tpu.memref_squeeze %dma_wait3A_1056 : memref<1x24x512xf32, #tpu.memory_space<vmem>> -> memref<24x512xf32, #tpu.memory_space<vmem>>
    tpu.wait_dma2 semaphore(%arg8 : memref<!tpu.dma_semaphore, #tpu.memory_space<semaphore_mem>>) src(%dma_wait3A_1057 : memref<24x512xf32, #tpu.memory_space<vmem>>) dst(%dma_wait3A_1053 : memref<24x512xf32, #tpu.memory_space<hbm>>)
    %dma_wait3A_1058 = arith.constant 1 : i32
    %dma_wait3A_1059 = arith.constant 0 : i32
    %dma_wait3A_1060 = arith.constant 0 : i32
    %dma_wait3A_1061 = tpu.memref_slice %arg7[%dma_wait3A_1058, %dma_wait3A_1059, %dma_wait3A_1060] : memref<3x24x512xf32, #tpu.memory_space<vmem>> -> memref<1x24x512xf32, #tpu.memory_space<vmem>>
    %dma_wait3A_1062 = tpu.memref_squeeze %dma_wait3A_1061 : memref<1x24x512xf32, #tpu.memory_space<vmem>> -> memref<24x512xf32, #tpu.memory_space<vmem>>
    %dma_wait3A_1063 = arith.constant 0 : i32
    %dma_wait3A_1064 = arith.constant 0 : i32
    %dma_wait3A_1065 = tpu.memref_slice %arg4[%add3A_524, %add3A_526, %dma_wait3A_1063, %dma_wait3A_1064] : memref<32x24x24x512xf32, #tpu.memory_space<hbm>> -> memref<1x1x24x512xf32, #tpu.memory_space<hbm>>
    %dma_wait3A_1066 = tpu.memref_squeeze %dma_wait3A_1065 : memref<1x1x24x512xf32, #tpu.memory_space<hbm>> -> memref<24x512xf32, #tpu.memory_space<hbm>>
    %dma_wait3A_1067 = arith.constant 0 : i32
    %dma_wait3A_1068 = arith.constant 0 : i32
    %dma_wait3A_1069 = tpu.memref_slice %arg4[%add3A_524, %add3A_526, %dma_wait3A_1067, %dma_wait3A_1068] : memref<32x24x24x512xf32, #tpu.memory_space<hbm>> -> memref<1x1x24x512xf32, #tpu.memory_space<hbm>>
    %dma_wait3A_1070 = tpu.memref_squeeze %dma_wait3A_1069 : memref<1x1x24x512xf32, #tpu.memory_space<hbm>> -> memref<24x512xf32, #tpu.memory_space<hbm>>
    %dma_wait3A_1071 = arith.constant 0 : i32
    %dma_wait3A_1072 = arith.constant 0 : i32
    %dma_wait3A_1073 = tpu.memref_slice %arg7[%dma_wait3A_1058, %dma_wait3A_1071, %dma_wait3A_1072] : memref<3x24x512xf32, #tpu.memory_space<vmem>> -> memref<1x24x512xf32, #tpu.memory_space<vmem>>
    %dma_wait3A_1074 = tpu.memref_squeeze %dma_wait3A_1073 : memref<1x24x512xf32, #tpu.memory_space<vmem>> -> memref<24x512xf32, #tpu.memory_space<vmem>>
    tpu.wait_dma2 semaphore(%arg8 : memref<!tpu.dma_semaphore, #tpu.memory_space<semaphore_mem>>) src(%dma_wait3A_1074 : memref<24x512xf32, #tpu.memory_space<vmem>>) dst(%dma_wait3A_1070 : memref<24x512xf32, #tpu.memory_space<hbm>>)
    %dma_wait3A_1075 = arith.constant 1 : i32
    %dma_wait3A_1076 = arith.constant 0 : i32
    %dma_wait3A_1077 = arith.constant 0 : i32
    %dma_wait3A_1078 = tpu.memref_slice %arg7[%dma_wait3A_1075, %dma_wait3A_1076, %dma_wait3A_1077] : memref<3x24x512xf32, #tpu.memory_space<vmem>> -> memref<1x24x512xf32, #tpu.memory_space<vmem>>
    %dma_wait3A_1079 = tpu.memref_squeeze %dma_wait3A_1078 : memref<1x24x512xf32, #tpu.memory_space<vmem>> -> memref<24x512xf32, #tpu.memory_space<vmem>>
    %dma_wait3A_1080 = arith.constant 0 : i32
    %dma_wait3A_1081 = arith.constant 0 : i32
    %dma_wait3A_1082 = tpu.memref_slice %arg4[%add3A_545, %add3A_547, %dma_wait3A_1080, %dma_wait3A_1081] : memref<32x24x24x512xf32, #tpu.memory_space<hbm>> -> memref<1x1x24x512xf32, #tpu.memory_space<hbm>>
    %dma_wait3A_1083 = tpu.memref_squeeze %dma_wait3A_1082 : memref<1x1x24x512xf32, #tpu.memory_space<hbm>> -> memref<24x512xf32, #tpu.memory_space<hbm>>
    %dma_wait3A_1084 = arith.constant 0 : i32
    %dma_wait3A_1085 = arith.constant 0 : i32
    %dma_wait3A_1086 = tpu.memref_slice %arg4[%add3A_545, %add3A_547, %dma_wait3A_1084, %dma_wait3A_1085] : memref<32x24x24x512xf32, #tpu.memory_space<hbm>> -> memref<1x1x24x512xf32, #tpu.memory_space<hbm>>
    %dma_wait3A_1087 = tpu.memref_squeeze %dma_wait3A_1086 : memref<1x1x24x512xf32, #tpu.memory_space<hbm>> -> memref<24x512xf32, #tpu.memory_space<hbm>>
    %dma_wait3A_1088 = arith.constant 0 : i32
    %dma_wait3A_1089 = arith.constant 0 : i32
    %dma_wait3A_1090 = tpu.memref_slice %arg7[%dma_wait3A_1075, %dma_wait3A_1088, %dma_wait3A_1089] : memref<3x24x512xf32, #tpu.memory_space<vmem>> -> memref<1x24x512xf32, #tpu.memory_space<vmem>>
    %dma_wait3A_1091 = tpu.memref_squeeze %dma_wait3A_1090 : memref<1x24x512xf32, #tpu.memory_space<vmem>> -> memref<24x512xf32, #tpu.memory_space<vmem>>
    tpu.wait_dma2 semaphore(%arg8 : memref<!tpu.dma_semaphore, #tpu.memory_space<semaphore_mem>>) src(%dma_wait3A_1091 : memref<24x512xf32, #tpu.memory_space<vmem>>) dst(%dma_wait3A_1087 : memref<24x512xf32, #tpu.memory_space<hbm>>)
    %dma_wait3A_1092 = arith.constant 2 : i32
    %dma_wait3A_1093 = arith.constant 0 : i32
    %dma_wait3A_1094 = arith.constant 0 : i32
    %dma_wait3A_1095 = tpu.memref_slice %arg7[%dma_wait3A_1092, %dma_wait3A_1093, %dma_wait3A_1094] : memref<3x24x512xf32, #tpu.memory_space<vmem>> -> memref<1x24x512xf32, #tpu.memory_space<vmem>>
    %dma_wait3A_1096 = tpu.memref_squeeze %dma_wait3A_1095 : memref<1x24x512xf32, #tpu.memory_space<vmem>> -> memref<24x512xf32, #tpu.memory_space<vmem>>
    %dma_wait3A_1097 = arith.constant 0 : i32
    %dma_wait3A_1098 = arith.constant 0 : i32
    %dma_wait3A_1099 = tpu.memref_slice %arg4[%add3A_653, %add3A_655, %dma_wait3A_1097, %dma_wait3A_1098] : memref<32x24x24x512xf32, #tpu.memory_space<hbm>> -> memref<1x1x24x512xf32, #tpu.memory_space<hbm>>
    %dma_wait3A_1100 = tpu.memref_squeeze %dma_wait3A_1099 : memref<1x1x24x512xf32, #tpu.memory_space<hbm>> -> memref<24x512xf32, #tpu.memory_space<hbm>>
    %dma_wait3A_1101 = arith.constant 0 : i32
    %dma_wait3A_1102 = arith.constant 0 : i32
    %dma_wait3A_1103 = tpu.memref_slice %arg4[%add3A_653, %add3A_655, %dma_wait3A_1101, %dma_wait3A_1102] : memref<32x24x24x512xf32, #tpu.memory_space<hbm>> -> memref<1x1x24x512xf32, #tpu.memory_space<hbm>>
    %dma_wait3A_1104 = tpu.memref_squeeze %dma_wait3A_1103 : memref<1x1x24x512xf32, #tpu.memory_space<hbm>> -> memref<24x512xf32, #tpu.memory_space<hbm>>
    %dma_wait3A_1105 = arith.constant 0 : i32
    %dma_wait3A_1106 = arith.constant 0 : i32
    %dma_wait3A_1107 = tpu.memref_slice %arg7[%dma_wait3A_1092, %dma_wait3A_1105, %dma_wait3A_1106] : memref<3x24x512xf32, #tpu.memory_space<vmem>> -> memref<1x24x512xf32, #tpu.memory_space<vmem>>
    %dma_wait3A_1108 = tpu.memref_squeeze %dma_wait3A_1107 : memref<1x24x512xf32, #tpu.memory_space<vmem>> -> memref<24x512xf32, #tpu.memory_space<vmem>>
    tpu.wait_dma2 semaphore(%arg8 : memref<!tpu.dma_semaphore, #tpu.memory_space<semaphore_mem>>) src(%dma_wait3A_1108 : memref<24x512xf32, #tpu.memory_space<vmem>>) dst(%dma_wait3A_1104 : memref<24x512xf32, #tpu.memory_space<hbm>>)
    %dma_wait3A_1109 = arith.constant 2 : i32
    %dma_wait3A_1110 = arith.constant 0 : i32
    %dma_wait3A_1111 = arith.constant 0 : i32
    %dma_wait3A_1112 = tpu.memref_slice %arg7[%dma_wait3A_1109, %dma_wait3A_1110, %dma_wait3A_1111] : memref<3x24x512xf32, #tpu.memory_space<vmem>> -> memref<1x24x512xf32, #tpu.memory_space<vmem>>
    %dma_wait3A_1113 = tpu.memref_squeeze %dma_wait3A_1112 : memref<1x24x512xf32, #tpu.memory_space<vmem>> -> memref<24x512xf32, #tpu.memory_space<vmem>>
    %dma_wait3A_1114 = arith.constant 0 : i32
    %dma_wait3A_1115 = arith.constant 0 : i32
    %dma_wait3A_1116 = tpu.memref_slice %arg4[%add3A_674, %add3A_676, %dma_wait3A_1114, %dma_wait3A_1115] : memref<32x24x24x512xf32, #tpu.memory_space<hbm>> -> memref<1x1x24x512xf32, #tpu.memory_space<hbm>>
    %dma_wait3A_1117 = tpu.memref_squeeze %dma_wait3A_1116 : memref<1x1x24x512xf32, #tpu.memory_space<hbm>> -> memref<24x512xf32, #tpu.memory_space<hbm>>
    %dma_wait3A_1118 = arith.constant 0 : i32
    %dma_wait3A_1119 = arith.constant 0 : i32
    %dma_wait3A_1120 = tpu.memref_slice %arg4[%add3A_674, %add3A_676, %dma_wait3A_1118, %dma_wait3A_1119] : memref<32x24x24x512xf32, #tpu.memory_space<hbm>> -> memref<1x1x24x512xf32, #tpu.memory_space<hbm>>
    %dma_wait3A_1121 = tpu.memref_squeeze %dma_wait3A_1120 : memref<1x1x24x512xf32, #tpu.memory_space<hbm>> -> memref<24x512xf32, #tpu.memory_space<hbm>>
    %dma_wait3A_1122 = arith.constant 0 : i32
    %dma_wait3A_1123 = arith.constant 0 : i32
    %dma_wait3A_1124 = tpu.memref_slice %arg7[%dma_wait3A_1109, %dma_wait3A_1122, %dma_wait3A_1123] : memref<3x24x512xf32, #tpu.memory_space<vmem>> -> memref<1x24x512xf32, #tpu.memory_space<vmem>>
    %dma_wait3A_1125 = tpu.memref_squeeze %dma_wait3A_1124 : memref<1x24x512xf32, #tpu.memory_space<vmem>> -> memref<24x512xf32, #tpu.memory_space<vmem>>
    tpu.wait_dma2 semaphore(%arg8 : memref<!tpu.dma_semaphore, #tpu.memory_space<semaphore_mem>>) src(%dma_wait3A_1125 : memref<24x512xf32, #tpu.memory_space<vmem>>) dst(%dma_wait3A_1121 : memref<24x512xf32, #tpu.memory_space<hbm>>)
    %dma_wait3A_1126 = arith.constant 2 : i32
    %dma_wait3A_1127 = arith.constant 0 : i32
    %dma_wait3A_1128 = arith.constant 0 : i32
    %dma_wait3A_1129 = tpu.memref_slice %arg7[%dma_wait3A_1126, %dma_wait3A_1127, %dma_wait3A_1128] : memref<3x24x512xf32, #tpu.memory_space<vmem>> -> memref<1x24x512xf32, #tpu.memory_space<vmem>>
    %dma_wait3A_1130 = tpu.memref_squeeze %dma_wait3A_1129 : memref<1x24x512xf32, #tpu.memory_space<vmem>> -> memref<24x512xf32, #tpu.memory_space<vmem>>
    %dma_wait3A_1131 = arith.constant 0 : i32
    %dma_wait3A_1132 = arith.constant 0 : i32
    %dma_wait3A_1133 = tpu.memref_slice %arg4[%add3A_695, %add3A_697, %dma_wait3A_1131, %dma_wait3A_1132] : memref<32x24x24x512xf32, #tpu.memory_space<hbm>> -> memref<1x1x24x512xf32, #tpu.memory_space<hbm>>
    %dma_wait3A_1134 = tpu.memref_squeeze %dma_wait3A_1133 : memref<1x1x24x512xf32, #tpu.memory_space<hbm>> -> memref<24x512xf32, #tpu.memory_space<hbm>>
    %dma_wait3A_1135 = arith.constant 0 : i32
    %dma_wait3A_1136 = arith.constant 0 : i32
    %dma_wait3A_1137 = tpu.memref_slice %arg4[%add3A_695, %add3A_697, %dma_wait3A_1135, %dma_wait3A_1136] : memref<32x24x24x512xf32, #tpu.memory_space<hbm>> -> memref<1x1x24x512xf32, #tpu.memory_space<hbm>>
    %dma_wait3A_1138 = tpu.memref_squeeze %dma_wait3A_1137 : memref<1x1x24x512xf32, #tpu.memory_space<hbm>> -> memref<24x512xf32, #tpu.memory_space<hbm>>
    %dma_wait3A_1139 = arith.constant 0 : i32
    %dma_wait3A_1140 = arith.constant 0 : i32
    %dma_wait3A_1141 = tpu.memref_slice %arg7[%dma_wait3A_1126, %dma_wait3A_1139, %dma_wait3A_1140] : memref<3x24x512xf32, #tpu.memory_space<vmem>> -> memref<1x24x512xf32, #tpu.memory_space<vmem>>
    %dma_wait3A_1142 = tpu.memref_squeeze %dma_wait3A_1141 : memref<1x24x512xf32, #tpu.memory_space<vmem>> -> memref<24x512xf32, #tpu.memory_space<vmem>>
    tpu.wait_dma2 semaphore(%arg8 : memref<!tpu.dma_semaphore, #tpu.memory_space<semaphore_mem>>) src(%dma_wait3A_1142 : memref<24x512xf32, #tpu.memory_space<vmem>>) dst(%dma_wait3A_1138 : memref<24x512xf32, #tpu.memory_space<hbm>>)
    %dma_wait3A_1143 = arith.constant 2 : i32
    %dma_wait3A_1144 = arith.constant 0 : i32
    %dma_wait3A_1145 = arith.constant 0 : i32
    %dma_wait3A_1146 = tpu.memref_slice %arg7[%dma_wait3A_1143, %dma_wait3A_1144, %dma_wait3A_1145] : memref<3x24x512xf32, #tpu.memory_space<vmem>> -> memref<1x24x512xf32, #tpu.memory_space<vmem>>
    %dma_wait3A_1147 = tpu.memref_squeeze %dma_wait3A_1146 : memref<1x24x512xf32, #tpu.memory_space<vmem>> -> memref<24x512xf32, #tpu.memory_space<vmem>>
    %dma_wait3A_1148 = arith.constant 0 : i32
    %dma_wait3A_1149 = arith.constant 0 : i32
    %dma_wait3A_1150 = tpu.memref_slice %arg4[%add3A_716, %add3A_718, %dma_wait3A_1148, %dma_wait3A_1149] : memref<32x24x24x512xf32, #tpu.memory_space<hbm>> -> memref<1x1x24x512xf32, #tpu.memory_space<hbm>>
    %dma_wait3A_1151 = tpu.memref_squeeze %dma_wait3A_1150 : memref<1x1x24x512xf32, #tpu.memory_space<hbm>> -> memref<24x512xf32, #tpu.memory_space<hbm>>
    %dma_wait3A_1152 = arith.constant 0 : i32
    %dma_wait3A_1153 = arith.constant 0 : i32
    %dma_wait3A_1154 = tpu.memref_slice %arg4[%add3A_716, %add3A_718, %dma_wait3A_1152, %dma_wait3A_1153] : memref<32x24x24x512xf32, #tpu.memory_space<hbm>> -> memref<1x1x24x512xf32, #tpu.memory_space<hbm>>
    %dma_wait3A_1155 = tpu.memref_squeeze %dma_wait3A_1154 : memref<1x1x24x512xf32, #tpu.memory_space<hbm>> -> memref<24x512xf32, #tpu.memory_space<hbm>>
    %dma_wait3A_1156 = arith.constant 0 : i32
    %dma_wait3A_1157 = arith.constant 0 : i32
    %dma_wait3A_1158 = tpu.memref_slice %arg7[%dma_wait3A_1143, %dma_wait3A_1156, %dma_wait3A_1157] : memref<3x24x512xf32, #tpu.memory_space<vmem>> -> memref<1x24x512xf32, #tpu.memory_space<vmem>>
    %dma_wait3A_1159 = tpu.memref_squeeze %dma_wait3A_1158 : memref<1x24x512xf32, #tpu.memory_space<vmem>> -> memref<24x512xf32, #tpu.memory_space<vmem>>
    tpu.wait_dma2 semaphore(%arg8 : memref<!tpu.dma_semaphore, #tpu.memory_space<semaphore_mem>>) src(%dma_wait3A_1159 : memref<24x512xf32, #tpu.memory_space<vmem>>) dst(%dma_wait3A_1155 : memref<24x512xf32, #tpu.memory_space<hbm>>)
    %dma_wait3A_1160 = arith.constant 2 : i32
    %dma_wait3A_1161 = arith.constant 0 : i32
    %dma_wait3A_1162 = arith.constant 0 : i32
    %dma_wait3A_1163 = tpu.memref_slice %arg7[%dma_wait3A_1160, %dma_wait3A_1161, %dma_wait3A_1162] : memref<3x24x512xf32, #tpu.memory_space<vmem>> -> memref<1x24x512xf32, #tpu.memory_space<vmem>>
    %dma_wait3A_1164 = tpu.memref_squeeze %dma_wait3A_1163 : memref<1x24x512xf32, #tpu.memory_space<vmem>> -> memref<24x512xf32, #tpu.memory_space<vmem>>
    %dma_wait3A_1165 = arith.constant 0 : i32
    %dma_wait3A_1166 = arith.constant 0 : i32
    %dma_wait3A_1167 = tpu.memref_slice %arg4[%add3A_737, %add3A_739, %dma_wait3A_1165, %dma_wait3A_1166] : memref<32x24x24x512xf32, #tpu.memory_space<hbm>> -> memref<1x1x24x512xf32, #tpu.memory_space<hbm>>
    %dma_wait3A_1168 = tpu.memref_squeeze %dma_wait3A_1167 : memref<1x1x24x512xf32, #tpu.memory_space<hbm>> -> memref<24x512xf32, #tpu.memory_space<hbm>>
    %dma_wait3A_1169 = arith.constant 0 : i32
    %dma_wait3A_1170 = arith.constant 0 : i32
    %dma_wait3A_1171 = tpu.memref_slice %arg4[%add3A_737, %add3A_739, %dma_wait3A_1169, %dma_wait3A_1170] : memref<32x24x24x512xf32, #tpu.memory_space<hbm>> -> memref<1x1x24x512xf32, #tpu.memory_space<hbm>>
    %dma_wait3A_1172 = tpu.memref_squeeze %dma_wait3A_1171 : memref<1x1x24x512xf32, #tpu.memory_space<hbm>> -> memref<24x512xf32, #tpu.memory_space<hbm>>
    %dma_wait3A_1173 = arith.constant 0 : i32
    %dma_wait3A_1174 = arith.constant 0 : i32
    %dma_wait3A_1175 = tpu.memref_slice %arg7[%dma_wait3A_1160, %dma_wait3A_1173, %dma_wait3A_1174] : memref<3x24x512xf32, #tpu.memory_space<vmem>> -> memref<1x24x512xf32, #tpu.memory_space<vmem>>
    %dma_wait3A_1176 = tpu.memref_squeeze %dma_wait3A_1175 : memref<1x24x512xf32, #tpu.memory_space<vmem>> -> memref<24x512xf32, #tpu.memory_space<vmem>>
    tpu.wait_dma2 semaphore(%arg8 : memref<!tpu.dma_semaphore, #tpu.memory_space<semaphore_mem>>) src(%dma_wait3A_1176 : memref<24x512xf32, #tpu.memory_space<vmem>>) dst(%dma_wait3A_1172 : memref<24x512xf32, #tpu.memory_space<hbm>>)
    %dma_wait3A_1177 = arith.constant 2 : i32
    %dma_wait3A_1178 = arith.constant 0 : i32
    %dma_wait3A_1179 = arith.constant 0 : i32
    %dma_wait3A_1180 = tpu.memref_slice %arg7[%dma_wait3A_1177, %dma_wait3A_1178, %dma_wait3A_1179] : memref<3x24x512xf32, #tpu.memory_space<vmem>> -> memref<1x24x512xf32, #tpu.memory_space<vmem>>
    %dma_wait3A_1181 = tpu.memref_squeeze %dma_wait3A_1180 : memref<1x24x512xf32, #tpu.memory_space<vmem>> -> memref<24x512xf32, #tpu.memory_space<vmem>>
    %dma_wait3A_1182 = arith.constant 0 : i32
    %dma_wait3A_1183 = arith.constant 0 : i32
    %dma_wait3A_1184 = tpu.memref_slice %arg4[%add3A_758, %add3A_760, %dma_wait3A_1182, %dma_wait3A_1183] : memref<32x24x24x512xf32, #tpu.memory_space<hbm>> -> memref<1x1x24x512xf32, #tpu.memory_space<hbm>>
    %dma_wait3A_1185 = tpu.memref_squeeze %dma_wait3A_1184 : memref<1x1x24x512xf32, #tpu.memory_space<hbm>> -> memref<24x512xf32, #tpu.memory_space<hbm>>
    %dma_wait3A_1186 = arith.constant 0 : i32
    %dma_wait3A_1187 = arith.constant 0 : i32
    %dma_wait3A_1188 = tpu.memref_slice %arg4[%add3A_758, %add3A_760, %dma_wait3A_1186, %dma_wait3A_1187] : memref<32x24x24x512xf32, #tpu.memory_space<hbm>> -> memref<1x1x24x512xf32, #tpu.memory_space<hbm>>
    %dma_wait3A_1189 = tpu.memref_squeeze %dma_wait3A_1188 : memref<1x1x24x512xf32, #tpu.memory_space<hbm>> -> memref<24x512xf32, #tpu.memory_space<hbm>>
    %dma_wait3A_1190 = arith.constant 0 : i32
    %dma_wait3A_1191 = arith.constant 0 : i32
    %dma_wait3A_1192 = tpu.memref_slice %arg7[%dma_wait3A_1177, %dma_wait3A_1190, %dma_wait3A_1191] : memref<3x24x512xf32, #tpu.memory_space<vmem>> -> memref<1x24x512xf32, #tpu.memory_space<vmem>>
    %dma_wait3A_1193 = tpu.memref_squeeze %dma_wait3A_1192 : memref<1x24x512xf32, #tpu.memory_space<vmem>> -> memref<24x512xf32, #tpu.memory_space<vmem>>
    tpu.wait_dma2 semaphore(%arg8 : memref<!tpu.dma_semaphore, #tpu.memory_space<semaphore_mem>>) src(%dma_wait3A_1193 : memref<24x512xf32, #tpu.memory_space<vmem>>) dst(%dma_wait3A_1189 : memref<24x512xf32, #tpu.memory_space<hbm>>)
    %dma_wait3A_1194 = arith.constant 2 : i32
    %dma_wait3A_1195 = arith.constant 0 : i32
    %dma_wait3A_1196 = arith.constant 0 : i32
    %dma_wait3A_1197 = tpu.memref_slice %arg7[%dma_wait3A_1194, %dma_wait3A_1195, %dma_wait3A_1196] : memref<3x24x512xf32, #tpu.memory_space<vmem>> -> memref<1x24x512xf32, #tpu.memory_space<vmem>>
    %dma_wait3A_1198 = tpu.memref_squeeze %dma_wait3A_1197 : memref<1x24x512xf32, #tpu.memory_space<vmem>> -> memref<24x512xf32, #tpu.memory_space<vmem>>
    %dma_wait3A_1199 = arith.constant 0 : i32
    %dma_wait3A_1200 = arith.constant 0 : i32
    %dma_wait3A_1201 = tpu.memref_slice %arg4[%add3A_779, %add3A_781, %dma_wait3A_1199, %dma_wait3A_1200] : memref<32x24x24x512xf32, #tpu.memory_space<hbm>> -> memref<1x1x24x512xf32, #tpu.memory_space<hbm>>
    %dma_wait3A_1202 = tpu.memref_squeeze %dma_wait3A_1201 : memref<1x1x24x512xf32, #tpu.memory_space<hbm>> -> memref<24x512xf32, #tpu.memory_space<hbm>>
    %dma_wait3A_1203 = arith.constant 0 : i32
    %dma_wait3A_1204 = arith.constant 0 : i32
    %dma_wait3A_1205 = tpu.memref_slice %arg4[%add3A_779, %add3A_781, %dma_wait3A_1203, %dma_wait3A_1204] : memref<32x24x24x512xf32, #tpu.memory_space<hbm>> -> memref<1x1x24x512xf32, #tpu.memory_space<hbm>>
    %dma_wait3A_1206 = tpu.memref_squeeze %dma_wait3A_1205 : memref<1x1x24x512xf32, #tpu.memory_space<hbm>> -> memref<24x512xf32, #tpu.memory_space<hbm>>
    %dma_wait3A_1207 = arith.constant 0 : i32
    %dma_wait3A_1208 = arith.constant 0 : i32
    %dma_wait3A_1209 = tpu.memref_slice %arg7[%dma_wait3A_1194, %dma_wait3A_1207, %dma_wait3A_1208] : memref<3x24x512xf32, #tpu.memory_space<vmem>> -> memref<1x24x512xf32, #tpu.memory_space<vmem>>
    %dma_wait3A_1210 = tpu.memref_squeeze %dma_wait3A_1209 : memref<1x24x512xf32, #tpu.memory_space<vmem>> -> memref<24x512xf32, #tpu.memory_space<vmem>>
    tpu.wait_dma2 semaphore(%arg8 : memref<!tpu.dma_semaphore, #tpu.memory_space<semaphore_mem>>) src(%dma_wait3A_1210 : memref<24x512xf32, #tpu.memory_space<vmem>>) dst(%dma_wait3A_1206 : memref<24x512xf32, #tpu.memory_space<hbm>>)
    %dma_wait3A_1211 = arith.constant 2 : i32
    %dma_wait3A_1212 = arith.constant 0 : i32
    %dma_wait3A_1213 = arith.constant 0 : i32
    %dma_wait3A_1214 = tpu.memref_slice %arg7[%dma_wait3A_1211, %dma_wait3A_1212, %dma_wait3A_1213] : memref<3x24x512xf32, #tpu.memory_space<vmem>> -> memref<1x24x512xf32, #tpu.memory_space<vmem>>
    %dma_wait3A_1215 = tpu.memref_squeeze %dma_wait3A_1214 : memref<1x24x512xf32, #tpu.memory_space<vmem>> -> memref<24x512xf32, #tpu.memory_space<vmem>>
    %dma_wait3A_1216 = arith.constant 0 : i32
    %dma_wait3A_1217 = arith.constant 0 : i32
    %dma_wait3A_1218 = tpu.memref_slice %arg4[%add3A_800, %add3A_802, %dma_wait3A_1216, %dma_wait3A_1217] : memref<32x24x24x512xf32, #tpu.memory_space<hbm>> -> memref<1x1x24x512xf32, #tpu.memory_space<hbm>>
    %dma_wait3A_1219 = tpu.memref_squeeze %dma_wait3A_1218 : memref<1x1x24x512xf32, #tpu.memory_space<hbm>> -> memref<24x512xf32, #tpu.memory_space<hbm>>
    %dma_wait3A_1220 = arith.constant 0 : i32
    %dma_wait3A_1221 = arith.constant 0 : i32
    %dma_wait3A_1222 = tpu.memref_slice %arg4[%add3A_800, %add3A_802, %dma_wait3A_1220, %dma_wait3A_1221] : memref<32x24x24x512xf32, #tpu.memory_space<hbm>> -> memref<1x1x24x512xf32, #tpu.memory_space<hbm>>
    %dma_wait3A_1223 = tpu.memref_squeeze %dma_wait3A_1222 : memref<1x1x24x512xf32, #tpu.memory_space<hbm>> -> memref<24x512xf32, #tpu.memory_space<hbm>>
    %dma_wait3A_1224 = arith.constant 0 : i32
    %dma_wait3A_1225 = arith.constant 0 : i32
    %dma_wait3A_1226 = tpu.memref_slice %arg7[%dma_wait3A_1211, %dma_wait3A_1224, %dma_wait3A_1225] : memref<3x24x512xf32, #tpu.memory_space<vmem>> -> memref<1x24x512xf32, #tpu.memory_space<vmem>>
    %dma_wait3A_1227 = tpu.memref_squeeze %dma_wait3A_1226 : memref<1x24x512xf32, #tpu.memory_space<vmem>> -> memref<24x512xf32, #tpu.memory_space<vmem>>
    tpu.wait_dma2 semaphore(%arg8 : memref<!tpu.dma_semaphore, #tpu.memory_space<semaphore_mem>>) src(%dma_wait3A_1227 : memref<24x512xf32, #tpu.memory_space<vmem>>) dst(%dma_wait3A_1223 : memref<24x512xf32, #tpu.memory_space<hbm>>)
    return
  }
}

</mosaic_0001>

<sc_bundles>
// kernel: kernel.3.cloned.1.call-start
scs
__scs_entry_jumppad:
0x0: {  	(pc) =	sbr.rel $0x88, $3  }
0x1: {  	(tag) =	ssettag $0x0;
	lr =	simm.s32 $0x1  }
0x2: {  	[smem:$0x3F9F] =	sst lr;
	_ =	strace $0xD0000000  }
0x3: {  	_ = 	snop  }
0x4: {  	_ = 	snop  }
0x5: {  	_ = 	snop  }
0x6: {  	_ = 	snop  }
0x7: {  	_ = 	snop  }
__scs_overlays_trampoline_lowered:
0x8: {  	[smem:$0x3FAE] =	sst s0  }
0x9: {  	[smem:$0x3FAF] =	sst s1  }
0xa: {  	[smem:$0x3FB0] =	sst s2  }
0xb: {  	[smem:$0x3FB1] =	sst s3  }
0xc: {  	[smem:$0x3FB2] =	sst s4  }
0xd: {  	[smem:$0x3FB3] =	sst s5  }
0xe: {  	[smem:$0x3FB4] =	sst s6  }
0xf: {  	[smem:$0x3FB5] =	sst s7  }
0x10: {  	[smem:$0x3FB6] =	sst s8  }
0x11: {  	[smem:$0x3FB7] =	sst s9;
	s0 =	simm.s32 @!p0 $0x0  }
0x12: {  	s1 =	sld [smem:$0x3F9D];
	s0 =	simm.s32 @p0 $0x1  }
0x13: {  	[smem:$0x3FB8] =	sst s0;
	s0 =	simm.s32 @!p1 $0x0  }
0x14: {  	s2 =	sld [smem:$0x3F9C];
	s0 =	simm.s32 @p1 $0x1  }
0x15: {  	[smem:$0x3FB9] =	sst s0;
	s0 =	simm.s32 @!p2 $0x0  }
0x16: {  	s3 =	sld [smem:$0x3FDB];
	s0 =	simm.s32 @p2 $0x1  }
0x17: {  	s4 =	simm.s32 $0x1BF5;
	[smem:$0x3FBB] =	sst s0  }
0x18: {  	s0 =	sld [smem:$0x3F9E];
	_ =	swait.ge [sflag:s4], $0x0  }
0x19: {  	s7 =	sld [smem:$0x3F9F]  }
0x1a: {  	s8 =	sadd.s32 $0xFFFFE003, lr  }
0x1b: {  	s9 =	sadd.s32 $0xFFFFFEF7, lr;
	s5 =	simm.s32 $0xFFFFFFFF;
	p2 =	slt.u32 s8, $0xFFFFF086  }
0x1c: {  	p1 =	slt.u32 s9, $0xF7A;
	s5 =	simm.s32 @!p2 $0x0  }
0x1d: {  	s5 =	simm.s32 @p1 $0x1;
	p0 =	seq.s32 s7, s2  }
0x1e: {  	s7 =	smul.u32 @!p0 $0xF7A, s2;
	p2 =	seq.s32 @!p0 s5, $0x0  }
0x1f: {  	s9 =	smul.u32 $0xF7A, s1;
	s8 =	simm.s32 @!p0 $0x1BF5;
	p2 =	por !p2, p0  }
0x20: {  	[sflag:s8] =	ssyncset.s32 @!p0 $0xFFFFF086;
	s6 =	sadd.s32 @!p0 s3, s7;
	s7 =	simm.s32 @!p0 $0x108  }
0x21: {  	s3 =	sadd.s32 s3, s9;
	s6 =	sadd.s32 @!p0 $0x88, s6;
	s7 =	simm.s32 @p2 $0x1082  }
0x22: {  	[simem:s7], [sflag:s8] =	dma.local @!p0 [hbm:s6], $0xF7A  }
0x23: {  	s9 =	sor.u32 $0xD0000000, s2;
	s6 =	simm.s32 $0x108;
	_ =	swait.ge @!p0 [sflag:s8], $0x0  }
0x24: {  	s3 =	sadd.s32 $0x88, s3;
	s6 =	simm.s32 @!p1 $0x1082;
	[sflag:s4] =	ssyncset.s32 $0xFFFFF086  }
0x25: {  	[simem:s6], [sflag:s4] =	dma.local [hbm:s3], $0xF7A  }
0x26: {  	[smem:$0x3F9F] =	sst s1;
	(tag) =	ssettag s2;
	_ =	strace s9  }
0x27: {  	s1 =	sld [smem:$0x3FAF]  }
0x28: {  	s2 =	sld [smem:$0x3FB0]  }
0x29: {  	s4 =	sld [smem:$0x3FB2]  }
0x2a: {  	p0 =	seq.s32 s5, $0x0;
	s5 =	sld [smem:$0x3FB3]  }
0x2b: {  	s6 =	sld [smem:$0x3FB4]  }
0x2c: {  	s7 =	sld [smem:$0x3FB5]  }
0x2d: {  	s3 =	simm.s32 $0x108;
	s8 =	sld [smem:$0x3FB6]  }
0x2e: {  	s3 =	simm.s32 @!p0 $0x1082;
	s9 =	sld [smem:$0x3FB7]  }
0x2f: {  	lr =	sadd.s32 s0, s3;
	s0 =	sld [smem:$0x3FAE]  }
0x30: {  	s3 =	sld [smem:$0x3FB1]  }
0x31: {  	[smem:$0x3FBA] =	sst s10  }
0x32: {  	s10 =	sld [smem:$0x3FB8];
	_ =	sdelay $0x3  }
0x33: {  	p0 =	seq.s32 s10, $0x1;
	s10 =	sld [smem:$0x3FBA];
	_ =	sdelay $0x3  }
0x34: {  	[smem:$0x3FBA] =	sst s10  }
0x35: {  	s10 =	sld [smem:$0x3FB9];
	_ =	sdelay $0x3  }
0x36: {  	p1 =	seq.s32 s10, $0x1;
	s10 =	sld [smem:$0x3FBA];
	_ =	sdelay $0x3  }
0x37: {  	[smem:$0x3FBA] =	sst s10  }
0x38: {  	s10 =	sld [smem:$0x3FBB]  }
0x39: {  	_ = 	snop;
	(pc) =	sbr.ind lr, $3  }
0x3a: {  	_ = 	snop  }
0x3b: {  	_ = 	snop  }
0x3c: {  	p2 =	seq.s32 s10, $0x1;
	s10 =	sld [smem:$0x3FBA]  }
0x3d: {  	_ =	shalt  }
0x3e: {  	_ =	shalt  }
0x3f: {  	_ =	shalt  }
0x40: {  	_ =	shalt  }
0x41: {  	_ =	shalt  }
0x42: {  	_ =	shalt  }
0x43: {  	_ =	shalt  }
0x44: {  	_ =	shalt  }
0x45: {  	_ =	shalt  }
0x46: {  	_ =	shalt  }
0x47: {  	_ =	shalt  }
0x48: {  	_ =	shalt  }
0x49: {  	_ =	shalt  }
0x4a: {  	_ =	shalt  }
0x4b: {  	_ =	shalt  }
0x4c: {  	_ =	shalt  }
0x4d: {  	_ =	shalt  }
0x4e: {  	_ =	shalt  }
0x4f: {  	_ =	shalt  }
0x50: {  	_ =	shalt  }
0x51: {  	_ =	shalt  }
0x52: {  	_ =	shalt  }
0x53: {  	_ =	shalt  }
0x54: {  	_ =	shalt  }
0x55: {  	_ =	shalt  }
0x56: {  	_ =	shalt  }
0x57: {  	_ =	shalt  }
0x58: {  	_ =	shalt  }
0x59: {  	_ =	shalt  }
0x5a: {  	_ =	shalt  }
0x5b: {  	_ =	shalt  }
0x5c: {  	_ =	shalt  }
0x5d: {  	_ =	shalt  }
0x5e: {  	_ =	shalt  }
0x5f: {  	_ =	shalt  }
0x60: {  	_ =	shalt  }
0x61: {  	_ =	shalt  }
0x62: {  	_ =	shalt  }
0x63: {  	_ =	shalt  }
0x64: {  	_ =	shalt  }
0x65: {  	_ =	shalt  }
0x66: {  	_ =	shalt  }
0x67: {  	_ =	shalt  }
0x68: {  	_ =	shalt  }
0x69: {  	_ =	shalt  }
0x6a: {  	_ =	shalt  }
0x6b: {  	_ =	shalt  }
0x6c: {  	_ =	shalt  }
0x6d: {  	_ =	shalt  }
0x6e: {  	_ =	shalt  }
0x6f: {  	_ =	shalt  }
0x70: {  	_ =	shalt  }
0x71: {  	_ =	shalt  }
0x72: {  	_ =	shalt  }
0x73: {  	_ =	shalt  }
0x74: {  	_ =	shalt  }
0x75: {  	_ =	shalt  }
0x76: {  	_ =	shalt  }
0x77: {  	_ =	shalt  }
0x78: {  	_ =	shalt  }
0x79: {  	_ =	shalt  }
0x7a: {  	_ =	shalt  }
0x7b: {  	_ =	shalt  }
0x7c: {  	_ =	shalt  }
0x7d: {  	_ =	shalt  }
0x7e: {  	_ =	shalt  }
0x7f: {  	_ =	shalt  }
0x80: {  	_ =	shalt  }
0x81: {  	_ =	shalt  }
0x82: {  	_ =	shalt  }
0x83: {  	_ =	shalt  }
0x84: {  	_ =	shalt  }
0x85: {  	_ =	shalt  }
0x86: {  	_ =	shalt  }
0x87: {  	_ =	shalt  }
.Lfunc_end0:
.L_simem_size_0:
called_computation_lowered:
.L_overlay_start_0:
0x88: {  	s2 =	sld [smem:$0x3FD9]  }
0x89: {  	s3 =	sld [smem:$0x3FFE];
	_ =	sdelay $0x1  }
0x8a: {  	s1 =	srdreg.scid  }
0x8b: {  	s0 =	sand.u32 $0x1, s1  }
0x8c: {  	s18 =	sshll.u32 s0, $0xA;
	s2 =	sadd.s32 s3, s2  }
0x8d: {  	s2 =	sadd.s32 s2, s18  }
0x8e: {  	[smem:$0x3FC6] =	sst s2  }
0x8f: {  	_ = 	snop  }
0x90: {  	s2 =	sld [smem:$0x3FC9]  }
0x91: {  	s19 =	sld [smem:$0x3FC8]  }
0x92: {  	s4 =	sld [smem:$0x3FD0];
	(tm) =	ssettm $0x1  }
0x93: {  	s5 =	sld [smem:$0x3FFB];
	_ =	sdelay $0x3  }
0x94: {  	_ =	strace s5  }
0x95: {  	s5 =	sld [smem:$0x3FFC];
	_ =	sdelay $0x3  }
0x96: {  	_ =	strace s5  }
0x97: {  	s5 =	sld [smem:$0x3FFD];
	_ =	sdelay $0x3  }
0x98: {  	_ =	strace s5  }
0x99: {  	_ =	strace $0x8FFFFFFF  }
0x9a: {  	s20 =	sld [smem:$0x3FDB];
	_ =	sdelay $0x1  }
0x9b: {  	s6 =	simm.s32 $_scs_section_size  }
0x9c: {  	s7 =	simm.s32 $_size__tile_overlayer_lowered;
	s8 =	simm.s32 $_tile_overlayer_lowered  }
0x9d: {  	s23 =	simm.s32 $0x1BFF;
	s22 =	sshll.u32 s8, $0x1;
	s5 =	sadd.s32 s6, s20  }
0x9e: {  	s9 =	simm.s32 $0x0;
	s21 =	sshll.u32 s7, $0x1;
	s7 =	sadd.s32 s22, s5  }
0x9f: {  	[timem:s9], [sflag:s23] =	dma.local [hbm:s7], s21  }
0xa0: {  	_ =	swait.ge [sflag:s23], s21  }
0xa1: {  	s6 =	ssub.s32 $0x0, s21;
	[sflag:s23] =	ssyncset.done $0x0  }
0xa2: {  	[sflag:s23] =	ssyncadd.s32 s6;
	_ =	sdelay $0x1  }
0xa3: {  	s24 =	simm.s32 $0x1B8B  }
0xa4: {  	_ =	swait.ge [sflag:s24], $0x1  }
0xa5: {  	[sflag:s24] =	ssyncset.done $0x0  }
0xa6: {  	s25 =	simm.s32 $0x1B8E;
	[sflag:s24] =	ssyncadd.s32 $0xFFFFFFFF  }
0xa7: {  	s26 =	simm.s32 $execute0_lowered;
	[smem:$0x3FD2] =	sst s25  }
0xa8: {  	s6 =	sshll.u32 s26, $0x1;
	_ =	strace $0x80000046;
	[dreg:$0x1] =	wrdreg $0xFFFFFFFF  }
0xa9: {  	s28 =	simm.s32 $_size_execute0_lowered;
	s5 =	sadd.s32 s5, s6;
	[dreg:$0x0] =	wrdreg $0x0  }
0xaa: {  	s6 =	sshll.u32 s28, $0x1;
	[dreg:$0x2] =	wrdreg s5  }
0xab: {  	[dreg:$0x3] =	wrdreg s6  }
0xac: {  	[dreg:$0x4] =	wrdreg $0xC0  }
0xad: {  	_ =	task [dreg:s9], $0x5FFFF  }
0xae: {  	[dreg:$0x1] =	wrdreg $0xFFFFFFFF  }
0xaf: {  	[dreg:$0x0] =	wrdreg $0x60  }
0xb0: {  	[dreg:$0x2] =	wrdreg s2  }
0xb1: {  	[dreg:$0x3] =	wrdreg s19  }
0xb2: {  	[dreg:$0x4] =	wrdreg s4  }
0xb3: {  	[dreg:$0x5] =	wrdreg $0x9  }
0xb4: {  	_ =	task.clear_ibuf [dreg:s9], $0x6FFFF;
	_ =	strace $0x90000046  }
0xb5: {  	s29 =	simm.s32 $0x9;
	_ =	strace $0x80000048  }
0xb6: {  	_ =	swait.ge [sflag:s29], $0x1  }
0xb7: {  	[sflag:s29] =	ssyncadd.s32 $0xFFFFFFFF  }
0xb8: {  	_ =	strace $0x90000048  }
0xb9: {  	_ =	sfence  }
0xba: {  	s30 =	sld [smem:$0x0];
	_ =	sdelay $0x2  }
0xbb: {  	s31 =	sshll.u32 s1, $0xD;
	s1 =	sshrl.u32 s1, $0x2  }
0xbc: {  	s3 =	sand.u32 $0x4000, s31;
	s1 =	sadd.s32 s1, s30  }
0xbd: {  	s0 =	sor.u32 s3, s0;
	s1 =	sshll.u32 s1, $0x11  }
0xbe: {  	s0 =	sor.u32 s1, s0  }
0xbf: {  	s0 =	sadd.s32 $0x8F2B, s0  }
0xc0: {  	[sflag:s0] =	ssyncadd.remote.s32 $0x1  }
0xc1: {  	_ =	sfence.sel $0xFFFF  }
0xc2: {  	[dreg:$0x0] =	wrdreg $0xFFFFFFFF;
	(pc) =	sbr.abs _section_cstart, $3  }
0xc3: {  	[dreg:$0x1] =	wrdreg $0xFFFFFFFF  }
0xc4: {  	_ =	task.clear_ibuf [dreg:s9], $0x2FFFF;
	_ =	strace $0x9FFFFFFF  }
0xc5: {  	(tm) =	ssettm $0x7FFFFFFF  }
tec
execute0_lowered:
.L_overlay_start_1:
0x0: {  	(tag) =	ssettag $0x1  }
0x1: {  	s3 =	stileid.u32  }
0x2: {  	s0 =	srdreg.scid;
	s1 =	sshll.u32 s3, $0x1  }
0x3: {  	s0 =	sand.u32 $0x1, s0;
	s3 =	sshrl.u32 s3, $0x2;
	s1 =	sand.u32 $0x6, s1  }
0x4: {  	s6 =	smul.u32 $0x240000, s3;
	s1 =	sor.u32 s0, s1  }
0x5: {  	s2 =	smul.u32 $0x300, s1  }
0x6: {  	s0 =	ssub.s32 $0x2, s0;
	s4 =	smul.u32 $0x180, s1  }
0x7: {  	s5 =	sshrl.u32 s0, $0x1;
	s24 =	smul.u32 $0x3, s1  }
0x8: {  	s8 =	sadd.s32 $0x48000, s6;
	s9 =	sadd.s32 $0x90000, s6;
	s12 =	sadd.s32 $0xD8000, s6  }
0x9: {  	s14 =	sadd.s32 $0x120000, s6;
	s15 =	sadd.s32 $0x168000, s6;
	s18 =	sadd.s32 $0x1B0000, s6  }
0xa: {  	s20 =	sadd.s32 $0x1F8000, s6;
	s0 =	ssub.s32 s0, s5;
	s2 =	sand.u32 $0x1800, s2  }
0xb: {  	s23 =	sand.u32 $0x380, s4;
	s4 =	smul.u32 $0x9000, s1;
	[dreg:$0xe] =	wrdreg s0  }
0xc: {  	s25 =	sadd.s32 $0x1, s24;
	s5 =	sadd.s32 $0x2, s24;
	s1 =	sor.u32 s23, s2  }
0xd: {  	s26 =	sshll.u32 s25, $0x8;
	s22 =	sshll.u32 s25, $0x7;
	s23 =	smul.u32 $0x3000, s25  }
0xe: {  	s24 =	sshll.u32 s5, $0x8;
	s5 =	sshll.u32 s5, $0x7;
	s7 =	sor.u32 s6, s4  }
0xf: {  	s10 =	sadd.s32 s8, s4;
	s11 =	sadd.s32 s9, s4;
	s13 =	sadd.s32 s12, s4  }
0x10: {  	s16 =	sadd.s32 s14, s4;
	s17 =	sadd.s32 s15, s4;
	s19 =	sadd.s32 s18, s4  }
0x11: {  	s21 =	sadd.s32 s20, s4;
	s3 =	sand.u32 $0x3800, s26;
	s22 =	sand.u32 $0x380, s22  }
0x12: {  	s0 =	sand.u32 $0x3800, s24;
	s5 =	sand.u32 $0x380, s5;
	s4 =	sadd.s32 $0x6000, s4  }
0x13: {  	s2 =	sor.u32 s22, s3;
	s22 =	sadd.s32 s6, s23;
	s24 =	sadd.s32 s8, s23  }
0x14: {  	s3 =	sor.u32 s5, s0;
	s5 =	sadd.s32 s9, s23;
	s25 =	sadd.s32 s12, s23  }
0x15: {  	s26 =	sadd.s32 s14, s23;
	s28 =	sadd.s32 s15, s23;
	s29 =	sadd.s32 s18, s23  }
0x16: {  	s23 =	sadd.s32 s20, s23;
	s6 =	sadd.s32 s6, s4;
	s8 =	sadd.s32 s8, s4  }
0x17: {  	s9 =	sadd.s32 s9, s4;
	s12 =	sadd.s32 s12, s4;
	s30 =	sadd.s32 s14, s4  }
0x18: {  	s31 =	sadd.s32 s15, s4;
	s14 =	sadd.s32 s18, s4;
	s4 =	sadd.s32 s20, s4  }
0x19: {  	s7 =	sshrl.u32 s7, $0x3;
	s0 =	rddreg [dreg:$0x2];
	s15 =	sshrl.u32 s10, $0x3  }
0x1a: {  	s18 =	sshrl.u32 s11, $0x3;
	s20 =	sshrl.u32 s13, $0x3;
	s11 =	sshrl.u32 s16, $0x3  }
0x1b: {  	s13 =	sshrl.u32 s17, $0x3;
	s17 =	sshrl.u32 s21, $0x3;
	[dreg:$0xf] =	wrdreg s4  }
0x1c: {  	s4 =	simm.s32 $0x0;
	s7 =	sadd.s32 s0, s7;
	s10 =	sadd.s32 s0, s20  }
0x1d: {  	s5 =	sshrl.u32 s5, $0x3;
	s21 =	sshrl.u32 s25, $0x3;
	[smem:$0x7FF] =	sst s4  }
0x1e: {  	s25 =	sshrl.u32 s29, $0x3;
	s6 =	sshrl.u32 s6, $0x3;
	[dreg:$0x4] =	wrdreg s7  }
0x1f: {  	s29 =	simm.s32 $0x3000;
	s7 =	sadd.s32 s0, s15;
	[dreg:$0x7] =	wrdreg s10  }
0x20: {  	s15 =	sshrl.u32 s19, $0x3;
	s19 =	sshrl.u32 s24, $0x3;
	s24 =	sshrl.u32 s28, $0x3  }
0x21: {  	s10 =	sshrl.u32 s30, $0x3;
	s30 =	simm.s32 $0x2;
	[dreg:$0x5] =	wrdreg s7  }
0x22: {  	s7 =	sadd.s32 s0, s18;
	s16 =	sadd.s32 s0, s15;
	s18 =	sshrl.u32 s22, $0x3  }
0x23: {  	s20 =	sadd.s32 s0, s19;
	s15 =	sadd.s32 s0, s5;
	s22 =	sshrl.u32 s26, $0x3  }
0x24: {  	s26 =	sshrl.u32 s23, $0x3;
	s19 =	sadd.s32 s0, s25;
	[dreg:$0x6] =	wrdreg s7  }
0x25: {  	s25 =	sadd.s32 s0, s10;
	s5 =	simm.s32 $0x6000;
	[dreg:$0xa] =	wrdreg s16  }
0x26: {  	s7 =	sadd.s32 s0, s11;
	[dreg:$0xd] =	wrdreg s20;
	s16 =	sadd.s32 s0, s21  }
0x27: {  	s20 =	sadd.s32 s0, s26;
	s21 =	sadd.s32 s0, s6;
	[dreg:$0x8] =	wrdreg s7  }
0x28: {  	s11 =	sshrl.u32 s31, $0x3;
	s7 =	sadd.s32 s0, s13;
	s13 =	rddreg [dreg:$0xf]  }
0x29: {  	s26 =	sadd.s32 s0, s11;
	[dreg:$0x9] =	wrdreg s7;
	s7 =	sadd.s32 s0, s17  }
0x2a: {  	s17 =	sadd.s32 s0, s22;
	s6 =	sshrl.u32 s13, $0x3;
	[dreg:$0xb] =	wrdreg s7  }
0x2b: {  	s7 =	sadd.s32 s0, s18;
	s18 =	sadd.s32 s0, s24;
	s28 =	sadd.s32 s0, s6  }
0x2c: {  	s6 =	simm.s32 $0x9000;
	[dreg:$0xc] =	wrdreg s7;
	s7 =	sshrl.u32 s8, $0x3  }
0x2d: {  	s8 =	sshrl.u32 s9, $0x3;
	s9 =	sshrl.u32 s12, $0x3;
	s12 =	sshrl.u32 s14, $0x3  }
0x2e: {  	s22 =	sadd.s32 s0, s7;
	s23 =	sadd.s32 s0, s8;
	_ =	strace $0x80000047  }
0x2f: {  	s24 =	sadd.s32 s0, s9;
	s31 =	sadd.s32 s0, s12;
	s14 =	rddreg [dreg:$0xe]  }
0x30: {  	s7 =	simm.s32 $0x1;
	s8 =	simm.s32 $0x0;
	s0 =	smax.u32 s14, $0x1  }
.LBB2_1:
0x31: {  	s9 =	rddreg [dreg:$0x0]  }
0x32: {  	[tilespmem:s4], [sflag:$0x2] =	stream.linear.gather [hbm4b:s9+s4], $0x1800, $0x38;
	[tilespmem:$0xC000] =	vst v63  }
0x33: {  	s11 =	rddreg [dreg:$0x1];
	s10 =	simm.s32 $0x1800  }
0x34: {  	[tilespmem:s10], [sflag:$0x2] =	stream.linear.gather [hbm4b:s11+s4], $0x1800, $0x38;
	[tilespmem:$0xC000] =	vst v63  }
0x35: {  	_ =	swait.ge [sflag:s30], $0x1800  }
0x36: {  	[sflag:s30] =	ssyncset.done $0x0  }
0x37: {  	[sflag:s30] =	ssyncadd.s32 $0xFFFFE800  }
0x38: {  	_ =	swait.ge [sflag:s30], $0x1800  }
0x39: {  	[sflag:s30] =	ssyncset.done $0x0  }
0x3a: {  	[sflag:s30] =	ssyncadd.s32 $0xFFFFE800  }
0x3b: {  	v5 =	vld [tilespmem:s1+$0x0]  }
0x3c: {  	v6 =	vld [tilespmem:s1+$0x10]  }
0x3d: {  	v7 =	vld [tilespmem:s1+$0x20]  }
0x3e: {  	v8 =	vld [tilespmem:s1+$0x30]  }
0x3f: {  	v9 =	vld [tilespmem:s1+$0x40]  }
0x40: {  	v0 =	vld [tilespmem:s1+$0x50]  }
0x41: {  	v1 =	vld [tilespmem:s1+$0x60]  }
0x42: {  	v2 =	vld [tilespmem:s1+$0x70]  }
0x43: {  	s12 =	simm.s32 $0x0;
	v3 =	vld [tilespmem:s1+$0x400]  }
0x44: {  	s13 =	sand.u32 $0x380, s4;
	s9 =	sand.u32 $0x3FFFF800, s12;
	v4 =	vld [tilespmem:s1+$0x410]  }
0x45: {  	s11 =	sor.u32 s13, s9;
	v10 =	vld [tilespmem:s1+$0x420]  }
0x46: {  	v16 =	vld [tilespmem:s11+$0x1800]  }
0x47: {  	v11 =	vld [tilespmem:s1+$0x430]  }
0x48: {  	s14 =	simm.s32 $0x0;
	v12 =	vld [tilespmem:s1+$0x440]  }
0x49: {  	s9 =	sand.u32 $0x3FFFF000, s14;
	v13 =	vld [tilespmem:s1+$0x450]  }
0x4a: {  	s9 =	sor.u32 s13, s9;
	v14 =	vld [tilespmem:s1+$0x460]  }
0x4b: {  	v15 =	vld [tilespmem:s1+$0x470];
	[tilespmem:s9+$0x3000] =	vst v16  }
0x4c: {  	v16 =	vld [tilespmem:s11+$0x1810];
	_ =	sdelay $0x4  }
0x4d: {  	[tilespmem:s9+$0x3010] =	vst v16  }
0x4e: {  	v16 =	vld [tilespmem:s11+$0x1820];
	_ =	sdelay $0x4  }
0x4f: {  	[tilespmem:s9+$0x3020] =	vst v16  }
0x50: {  	v16 =	vld [tilespmem:s11+$0x1830];
	_ =	sdelay $0x4  }
0x51: {  	[tilespmem:s9+$0x3030] =	vst v16  }
0x52: {  	v16 =	vld [tilespmem:s11+$0x1840];
	_ =	sdelay $0x4  }
0x53: {  	[tilespmem:s9+$0x3040] =	vst v16  }
0x54: {  	v16 =	vld [tilespmem:s11+$0x1850];
	_ =	sdelay $0x4  }
0x55: {  	[tilespmem:s9+$0x3050] =	vst v16  }
0x56: {  	v16 =	vld [tilespmem:s11+$0x1860];
	_ =	sdelay $0x4  }
0x57: {  	[tilespmem:s9+$0x3060] =	vst v16  }
0x58: {  	v16 =	vld [tilespmem:s11+$0x1870];
	_ =	sdelay $0x4  }
0x59: {  	[tilespmem:s9+$0x3070] =	vst v16  }
0x5a: {  	v16 =	vld [tilespmem:s11+$0x1C00];
	_ =	sdelay $0x4  }
0x5b: {  	[tilespmem:s9+$0x3400] =	vst v16  }
0x5c: {  	v16 =	vld [tilespmem:s11+$0x1C10];
	_ =	sdelay $0x4  }
0x5d: {  	[tilespmem:s9+$0x3410] =	vst v16  }
0x5e: {  	v16 =	vld [tilespmem:s11+$0x1C20];
	_ =	sdelay $0x4  }
0x5f: {  	[tilespmem:s9+$0x3420] =	vst v16  }
0x60: {  	v16 =	vld [tilespmem:s11+$0x1C30];
	_ =	sdelay $0x4  }
0x61: {  	[tilespmem:s9+$0x3430] =	vst v16  }
0x62: {  	v16 =	vld [tilespmem:s11+$0x1C40];
	_ =	sdelay $0x4  }
0x63: {  	[tilespmem:s9+$0x3440] =	vst v16  }
0x64: {  	v16 =	vld [tilespmem:s11+$0x1C50];
	_ =	sdelay $0x4  }
0x65: {  	[tilespmem:s9+$0x3450] =	vst v16  }
0x66: {  	v16 =	vld [tilespmem:s11+$0x1C60];
	_ =	sdelay $0x4  }
0x67: {  	[tilespmem:s9+$0x3460] =	vst v16  }
0x68: {  	v16 =	vld [tilespmem:s11+$0x1C70];
	[tilespmem:s9+$0x3800] =	vst v5  }
0x69: {  	[tilespmem:s9+$0x3810] =	vst v6  }
0x6a: {  	[tilespmem:s9+$0x3820] =	vst v7  }
0x6b: {  	[tilespmem:s9+$0x3830] =	vst v8  }
0x6c: {  	[tilespmem:s9+$0x3840] =	vst v9  }
0x6d: {  	[tilespmem:s9+$0x3850] =	vst v0  }
0x6e: {  	[tilespmem:s9+$0x3860] =	vst v1  }
0x6f: {  	[tilespmem:s9+$0x3870] =	vst v2  }
0x70: {  	[tilespmem:s9+$0x3C00] =	vst v3  }
0x71: {  	[tilespmem:s9+$0x3C10] =	vst v4  }
0x72: {  	[tilespmem:s9+$0x3C20] =	vst v10  }
0x73: {  	[tilespmem:s9+$0x3C30] =	vst v11  }
0x74: {  	[tilespmem:s9+$0x3C40] =	vst v12  }
0x75: {  	s12 =	simm.s32 $0x80;
	[tilespmem:s9+$0x3C50] =	vst v13  }
0x76: {  	s10 =	simm.s32 $0x1;
	s13 =	simm.s32 $0x100;
	s11 =	simm.s32 $0x2;
	[tilespmem:s9+$0x3470] =	vst v16  }
.LBB2_2:
0x77: {  	p0 =	sne.s32 s11, $0x17;
	s14 =	sand.u32 $0x380, s12;
	s13 =	sand.u32 $0x3FFFF800, s13;
	[tilespmem:s9+$0x3C60] =	vst v14  }
0x78: {  	s13 =	sor.u32 s14, s13;
	[tilespmem:s9+$0x3C70] =	vst v15  }
0x79: {  	v16 =	vld [tilespmem:s13+$0x1800];
	_ =	sdelay $0x1  }
0x7a: {  	s9 =	sshll.u32 s10, $0x9;
	s10 =	smov.u32 s11  }
0x7b: {  	s9 =	sand.u32 $0x3FFFF000, s9  }
0x7c: {  	s9 =	sor.u32 s14, s9  }
0x7d: {  	[tilespmem:s9+$0x3000] =	vst v16  }
0x7e: {  	v16 =	vld [tilespmem:s13+$0x1810];
	_ =	sdelay $0x4  }
0x7f: {  	[tilespmem:s9+$0x3010] =	vst v16  }
0x80: {  	v16 =	vld [tilespmem:s13+$0x1820];
	_ =	sdelay $0x4  }
0x81: {  	[tilespmem:s9+$0x3020] =	vst v16  }
0x82: {  	v16 =	vld [tilespmem:s13+$0x1830];
	_ =	sdelay $0x4  }
0x83: {  	[tilespmem:s9+$0x3030] =	vst v16  }
0x84: {  	v16 =	vld [tilespmem:s13+$0x1840];
	_ =	sdelay $0x4  }
0x85: {  	[tilespmem:s9+$0x3040] =	vst v16  }
0x86: {  	v16 =	vld [tilespmem:s13+$0x1850];
	_ =	sdelay $0x4  }
0x87: {  	[tilespmem:s9+$0x3050] =	vst v16  }
0x88: {  	v16 =	vld [tilespmem:s13+$0x1860];
	_ =	sdelay $0x4  }
0x89: {  	[tilespmem:s9+$0x3060] =	vst v16  }
0x8a: {  	v16 =	vld [tilespmem:s13+$0x1870];
	_ =	sdelay $0x4  }
0x8b: {  	[tilespmem:s9+$0x3070] =	vst v16  }
0x8c: {  	v16 =	vld [tilespmem:s13+$0x1C00];
	_ =	sdelay $0x4  }
0x8d: {  	[tilespmem:s9+$0x3400] =	vst v16  }
0x8e: {  	v16 =	vld [tilespmem:s13+$0x1C10];
	_ =	sdelay $0x4  }
0x8f: {  	[tilespmem:s9+$0x3410] =	vst v16  }
0x90: {  	v16 =	vld [tilespmem:s13+$0x1C20];
	_ =	sdelay $0x4  }
0x91: {  	[tilespmem:s9+$0x3420] =	vst v16  }
0x92: {  	v16 =	vld [tilespmem:s13+$0x1C30];
	_ =	sdelay $0x4  }
0x93: {  	[tilespmem:s9+$0x3430] =	vst v16  }
0x94: {  	v16 =	vld [tilespmem:s13+$0x1C40];
	_ =	sdelay $0x4  }
0x95: {  	[tilespmem:s9+$0x3440] =	vst v16  }
0x96: {  	v16 =	vld [tilespmem:s13+$0x1C50];
	_ =	sdelay $0x4  }
0x97: {  	[tilespmem:s9+$0x3450] =	vst v16  }
0x98: {  	v16 =	vld [tilespmem:s13+$0x1C60];
	_ =	sdelay $0x4  }
0x99: {  	[tilespmem:s9+$0x3460] =	vst v16  }
0x9a: {  	v16 =	vld [tilespmem:s13+$0x1C70];
	[tilespmem:s9+$0x3800] =	vst v5  }
0x9b: {  	[tilespmem:s9+$0x3810] =	vst v6  }
0x9c: {  	[tilespmem:s9+$0x3820] =	vst v7  }
0x9d: {  	[tilespmem:s9+$0x3830] =	vst v8  }
0x9e: {  	[tilespmem:s9+$0x3840] =	vst v9  }
0x9f: {  	[tilespmem:s9+$0x3470] =	vst v16  }
0xa0: {  	[tilespmem:s9+$0x3850] =	vst v0  }
0xa1: {  	[tilespmem:s9+$0x3860] =	vst v1  }
0xa2: {  	[tilespmem:s9+$0x3870] =	vst v2  }
0xa3: {  	[tilespmem:s9+$0x3C00] =	vst v3  }
.Ltmp0:
0xa4: {  	[tilespmem:s9+$0x3C10] =	vst v4;
	(pc) =	sbr.rel @p0 .LBB2_2-.Ltmp0, $4  }
0xa5: {  	[tilespmem:s9+$0x3C20] =	vst v10  }
0xa6: {  	[tilespmem:s9+$0x3C30] =	vst v11  }
0xa7: {  	[tilespmem:s9+$0x3C40] =	vst v12  }
0xa8: {  	s12 =	sadd.s32 $0x80, s12;
	s11 =	sadd.s32 $0x1, s11;
	s13 =	sshll.u32 s10, $0x8;
	[tilespmem:s9+$0x3C50] =	vst v13  }
0xa9: {  	s11 =	sand.u32 $0x380, s12;
	s14 =	sand.u32 $0x3FFFF800, s13;
	[tilespmem:s9+$0x3C60] =	vst v14  }
0xaa: {  	[tilespmem:s9+$0x3C70] =	vst v15;
	s12 =	sor.u32 s11, s14  }
0xab: {  	v16 =	vld [tilespmem:s12+$0x1800];
	_ =	sdelay $0x1  }
0xac: {  	s10 =	sshll.u32 s10, $0x9  }
0xad: {  	s9 =	sand.u32 $0x3FFFF000, s10  }
0xae: {  	s9 =	sor.u32 s11, s9  }
0xaf: {  	[tilespmem:s9+$0x3000] =	vst v16  }
0xb0: {  	v16 =	vld [tilespmem:s12+$0x1810];
	_ =	sdelay $0x4  }
0xb1: {  	[tilespmem:s9+$0x3010] =	vst v16  }
0xb2: {  	v16 =	vld [tilespmem:s12+$0x1820];
	_ =	sdelay $0x4  }
0xb3: {  	[tilespmem:s9+$0x3020] =	vst v16  }
0xb4: {  	v16 =	vld [tilespmem:s12+$0x1830];
	_ =	sdelay $0x4  }
0xb5: {  	[tilespmem:s9+$0x3030] =	vst v16  }
0xb6: {  	v16 =	vld [tilespmem:s12+$0x1840];
	_ =	sdelay $0x4  }
0xb7: {  	[tilespmem:s9+$0x3040] =	vst v16  }
0xb8: {  	v16 =	vld [tilespmem:s12+$0x1850];
	_ =	sdelay $0x4  }
0xb9: {  	[tilespmem:s9+$0x3050] =	vst v16  }
0xba: {  	v16 =	vld [tilespmem:s12+$0x1860];
	_ =	sdelay $0x4  }
0xbb: {  	[tilespmem:s9+$0x3060] =	vst v16  }
0xbc: {  	v16 =	vld [tilespmem:s12+$0x1870];
	_ =	sdelay $0x4  }
0xbd: {  	[tilespmem:s9+$0x3070] =	vst v16  }
0xbe: {  	v16 =	vld [tilespmem:s12+$0x1C00];
	_ =	sdelay $0x4  }
0xbf: {  	[tilespmem:s9+$0x3400] =	vst v16  }
0xc0: {  	v16 =	vld [tilespmem:s12+$0x1C10];
	_ =	sdelay $0x4  }
0xc1: {  	[tilespmem:s9+$0x3410] =	vst v16  }
0xc2: {  	v16 =	vld [tilespmem:s12+$0x1C20];
	_ =	sdelay $0x4  }
0xc3: {  	[tilespmem:s9+$0x3420] =	vst v16  }
0xc4: {  	v16 =	vld [tilespmem:s12+$0x1C30];
	_ =	sdelay $0x4  }
0xc5: {  	[tilespmem:s9+$0x3430] =	vst v16  }
0xc6: {  	v16 =	vld [tilespmem:s12+$0x1C40];
	_ =	sdelay $0x4  }
0xc7: {  	[tilespmem:s9+$0x3440] =	vst v16  }
0xc8: {  	v16 =	vld [tilespmem:s12+$0x1C50];
	_ =	sdelay $0x4  }
0xc9: {  	[tilespmem:s9+$0x3450] =	vst v16  }
0xca: {  	v16 =	vld [tilespmem:s12+$0x1C60];
	_ =	sdelay $0x4  }
0xcb: {  	[tilespmem:s9+$0x3460] =	vst v16  }
0xcc: {  	v16 =	vld [tilespmem:s12+$0x1C70];
	[tilespmem:s9+$0x3800] =	vst v5  }
0xcd: {  	[tilespmem:s9+$0x3810] =	vst v6  }
0xce: {  	[tilespmem:s9+$0x3820] =	vst v7  }
0xcf: {  	[tilespmem:s9+$0x3830] =	vst v8  }
0xd0: {  	[tilespmem:s9+$0x3840] =	vst v9  }
0xd1: {  	[tilespmem:s9+$0x3850] =	vst v0  }
0xd2: {  	[tilespmem:s9+$0x3860] =	vst v1  }
0xd3: {  	[tilespmem:s9+$0x3870] =	vst v2  }
0xd4: {  	[tilespmem:s9+$0x3C00] =	vst v3  }
0xd5: {  	[tilespmem:s9+$0x3C10] =	vst v4  }
0xd6: {  	[tilespmem:s9+$0x3C20] =	vst v10  }
0xd7: {  	[tilespmem:s9+$0x3C30] =	vst v11  }
0xd8: {  	[tilespmem:s9+$0x3C40] =	vst v12  }
0xd9: {  	[tilespmem:s9+$0x3C50] =	vst v13  }
0xda: {  	[tilespmem:s9+$0x3C60] =	vst v14  }
0xdb: {  	[tilespmem:s9+$0x3C70] =	vst v15  }
0xdc: {  	s13 =	rddreg [dreg:$0x4];
	[tilespmem:s9+$0x3470] =	vst v16;
	s9 =	simm.s32 $0x0  }
0xdd: {  	[hbm4b:s13+s9] =	stream.linear.scatter [tilespmem:s29], [sflag:$0x1], $0x3000, $0x38;
	[tilespmem:$0xC000] =	vst v63  }
0xde: {  	s14 =	rddreg [dreg:$0x5]  }
0xdf: {  	[hbm4b:s14+s9] =	stream.linear.scatter [tilespmem:s29], [sflag:$0x1], $0x3000, $0x38;
	[tilespmem:$0xC000] =	vst v63  }
0xe0: {  	s11 =	rddreg [dreg:$0x6]  }
0xe1: {  	[hbm4b:s11+s9] =	stream.linear.scatter [tilespmem:s29], [sflag:$0x1], $0x3000, $0x38;
	[tilespmem:$0xC000] =	vst v63  }
0xe2: {  	s12 =	rddreg [dreg:$0x7]  }
0xe3: {  	[hbm4b:s12+s9] =	stream.linear.scatter [tilespmem:s29], [sflag:$0x1], $0x3000, $0x38;
	[tilespmem:$0xC000] =	vst v63  }
0xe4: {  	s13 =	rddreg [dreg:$0x8]  }
0xe5: {  	[hbm4b:s13+s9] =	stream.linear.scatter [tilespmem:s29], [sflag:$0x1], $0x3000, $0x38;
	[tilespmem:$0xC000] =	vst v63  }
0xe6: {  	s14 =	rddreg [dreg:$0x9]  }
0xe7: {  	[hbm4b:s14+s9] =	stream.linear.scatter [tilespmem:s29], [sflag:$0x1], $0x3000, $0x38;
	[tilespmem:$0xC000] =	vst v63  }
0xe8: {  	s11 =	rddreg [dreg:$0xa]  }
0xe9: {  	[hbm4b:s11+s9] =	stream.linear.scatter [tilespmem:s29], [sflag:$0x1], $0x3000, $0x38;
	[tilespmem:$0xC000] =	vst v63  }
0xea: {  	s12 =	rddreg [dreg:$0xb]  }
0xeb: {  	[hbm4b:s12+s9] =	stream.linear.scatter [tilespmem:s29], [sflag:$0x1], $0x3000, $0x38;
	[tilespmem:$0xC000] =	vst v63  }
0xec: {  	v5 =	vld [tilespmem:s2+$0x0]  }
0xed: {  	v6 =	vld [tilespmem:s2+$0x10]  }
0xee: {  	v7 =	vld [tilespmem:s2+$0x20]  }
0xef: {  	v8 =	vld [tilespmem:s2+$0x30]  }
0xf0: {  	v9 =	vld [tilespmem:s2+$0x40]  }
0xf1: {  	v0 =	vld [tilespmem:s2+$0x50]  }
0xf2: {  	v1 =	vld [tilespmem:s2+$0x60]  }
0xf3: {  	v2 =	vld [tilespmem:s2+$0x70]  }
0xf4: {  	s13 =	simm.s32 $0x0;
	v3 =	vld [tilespmem:s2+$0x400]  }
0xf5: {  	s10 =	sand.u32 $0x3FFFF800, s13;
	s9 =	sand.u32 $0x380, s9;
	v4 =	vld [tilespmem:s2+$0x410]  }
0xf6: {  	v10 =	vld [tilespmem:s2+$0x420];
	s10 =	sor.u32 s9, s10  }
0xf7: {  	v16 =	vld [tilespmem:s10+$0x1800]  }
0xf8: {  	v11 =	vld [tilespmem:s2+$0x430]  }
0xf9: {  	s14 =	simm.s32 $0x0;
	v12 =	vld [tilespmem:s2+$0x440]  }
0xfa: {  	s11 =	sand.u32 $0xFFFFF000, s14;
	v13 =	vld [tilespmem:s2+$0x450]  }
0xfb: {  	v14 =	vld [tilespmem:s2+$0x460];
	s9 =	sor.u32 s9, s11  }
0xfc: {  	v15 =	vld [tilespmem:s2+$0x470];
	[tilespmem:s9+$0x6000] =	vst v16  }
0xfd: {  	v16 =	vld [tilespmem:s10+$0x1810];
	_ =	sdelay $0x4  }
0xfe: {  	[tilespmem:s9+$0x6010] =	vst v16  }
0xff: {  	v16 =	vld [tilespmem:s10+$0x1820];
	_ =	sdelay $0x4  }
0x100: {  	[tilespmem:s9+$0x6020] =	vst v16  }
0x101: {  	v16 =	vld [tilespmem:s10+$0x1830];
	_ =	sdelay $0x4  }
0x102: {  	[tilespmem:s9+$0x6030] =	vst v16  }
0x103: {  	v16 =	vld [tilespmem:s10+$0x1840];
	_ =	sdelay $0x4  }
0x104: {  	[tilespmem:s9+$0x6040] =	vst v16  }
0x105: {  	v16 =	vld [tilespmem:s10+$0x1850];
	_ =	sdelay $0x4  }
0x106: {  	[tilespmem:s9+$0x6050] =	vst v16  }
0x107: {  	v16 =	vld [tilespmem:s10+$0x1860];
	_ =	sdelay $0x4  }
0x108: {  	[tilespmem:s9+$0x6060] =	vst v16  }
0x109: {  	v16 =	vld [tilespmem:s10+$0x1870];
	_ =	sdelay $0x4  }
0x10a: {  	[tilespmem:s9+$0x6070] =	vst v16  }
0x10b: {  	v16 =	vld [tilespmem:s10+$0x1C00];
	_ =	sdelay $0x4  }
0x10c: {  	[tilespmem:s9+$0x6400] =	vst v16  }
0x10d: {  	v16 =	vld [tilespmem:s10+$0x1C10];
	_ =	sdelay $0x4  }
0x10e: {  	[tilespmem:s9+$0x6410] =	vst v16  }
0x10f: {  	v16 =	vld [tilespmem:s10+$0x1C20];
	_ =	sdelay $0x4  }
0x110: {  	[tilespmem:s9+$0x6420] =	vst v16  }
0x111: {  	v16 =	vld [tilespmem:s10+$0x1C30];
	_ =	sdelay $0x4  }
0x112: {  	[tilespmem:s9+$0x6430] =	vst v16  }
0x113: {  	v16 =	vld [tilespmem:s10+$0x1C40];
	_ =	sdelay $0x4  }
0x114: {  	[tilespmem:s9+$0x6440] =	vst v16  }
0x115: {  	v16 =	vld [tilespmem:s10+$0x1C50];
	_ =	sdelay $0x4  }
0x116: {  	[tilespmem:s9+$0x6450] =	vst v16  }
0x117: {  	v16 =	vld [tilespmem:s10+$0x1C60];
	_ =	sdelay $0x4  }
0x118: {  	[tilespmem:s9+$0x6460] =	vst v16  }
0x119: {  	v16 =	vld [tilespmem:s10+$0x1C70];
	[tilespmem:s9+$0x6800] =	vst v5  }
0x11a: {  	[tilespmem:s9+$0x6810] =	vst v6  }
0x11b: {  	[tilespmem:s9+$0x6820] =	vst v7  }
0x11c: {  	[tilespmem:s9+$0x6830] =	vst v8  }
0x11d: {  	[tilespmem:s9+$0x6840] =	vst v9  }
0x11e: {  	[tilespmem:s9+$0x6850] =	vst v0  }
0x11f: {  	[tilespmem:s9+$0x6860] =	vst v1  }
0x120: {  	[tilespmem:s9+$0x6870] =	vst v2  }
0x121: {  	[tilespmem:s9+$0x6C00] =	vst v3  }
0x122: {  	[tilespmem:s9+$0x6C10] =	vst v4  }
0x123: {  	[tilespmem:s9+$0x6C20] =	vst v10  }
0x124: {  	[tilespmem:s9+$0x6C30] =	vst v11  }
0x125: {  	[tilespmem:s9+$0x6C40] =	vst v12  }
0x126: {  	s13 =	simm.s32 $0x100;
	[tilespmem:s9+$0x6C50] =	vst v13  }
0x127: {  	s12 =	simm.s32 $0x80;
	s11 =	simm.s32 $0x2;
	s10 =	simm.s32 $0x1;
	[tilespmem:s9+$0x6470] =	vst v16  }
.LBB2_4:
0x128: {  	p0 =	sne.s32 s11, $0x17;
	s14 =	sand.u32 $0x380, s12;
	s13 =	sand.u32 $0x3FFFF800, s13;
	[tilespmem:s9+$0x6C60] =	vst v14  }
0x129: {  	s13 =	sor.u32 s14, s13;
	[tilespmem:s9+$0x6C70] =	vst v15  }
0x12a: {  	v16 =	vld [tilespmem:s13+$0x1800]  }
0x12b: {  	s9 =	sshll.u32 s10, $0xB;
	s10 =	smov.u32 s11  }
0x12c: {  	s9 =	sshra.s32 s9, $0x2  }
0x12d: {  	s9 =	sand.u32 $0xFFFFF000, s9  }
0x12e: {  	s9 =	sor.u32 s14, s9  }
0x12f: {  	[tilespmem:s9+$0x6000] =	vst v16  }
0x130: {  	v16 =	vld [tilespmem:s13+$0x1810];
	_ =	sdelay $0x4  }
0x131: {  	[tilespmem:s9+$0x6010] =	vst v16  }
0x132: {  	v16 =	vld [tilespmem:s13+$0x1820];
	_ =	sdelay $0x4  }
0x133: {  	[tilespmem:s9+$0x6020] =	vst v16  }
0x134: {  	v16 =	vld [tilespmem:s13+$0x1830];
	_ =	sdelay $0x4  }
0x135: {  	[tilespmem:s9+$0x6030] =	vst v16  }
0x136: {  	v16 =	vld [tilespmem:s13+$0x1840];
	_ =	sdelay $0x4  }
0x137: {  	[tilespmem:s9+$0x6040] =	vst v16  }
0x138: {  	v16 =	vld [tilespmem:s13+$0x1850];
	_ =	sdelay $0x4  }
0x139: {  	[tilespmem:s9+$0x6050] =	vst v16  }
0x13a: {  	v16 =	vld [tilespmem:s13+$0x1860];
	_ =	sdelay $0x4  }
0x13b: {  	[tilespmem:s9+$0x6060] =	vst v16  }
0x13c: {  	v16 =	vld [tilespmem:s13+$0x1870];
	_ =	sdelay $0x4  }
0x13d: {  	[tilespmem:s9+$0x6070] =	vst v16  }
0x13e: {  	v16 =	vld [tilespmem:s13+$0x1C00];
	_ =	sdelay $0x4  }
0x13f: {  	[tilespmem:s9+$0x6400] =	vst v16  }
0x140: {  	v16 =	vld [tilespmem:s13+$0x1C10];
	_ =	sdelay $0x4  }
0x141: {  	[tilespmem:s9+$0x6410] =	vst v16  }
0x142: {  	v16 =	vld [tilespmem:s13+$0x1C20];
	_ =	sdelay $0x4  }
0x143: {  	[tilespmem:s9+$0x6420] =	vst v16  }
0x144: {  	v16 =	vld [tilespmem:s13+$0x1C30];
	_ =	sdelay $0x4  }
0x145: {  	[tilespmem:s9+$0x6430] =	vst v16  }
0x146: {  	v16 =	vld [tilespmem:s13+$0x1C40];
	_ =	sdelay $0x4  }
0x147: {  	[tilespmem:s9+$0x6440] =	vst v16  }
0x148: {  	v16 =	vld [tilespmem:s13+$0x1C50];
	_ =	sdelay $0x4  }
0x149: {  	[tilespmem:s9+$0x6450] =	vst v16  }
0x14a: {  	v16 =	vld [tilespmem:s13+$0x1C60];
	_ =	sdelay $0x4  }
0x14b: {  	[tilespmem:s9+$0x6460] =	vst v16  }
0x14c: {  	v16 =	vld [tilespmem:s13+$0x1C70];
	[tilespmem:s9+$0x6800] =	vst v5  }
0x14d: {  	[tilespmem:s9+$0x6810] =	vst v6  }
0x14e: {  	[tilespmem:s9+$0x6820] =	vst v7  }
0x14f: {  	[tilespmem:s9+$0x6830] =	vst v8  }
0x150: {  	[tilespmem:s9+$0x6840] =	vst v9  }
0x151: {  	[tilespmem:s9+$0x6470] =	vst v16  }
0x152: {  	[tilespmem:s9+$0x6850] =	vst v0  }
0x153: {  	[tilespmem:s9+$0x6860] =	vst v1  }
0x154: {  	[tilespmem:s9+$0x6870] =	vst v2  }
0x155: {  	[tilespmem:s9+$0x6C00] =	vst v3  }
.Ltmp1:
0x156: {  	[tilespmem:s9+$0x6C10] =	vst v4;
	(pc) =	sbr.rel @p0 .LBB2_4-.Ltmp1, $4  }
0x157: {  	[tilespmem:s9+$0x6C20] =	vst v10  }
0x158: {  	[tilespmem:s9+$0x6C30] =	vst v11  }
0x159: {  	[tilespmem:s9+$0x6C40] =	vst v12  }
0x15a: {  	s12 =	sadd.s32 $0x80, s12;
	s11 =	sadd.s32 $0x1, s11;
	s13 =	sshll.u32 s10, $0x8;
	[tilespmem:s9+$0x6C50] =	vst v13  }
0x15b: {  	s11 =	sand.u32 $0x380, s12;
	s14 =	sand.u32 $0x3FFFF800, s13;
	[tilespmem:s9+$0x6C60] =	vst v14  }
0x15c: {  	[tilespmem:s9+$0x6C70] =	vst v15;
	s12 =	sor.u32 s11, s14  }
0x15d: {  	v16 =	vld [tilespmem:s12+$0x1800]  }
0x15e: {  	s13 =	sshll.u32 s10, $0xB  }
0x15f: {  	s9 =	sshra.s32 s13, $0x2  }
0x160: {  	s9 =	sand.u32 $0xFFFFF000, s9  }
0x161: {  	s9 =	sor.u32 s11, s9  }
0x162: {  	[tilespmem:s9+$0x6000] =	vst v16  }
0x163: {  	v16 =	vld [tilespmem:s12+$0x1810];
	_ =	sdelay $0x4  }
0x164: {  	[tilespmem:s9+$0x6010] =	vst v16  }
0x165: {  	v16 =	vld [tilespmem:s12+$0x1820];
	_ =	sdelay $0x4  }
0x166: {  	[tilespmem:s9+$0x6020] =	vst v16  }
0x167: {  	v16 =	vld [tilespmem:s12+$0x1830];
	_ =	sdelay $0x4  }
0x168: {  	[tilespmem:s9+$0x6030] =	vst v16  }
0x169: {  	v16 =	vld [tilespmem:s12+$0x1840];
	_ =	sdelay $0x4  }
0x16a: {  	[tilespmem:s9+$0x6040] =	vst v16  }
0x16b: {  	v16 =	vld [tilespmem:s12+$0x1850];
	_ =	sdelay $0x4  }
0x16c: {  	[tilespmem:s9+$0x6050] =	vst v16  }
0x16d: {  	v16 =	vld [tilespmem:s12+$0x1860];
	_ =	sdelay $0x4  }
0x16e: {  	[tilespmem:s9+$0x6060] =	vst v16  }
0x16f: {  	v16 =	vld [tilespmem:s12+$0x1870];
	_ =	sdelay $0x4  }
0x170: {  	[tilespmem:s9+$0x6070] =	vst v16  }
0x171: {  	v16 =	vld [tilespmem:s12+$0x1C00];
	_ =	sdelay $0x4  }
0x172: {  	[tilespmem:s9+$0x6400] =	vst v16  }
0x173: {  	v16 =	vld [tilespmem:s12+$0x1C10];
	_ =	sdelay $0x4  }
0x174: {  	[tilespmem:s9+$0x6410] =	vst v16  }
0x175: {  	v16 =	vld [tilespmem:s12+$0x1C20];
	_ =	sdelay $0x4  }
0x176: {  	[tilespmem:s9+$0x6420] =	vst v16  }
0x177: {  	v16 =	vld [tilespmem:s12+$0x1C30];
	_ =	sdelay $0x4  }
0x178: {  	[tilespmem:s9+$0x6430] =	vst v16  }
0x179: {  	v16 =	vld [tilespmem:s12+$0x1C40];
	_ =	sdelay $0x4  }
0x17a: {  	[tilespmem:s9+$0x6440] =	vst v16  }
0x17b: {  	v16 =	vld [tilespmem:s12+$0x1C50];
	_ =	sdelay $0x4  }
0x17c: {  	[tilespmem:s9+$0x6450] =	vst v16  }
0x17d: {  	v16 =	vld [tilespmem:s12+$0x1C60];
	_ =	sdelay $0x4  }
0x17e: {  	[tilespmem:s9+$0x6460] =	vst v16  }
0x17f: {  	v16 =	vld [tilespmem:s12+$0x1C70];
	[tilespmem:s9+$0x6800] =	vst v5  }
0x180: {  	[tilespmem:s9+$0x6810] =	vst v6  }
0x181: {  	[tilespmem:s9+$0x6820] =	vst v7  }
0x182: {  	[tilespmem:s9+$0x6830] =	vst v8  }
0x183: {  	[tilespmem:s9+$0x6840] =	vst v9  }
0x184: {  	[tilespmem:s9+$0x6850] =	vst v0  }
0x185: {  	[tilespmem:s9+$0x6860] =	vst v1  }
0x186: {  	[tilespmem:s9+$0x6870] =	vst v2  }
0x187: {  	[tilespmem:s9+$0x6C00] =	vst v3  }
0x188: {  	[tilespmem:s9+$0x6C10] =	vst v4  }
0x189: {  	[tilespmem:s9+$0x6C20] =	vst v10  }
0x18a: {  	[tilespmem:s9+$0x6C30] =	vst v11  }
0x18b: {  	[tilespmem:s9+$0x6C40] =	vst v12  }
0x18c: {  	[tilespmem:s9+$0x6C50] =	vst v13  }
0x18d: {  	[tilespmem:s9+$0x6C60] =	vst v14  }
0x18e: {  	[tilespmem:s9+$0x6C70] =	vst v15  }
0x18f: {  	s14 =	simm.s32 $0x0;
	s11 =	rddreg [dreg:$0xc];
	[tilespmem:s9+$0x6470] =	vst v16  }
0x190: {  	[hbm4b:s11+s14] =	stream.linear.scatter [tilespmem:s5], [sflag:$0x1], $0x3000, $0x38;
	[tilespmem:$0xC000] =	vst v63  }
0x191: {  	s12 =	rddreg [dreg:$0xd]  }
0x192: {  	[hbm4b:s12+s14] =	stream.linear.scatter [tilespmem:s5], [sflag:$0x1], $0x3000, $0x38;
	[tilespmem:$0xC000] =	vst v63  }
0x193: {  	_ = 	snop  }
0x194: {  	[hbm4b:s15+s14] =	stream.linear.scatter [tilespmem:s5], [sflag:$0x1], $0x3000, $0x38;
	[tilespmem:$0xC000] =	vst v63  }
0x195: {  	_ = 	snop  }
0x196: {  	[hbm4b:s16+s14] =	stream.linear.scatter [tilespmem:s5], [sflag:$0x1], $0x3000, $0x38;
	[tilespmem:$0xC000] =	vst v63  }
0x197: {  	_ = 	snop  }
0x198: {  	[hbm4b:s17+s14] =	stream.linear.scatter [tilespmem:s5], [sflag:$0x1], $0x3000, $0x38;
	[tilespmem:$0xC000] =	vst v63  }
0x199: {  	_ = 	snop  }
0x19a: {  	[hbm4b:s18+s14] =	stream.linear.scatter [tilespmem:s5], [sflag:$0x1], $0x3000, $0x38;
	[tilespmem:$0xC000] =	vst v63  }
0x19b: {  	_ = 	snop  }
0x19c: {  	[hbm4b:s19+s14] =	stream.linear.scatter [tilespmem:s5], [sflag:$0x1], $0x3000, $0x38;
	[tilespmem:$0xC000] =	vst v63  }
0x19d: {  	_ = 	snop  }
0x19e: {  	[hbm4b:s20+s14] =	stream.linear.scatter [tilespmem:s5], [sflag:$0x1], $0x3000, $0x38;
	[tilespmem:$0xC000] =	vst v63  }
0x19f: {  	v5 =	vld [tilespmem:s3+$0x0]  }
0x1a0: {  	v6 =	vld [tilespmem:s3+$0x10]  }
0x1a1: {  	v7 =	vld [tilespmem:s3+$0x20]  }
0x1a2: {  	v8 =	vld [tilespmem:s3+$0x30]  }
0x1a3: {  	v9 =	vld [tilespmem:s3+$0x40]  }
0x1a4: {  	v0 =	vld [tilespmem:s3+$0x50]  }
0x1a5: {  	v1 =	vld [tilespmem:s3+$0x60]  }
0x1a6: {  	v2 =	vld [tilespmem:s3+$0x70]  }
0x1a7: {  	s13 =	simm.s32 $0x0;
	v3 =	vld [tilespmem:s3+$0x400]  }
0x1a8: {  	s10 =	sand.u32 $0x3FFFF800, s13;
	s9 =	sand.u32 $0x380, s14;
	v4 =	vld [tilespmem:s3+$0x410]  }
0x1a9: {  	s10 =	sor.u32 s9, s10;
	v10 =	vld [tilespmem:s3+$0x420]  }
0x1aa: {  	v16 =	vld [tilespmem:s10+$0x1800]  }
0x1ab: {  	v11 =	vld [tilespmem:s3+$0x430]  }
0x1ac: {  	s14 =	simm.s32 $0x0;
	v12 =	vld [tilespmem:s3+$0x440]  }
0x1ad: {  	v13 =	vld [tilespmem:s3+$0x450];
	s11 =	sand.u32 $0xFFFFF000, s14  }
0x1ae: {  	v14 =	vld [tilespmem:s3+$0x460];
	s9 =	sor.u32 s9, s11  }
0x1af: {  	v15 =	vld [tilespmem:s3+$0x470];
	[tilespmem:s9+$0x9000] =	vst v16  }
0x1b0: {  	v16 =	vld [tilespmem:s10+$0x1810];
	_ =	sdelay $0x4  }
0x1b1: {  	[tilespmem:s9+$0x9010] =	vst v16  }
0x1b2: {  	v16 =	vld [tilespmem:s10+$0x1820];
	_ =	sdelay $0x4  }
0x1b3: {  	[tilespmem:s9+$0x9020] =	vst v16  }
0x1b4: {  	v16 =	vld [tilespmem:s10+$0x1830];
	_ =	sdelay $0x4  }
0x1b5: {  	[tilespmem:s9+$0x9030] =	vst v16  }
0x1b6: {  	v16 =	vld [tilespmem:s10+$0x1840];
	_ =	sdelay $0x4  }
0x1b7: {  	[tilespmem:s9+$0x9040] =	vst v16  }
0x1b8: {  	v16 =	vld [tilespmem:s10+$0x1850];
	_ =	sdelay $0x4  }
0x1b9: {  	[tilespmem:s9+$0x9050] =	vst v16  }
0x1ba: {  	v16 =	vld [tilespmem:s10+$0x1860];
	_ =	sdelay $0x4  }
0x1bb: {  	[tilespmem:s9+$0x9060] =	vst v16  }
0x1bc: {  	v16 =	vld [tilespmem:s10+$0x1870];
	_ =	sdelay $0x4  }
0x1bd: {  	[tilespmem:s9+$0x9070] =	vst v16  }
0x1be: {  	v16 =	vld [tilespmem:s10+$0x1C00];
	_ =	sdelay $0x4  }
0x1bf: {  	[tilespmem:s9+$0x9400] =	vst v16  }
0x1c0: {  	v16 =	vld [tilespmem:s10+$0x1C10];
	_ =	sdelay $0x4  }
0x1c1: {  	[tilespmem:s9+$0x9410] =	vst v16  }
0x1c2: {  	v16 =	vld [tilespmem:s10+$0x1C20];
	_ =	sdelay $0x4  }
0x1c3: {  	[tilespmem:s9+$0x9420] =	vst v16  }
0x1c4: {  	v16 =	vld [tilespmem:s10+$0x1C30];
	_ =	sdelay $0x4  }
0x1c5: {  	[tilespmem:s9+$0x9430] =	vst v16  }
0x1c6: {  	v16 =	vld [tilespmem:s10+$0x1C40];
	_ =	sdelay $0x4  }
0x1c7: {  	[tilespmem:s9+$0x9440] =	vst v16  }
0x1c8: {  	v16 =	vld [tilespmem:s10+$0x1C50];
	_ =	sdelay $0x4  }
0x1c9: {  	[tilespmem:s9+$0x9450] =	vst v16  }
0x1ca: {  	v16 =	vld [tilespmem:s10+$0x1C60];
	_ =	sdelay $0x4  }
0x1cb: {  	[tilespmem:s9+$0x9460] =	vst v16  }
0x1cc: {  	v16 =	vld [tilespmem:s10+$0x1C70];
	[tilespmem:s9+$0x9800] =	vst v5  }
0x1cd: {  	[tilespmem:s9+$0x9810] =	vst v6  }
0x1ce: {  	[tilespmem:s9+$0x9820] =	vst v7  }
0x1cf: {  	[tilespmem:s9+$0x9830] =	vst v8  }
0x1d0: {  	[tilespmem:s9+$0x9840] =	vst v9  }
0x1d1: {  	[tilespmem:s9+$0x9850] =	vst v0  }
0x1d2: {  	[tilespmem:s9+$0x9860] =	vst v1  }
0x1d3: {  	[tilespmem:s9+$0x9870] =	vst v2  }
0x1d4: {  	[tilespmem:s9+$0x9C00] =	vst v3  }
0x1d5: {  	[tilespmem:s9+$0x9C10] =	vst v4  }
0x1d6: {  	[tilespmem:s9+$0x9C20] =	vst v10  }
0x1d7: {  	[tilespmem:s9+$0x9C30] =	vst v11  }
0x1d8: {  	[tilespmem:s9+$0x9C40] =	vst v12  }
0x1d9: {  	s13 =	simm.s32 $0x100;
	[tilespmem:s9+$0x9C50] =	vst v13  }
0x1da: {  	s12 =	simm.s32 $0x80;
	s11 =	simm.s32 $0x2;
	s10 =	simm.s32 $0x1;
	[tilespmem:s9+$0x9470] =	vst v16  }
.LBB2_6:
0x1db: {  	p0 =	sne.s32 s11, $0x17;
	s14 =	sand.u32 $0x380, s12;
	s13 =	sand.u32 $0x3FFFF800, s13;
	[tilespmem:s9+$0x9C60] =	vst v14  }
0x1dc: {  	s13 =	sor.u32 s14, s13;
	[tilespmem:s9+$0x9C70] =	vst v15  }
0x1dd: {  	v16 =	vld [tilespmem:s13+$0x1800]  }
0x1de: {  	s9 =	sshll.u32 s10, $0xB;
	s10 =	smov.u32 s11  }
0x1df: {  	s9 =	sshra.s32 s9, $0x2  }
0x1e0: {  	s9 =	sand.u32 $0xFFFFF000, s9  }
0x1e1: {  	s9 =	sor.u32 s14, s9  }
0x1e2: {  	[tilespmem:s9+$0x9000] =	vst v16  }
0x1e3: {  	v16 =	vld [tilespmem:s13+$0x1810];
	_ =	sdelay $0x4  }
0x1e4: {  	[tilespmem:s9+$0x9010] =	vst v16  }
0x1e5: {  	v16 =	vld [tilespmem:s13+$0x1820];
	_ =	sdelay $0x4  }
0x1e6: {  	[tilespmem:s9+$0x9020] =	vst v16  }
0x1e7: {  	v16 =	vld [tilespmem:s13+$0x1830];
	_ =	sdelay $0x4  }
0x1e8: {  	[tilespmem:s9+$0x9030] =	vst v16  }
0x1e9: {  	v16 =	vld [tilespmem:s13+$0x1840];
	_ =	sdelay $0x4  }
0x1ea: {  	[tilespmem:s9+$0x9040] =	vst v16  }
0x1eb: {  	v16 =	vld [tilespmem:s13+$0x1850];
	_ =	sdelay $0x4  }
0x1ec: {  	[tilespmem:s9+$0x9050] =	vst v16  }
0x1ed: {  	v16 =	vld [tilespmem:s13+$0x1860];
	_ =	sdelay $0x4  }
0x1ee: {  	[tilespmem:s9+$0x9060] =	vst v16  }
0x1ef: {  	v16 =	vld [tilespmem:s13+$0x1870];
	_ =	sdelay $0x4  }
0x1f0: {  	[tilespmem:s9+$0x9070] =	vst v16  }
0x1f1: {  	v16 =	vld [tilespmem:s13+$0x1C00];
	_ =	sdelay $0x4  }
0x1f2: {  	[tilespmem:s9+$0x9400] =	vst v16  }
0x1f3: {  	v16 =	vld [tilespmem:s13+$0x1C10];
	_ =	sdelay $0x4  }
0x1f4: {  	[tilespmem:s9+$0x9410] =	vst v16  }
0x1f5: {  	v16 =	vld [tilespmem:s13+$0x1C20];
	_ =	sdelay $0x4  }
0x1f6: {  	[tilespmem:s9+$0x9420] =	vst v16  }
0x1f7: {  	v16 =	vld [tilespmem:s13+$0x1C30];
	_ =	sdelay $0x4  }
0x1f8: {  	[tilespmem:s9+$0x9430] =	vst v16  }
0x1f9: {  	v16 =	vld [tilespmem:s13+$0x1C40];
	_ =	sdelay $0x4  }
0x1fa: {  	[tilespmem:s9+$0x9440] =	vst v16  }
0x1fb: {  	v16 =	vld [tilespmem:s13+$0x1C50];
	_ =	sdelay $0x4  }
0x1fc: {  	[tilespmem:s9+$0x9450] =	vst v16  }
0x1fd: {  	v16 =	vld [tilespmem:s13+$0x1C60];
	_ =	sdelay $0x4  }
0x1fe: {  	[tilespmem:s9+$0x9460] =	vst v16  }
0x1ff: {  	v16 =	vld [tilespmem:s13+$0x1C70];
	[tilespmem:s9+$0x9800] =	vst v5  }
0x200: {  	[tilespmem:s9+$0x9810] =	vst v6  }
0x201: {  	[tilespmem:s9+$0x9820] =	vst v7  }
0x202: {  	[tilespmem:s9+$0x9830] =	vst v8  }
0x203: {  	[tilespmem:s9+$0x9840] =	vst v9  }
0x204: {  	[tilespmem:s9+$0x9470] =	vst v16  }
0x205: {  	[tilespmem:s9+$0x9850] =	vst v0  }
0x206: {  	[tilespmem:s9+$0x9860] =	vst v1  }
0x207: {  	[tilespmem:s9+$0x9870] =	vst v2  }
0x208: {  	[tilespmem:s9+$0x9C00] =	vst v3  }
.Ltmp2:
0x209: {  	[tilespmem:s9+$0x9C10] =	vst v4;
	(pc) =	sbr.rel @p0 .LBB2_6-.Ltmp2, $4  }
0x20a: {  	[tilespmem:s9+$0x9C20] =	vst v10  }
0x20b: {  	[tilespmem:s9+$0x9C30] =	vst v11  }
0x20c: {  	[tilespmem:s9+$0x9C40] =	vst v12  }
0x20d: {  	s12 =	sadd.s32 $0x80, s12;
	s11 =	sadd.s32 $0x1, s11;
	s13 =	sshll.u32 s10, $0x8;
	[tilespmem:s9+$0x9C50] =	vst v13  }
0x20e: {  	s11 =	sand.u32 $0x380, s12;
	s13 =	sand.u32 $0x3FFFF800, s13;
	[tilespmem:s9+$0x9C60] =	vst v14  }
0x20f: {  	[tilespmem:s9+$0x9C70] =	vst v15;
	s12 =	sor.u32 s11, s13  }
0x210: {  	v16 =	vld [tilespmem:s12+$0x1800]  }
0x211: {  	s14 =	sshll.u32 s10, $0xB  }
0x212: {  	s9 =	sshra.s32 s14, $0x2  }
0x213: {  	s9 =	sand.u32 $0xFFFFF000, s9  }
0x214: {  	s9 =	sor.u32 s11, s9  }
0x215: {  	[tilespmem:s9+$0x9000] =	vst v16  }
0x216: {  	v16 =	vld [tilespmem:s12+$0x1810];
	_ =	sdelay $0x4  }
0x217: {  	[tilespmem:s9+$0x9010] =	vst v16  }
0x218: {  	v16 =	vld [tilespmem:s12+$0x1820];
	_ =	sdelay $0x4  }
0x219: {  	[tilespmem:s9+$0x9020] =	vst v16  }
0x21a: {  	v16 =	vld [tilespmem:s12+$0x1830];
	_ =	sdelay $0x4  }
0x21b: {  	[tilespmem:s9+$0x9030] =	vst v16  }
0x21c: {  	v16 =	vld [tilespmem:s12+$0x1840];
	_ =	sdelay $0x4  }
0x21d: {  	[tilespmem:s9+$0x9040] =	vst v16  }
0x21e: {  	v16 =	vld [tilespmem:s12+$0x1850];
	_ =	sdelay $0x4  }
0x21f: {  	[tilespmem:s9+$0x9050] =	vst v16  }
0x220: {  	v16 =	vld [tilespmem:s12+$0x1860];
	_ =	sdelay $0x4  }
0x221: {  	[tilespmem:s9+$0x9060] =	vst v16  }
0x222: {  	v16 =	vld [tilespmem:s12+$0x1870];
	_ =	sdelay $0x4  }
0x223: {  	[tilespmem:s9+$0x9070] =	vst v16  }
0x224: {  	v16 =	vld [tilespmem:s12+$0x1C00];
	_ =	sdelay $0x4  }
0x225: {  	[tilespmem:s9+$0x9400] =	vst v16  }
0x226: {  	v16 =	vld [tilespmem:s12+$0x1C10];
	_ =	sdelay $0x4  }
0x227: {  	[tilespmem:s9+$0x9410] =	vst v16  }
0x228: {  	v16 =	vld [tilespmem:s12+$0x1C20];
	_ =	sdelay $0x4  }
0x229: {  	[tilespmem:s9+$0x9420] =	vst v16  }
0x22a: {  	v16 =	vld [tilespmem:s12+$0x1C30];
	_ =	sdelay $0x4  }
0x22b: {  	[tilespmem:s9+$0x9430] =	vst v16  }
0x22c: {  	v16 =	vld [tilespmem:s12+$0x1C40];
	_ =	sdelay $0x4  }
0x22d: {  	[tilespmem:s9+$0x9440] =	vst v16  }
0x22e: {  	v16 =	vld [tilespmem:s12+$0x1C50];
	_ =	sdelay $0x4  }
0x22f: {  	[tilespmem:s9+$0x9450] =	vst v16  }
0x230: {  	v16 =	vld [tilespmem:s12+$0x1C60];
	_ =	sdelay $0x4  }
0x231: {  	[tilespmem:s9+$0x9460] =	vst v16  }
0x232: {  	v16 =	vld [tilespmem:s12+$0x1C70];
	[tilespmem:s9+$0x9800] =	vst v5  }
0x233: {  	[tilespmem:s9+$0x9810] =	vst v6  }
0x234: {  	[tilespmem:s9+$0x9820] =	vst v7  }
0x235: {  	[tilespmem:s9+$0x9830] =	vst v8  }
0x236: {  	[tilespmem:s9+$0x9840] =	vst v9  }
0x237: {  	[tilespmem:s9+$0x9850] =	vst v0  }
0x238: {  	[tilespmem:s9+$0x9860] =	vst v1  }
0x239: {  	[tilespmem:s9+$0x9870] =	vst v2  }
0x23a: {  	[tilespmem:s9+$0x9C00] =	vst v3  }
0x23b: {  	[tilespmem:s9+$0x9C10] =	vst v4  }
0x23c: {  	[tilespmem:s9+$0x9C20] =	vst v10  }
0x23d: {  	[tilespmem:s9+$0x9C30] =	vst v11  }
0x23e: {  	[tilespmem:s9+$0x9C40] =	vst v12  }
0x23f: {  	[tilespmem:s9+$0x9C50] =	vst v13  }
0x240: {  	[tilespmem:s9+$0x9C60] =	vst v14  }
0x241: {  	[tilespmem:s9+$0x9C70] =	vst v15  }
0x242: {  	[tilespmem:s9+$0x9470] =	vst v16  }
0x243: {  	[hbm4b:s21+s4] =	stream.linear.scatter [tilespmem:s6], [sflag:$0x1], $0x3000, $0x38;
	[tilespmem:$0xC000] =	vst v63  }
0x244: {  	_ = 	snop  }
0x245: {  	[hbm4b:s22+s4] =	stream.linear.scatter [tilespmem:s6], [sflag:$0x1], $0x3000, $0x38;
	[tilespmem:$0xC000] =	vst v63  }
0x246: {  	_ = 	snop  }
0x247: {  	[hbm4b:s23+s4] =	stream.linear.scatter [tilespmem:s6], [sflag:$0x1], $0x3000, $0x38;
	[tilespmem:$0xC000] =	vst v63  }
0x248: {  	_ = 	snop  }
0x249: {  	[hbm4b:s24+s4] =	stream.linear.scatter [tilespmem:s6], [sflag:$0x1], $0x3000, $0x38;
	[tilespmem:$0xC000] =	vst v63  }
0x24a: {  	_ = 	snop  }
0x24b: {  	[hbm4b:s25+s4] =	stream.linear.scatter [tilespmem:s6], [sflag:$0x1], $0x3000, $0x38;
	[tilespmem:$0xC000] =	vst v63  }
0x24c: {  	_ = 	snop  }
0x24d: {  	[hbm4b:s26+s4] =	stream.linear.scatter [tilespmem:s6], [sflag:$0x1], $0x3000, $0x38;
	[tilespmem:$0xC000] =	vst v63  }
0x24e: {  	_ = 	snop  }
0x24f: {  	[hbm4b:s31+s4] =	stream.linear.scatter [tilespmem:s6], [sflag:$0x1], $0x3000, $0x38;
	[tilespmem:$0xC000] =	vst v63  }
0x250: {  	_ = 	snop  }
0x251: {  	[hbm4b:s28+s4] =	stream.linear.scatter [tilespmem:s6], [sflag:$0x1], $0x3000, $0x38;
	[tilespmem:$0xC000] =	vst v63  }
0x252: {  	_ =	swait.ge [sflag:s7], $0x3000  }
0x253: {  	[sflag:s7] =	ssyncset.done $0x0  }
0x254: {  	[sflag:s7] =	ssyncadd.s32 $0xFFFFD000  }
0x255: {  	_ =	swait.ge [sflag:s7], $0x3000  }
0x256: {  	[sflag:s7] =	ssyncset.done $0x0  }
0x257: {  	[sflag:s7] =	ssyncadd.s32 $0xFFFFD000  }
0x258: {  	_ =	swait.ge [sflag:s7], $0x3000  }
0x259: {  	[sflag:s7] =	ssyncset.done $0x0  }
0x25a: {  	[sflag:s7] =	ssyncadd.s32 $0xFFFFD000  }
0x25b: {  	_ =	swait.ge [sflag:s7], $0x3000  }
0x25c: {  	[sflag:s7] =	ssyncset.done $0x0  }
0x25d: {  	[sflag:s7] =	ssyncadd.s32 $0xFFFFD000  }
0x25e: {  	_ =	swait.ge [sflag:s7], $0x3000  }
0x25f: {  	[sflag:s7] =	ssyncset.done $0x0  }
0x260: {  	[sflag:s7] =	ssyncadd.s32 $0xFFFFD000  }
0x261: {  	_ =	swait.ge [sflag:s7], $0x3000  }
0x262: {  	[sflag:s7] =	ssyncset.done $0x0  }
0x263: {  	[sflag:s7] =	ssyncadd.s32 $0xFFFFD000  }
0x264: {  	_ =	swait.ge [sflag:s7], $0x3000  }
0x265: {  	[sflag:s7] =	ssyncset.done $0x0  }
0x266: {  	[sflag:s7] =	ssyncadd.s32 $0xFFFFD000  }
0x267: {  	_ =	swait.ge [sflag:s7], $0x3000  }
0x268: {  	[sflag:s7] =	ssyncset.done $0x0  }
0x269: {  	[sflag:s7] =	ssyncadd.s32 $0xFFFFD000  }
0x26a: {  	_ =	swait.ge [sflag:s7], $0x3000  }
0x26b: {  	[sflag:s7] =	ssyncset.done $0x0  }
0x26c: {  	[sflag:s7] =	ssyncadd.s32 $0xFFFFD000  }
0x26d: {  	_ =	swait.ge [sflag:s7], $0x3000  }
0x26e: {  	[sflag:s7] =	ssyncset.done $0x0  }
0x26f: {  	[sflag:s7] =	ssyncadd.s32 $0xFFFFD000  }
0x270: {  	_ =	swait.ge [sflag:s7], $0x3000  }
0x271: {  	[sflag:s7] =	ssyncset.done $0x0  }
0x272: {  	[sflag:s7] =	ssyncadd.s32 $0xFFFFD000  }
0x273: {  	_ =	swait.ge [sflag:s7], $0x3000  }
0x274: {  	[sflag:s7] =	ssyncset.done $0x0  }
0x275: {  	[sflag:s7] =	ssyncadd.s32 $0xFFFFD000  }
0x276: {  	_ =	swait.ge [sflag:s7], $0x3000  }
0x277: {  	[sflag:s7] =	ssyncset.done $0x0  }
0x278: {  	[sflag:s7] =	ssyncadd.s32 $0xFFFFD000  }
0x279: {  	_ =	swait.ge [sflag:s7], $0x3000  }
0x27a: {  	[sflag:s7] =	ssyncset.done $0x0  }
0x27b: {  	[sflag:s7] =	ssyncadd.s32 $0xFFFFD000  }
0x27c: {  	_ =	swait.ge [sflag:s7], $0x3000  }
0x27d: {  	[sflag:s7] =	ssyncset.done $0x0  }
0x27e: {  	[sflag:s7] =	ssyncadd.s32 $0xFFFFD000  }
0x27f: {  	_ =	swait.ge [sflag:s7], $0x3000  }
0x280: {  	[sflag:s7] =	ssyncset.done $0x0  }
0x281: {  	[sflag:s7] =	ssyncadd.s32 $0xFFFFD000  }
0x282: {  	_ =	swait.ge [sflag:s7], $0x3000  }
0x283: {  	[sflag:s7] =	ssyncset.done $0x0  }
0x284: {  	[sflag:s7] =	ssyncadd.s32 $0xFFFFD000  }
0x285: {  	_ =	swait.ge [sflag:s7], $0x3000  }
0x286: {  	[sflag:s7] =	ssyncset.done $0x0  }
0x287: {  	[sflag:s7] =	ssyncadd.s32 $0xFFFFD000  }
0x288: {  	_ =	swait.ge [sflag:s7], $0x3000  }
0x289: {  	[sflag:s7] =	ssyncset.done $0x0  }
0x28a: {  	[sflag:s7] =	ssyncadd.s32 $0xFFFFD000  }
0x28b: {  	_ =	swait.ge [sflag:s7], $0x3000  }
0x28c: {  	[sflag:s7] =	ssyncset.done $0x0  }
0x28d: {  	[sflag:s7] =	ssyncadd.s32 $0xFFFFD000  }
0x28e: {  	_ =	swait.ge [sflag:s7], $0x3000  }
0x28f: {  	[sflag:s7] =	ssyncset.done $0x0  }
0x290: {  	[sflag:s7] =	ssyncadd.s32 $0xFFFFD000  }
0x291: {  	_ =	swait.ge [sflag:s7], $0x3000  }
0x292: {  	[sflag:s7] =	ssyncset.done $0x0  }
0x293: {  	s8 =	sadd.s32 $0x1, s8;
	[sflag:s7] =	ssyncadd.s32 $0xFFFFD000  }
0x294: {  	p0 =	sne.s32 s8, s0;
	_ =	swait.ge [sflag:s7], $0x3000  }
.Ltmp3:
0x295: {  	[sflag:s7] =	ssyncset.done $0x0;
	(pc) =	sbr.rel @p0 .LBB2_1-.Ltmp3, $4  }
0x296: {  	[sflag:s7] =	ssyncadd.s32 $0xFFFFD000  }
0x297: {  	_ =	swait.ge [sflag:s7], $0x3000  }
0x298: {  	[sflag:s7] =	ssyncset.done $0x0  }
0x299: {  	[sflag:s7] =	ssyncadd.s32 $0xFFFFD000  }
0x29a: {  	_ =	sfence.sel $0x180000  }
0x29b: {  	[bflag:$0x0] =	sbarrier.arrive $0xFFFF  }
0x29c: {  	_ =	strace $0x90000047  }
0x29d: {  	s0 =	stileid.u32;
	[bflag:$0x2] =	sbarrier.arrive $0xFFFF  }
0x29e: {  	p0 =	sne.s32 s0, $0x0;
	s0 =	rddreg [dreg:$0x3]  }
0x29f: {  	s0 =	sadd.s32 @!p0 $0x100000, s0  }
0x2a0: {  	[sflag:s0] =	ssyncadd.tile.s32 @!p0 $0x1;
	_ =	shalt  }
.Lfunc_end2:
_tile_overlayer_lowered:
.L_overlay_start_2:
0x2a1: {  	(tag) =	ssettag $0x2  }
0x2a2: {  	s0 =	rddreg [dreg:$0x0];
	s2 =	stileid.u32  }
0x2a3: {  	s1 =	rddreg [dreg:$0x1];
	p0 =	sne.s32 s2, $0x0  }
0x2a4: {  	s3 =	rddreg [dreg:$0x2];
	[bflag:$0x3] =	sbarrier.arrive $0xFFFF;
	s2 =	simm.s32 @!p0 $0x1C03  }
0x2a5: {  	[timem:s3], [sflag:s2] =	dma.local @!p0 [hbm:s0], s1  }
0x2a6: {  	s0 =	simm.s32 @!p0 $0x3  }
0x2a7: {  	_ =	swait.ge @!p0 [sflag:s0], s1  }
0x2a8: {  	s1 =	ssub.s32 @!p0 $0x0, s1;
	[sflag:s0] =	ssyncset.done @!p0 $0x0  }
0x2a9: {  	[sflag:s0] =	ssyncadd.s32 @!p0 s1  }
0x2aa: {  	[bflag:$0x3] =	sbarrier.arrive $0xFFFF  }
0x2ab: {  	_ =	shalt  }

</sc_bundles>
